<compile_context>
chip_gen: v7x
topology: tpu7x:2x2x1
jax: 0.10.2.dev20260603
libtpu: 0.0.44.dev20260713+nightly
codegen_flags: <defaults>
</compile_context>

<pallas_src>
import jax
import jax.numpy as jnp
from jax import lax
from jax.experimental import pallas as pl
from jax.experimental.pallas import tpu as pltpu
from jax.experimental.pallas import tpu_sc as plsc

BATCH = 1024
INPUT_DIM = 100000
NUM_RULES = 32768
LANES = 16
NUM_CORES = 2
NUM_SUBCORES = 16
NUM_WORKERS = NUM_CORES * NUM_SUBCORES
RULES_PER_W = NUM_RULES // NUM_WORKERS
KR = 16
NCHUNK = RULES_PER_W // KR
GROUPS = BATCH // LANES


def _sc_body(ft_hbm, idx1_hbm, idx2_hbm, w_hbm, out_hbm,
             i1_v, i2_v, ws_v, scale_v, f1_v, f2_v, o_v, sem_g, sem_o):
    wid = lax.axis_index("s") * NUM_CORES + lax.axis_index("c")
    base = wid * RULES_PER_W

    pltpu.sync_copy(idx1_hbm.at[pl.ds(base, RULES_PER_W)], i1_v)
    pltpu.sync_copy(idx2_hbm.at[pl.ds(base, RULES_PER_W)], i2_v)
    pltpu.sync_copy(w_hbm.at[pl.ds(base, RULES_PER_W)], ws_v)

    @plsc.parallel_loop(0, RULES_PER_W // LANES, unroll=4)
    def s_body(k):
        b = k * LANES
        w = ws_v[pl.ds(b, LANES)]
        scale_v[pl.ds(b, LANES)] = 1.0 / (1.0 + jnp.exp(-w))

    def start_gathers(c, slot):
        i1vec = i1_v[pl.ds(c * KR, KR)]
        i2vec = i2_v[pl.ds(c * KR, KR)]
        pltpu.make_async_copy(ft_hbm.at[i1vec], f1_v[slot], sem_g[slot]).start()
        pltpu.make_async_copy(ft_hbm.at[i2vec], f2_v[slot], sem_g[slot]).start()

    def wait_gathers(slot):
        zeros = i1_v[pl.ds(0, KR)]
        pltpu.make_async_copy(ft_hbm.at[zeros], f1_v[slot], sem_g[slot]).wait()
        pltpu.make_async_copy(ft_hbm.at[zeros], f2_v[slot], sem_g[slot]).wait()

    def wait_out(slot):
        pltpu.make_async_copy(
            o_v[slot], out_hbm.at[pl.ds(0, KR), :], sem_o[slot]).wait()

    start_gathers(0, 0)

    def pair_body(t, carry):
        for sub in range(2):
            c = t * 2 + sub
            slot = sub
            wait_gathers(slot)
            nxt = lax.rem(c + 1, NCHUNK)
            start_gathers(nxt, 1 - slot)

            @pl.when(c >= 2)
            def _():
                wait_out(slot)

            sv = scale_v[pl.ds(c * KR, KR)]
            for rl in range(KR):
                sbc = jax.lax.broadcast(sv[rl], (LANES,))

                @plsc.parallel_loop(0, GROUPS, unroll=4)
                def g_body(g, rl=rl, slot=slot, sbc=sbc):
                    b = g * LANES
                    v1 = f1_v[slot][rl, pl.ds(b, LANES)]
                    v2 = f2_v[slot][rl, pl.ds(b, LANES)]
                    o_v[slot][rl, pl.ds(b, LANES)] = sbc * (v1 * v2)
            pltpu.make_async_copy(
                o_v[slot], out_hbm.at[pl.ds(base + c * KR, KR), :],
                sem_o[slot]).start()
        return carry

    lax.fori_loop(0, NCHUNK // 2, pair_body, 0)

    wait_gathers(0)
    for slot in range(2):
        wait_out(slot)


def kernel(facts, idx, weight):
    idx32 = idx.astype(jnp.int32)
    idx1 = idx32[:, 0]
    idx2 = idx32[:, 1]
    ft = facts.T
    mesh = plsc.VectorSubcoreMesh(core_axis_name="c", subcore_axis_name="s")
    f = pl.kernel(
        _sc_body,
        out_type=jax.ShapeDtypeStruct((NUM_RULES, BATCH), jnp.float32),
        mesh=mesh,
        compiler_params=pltpu.CompilerParams(needs_layout_passes=False),
        scratch_types=[
            pltpu.VMEM((RULES_PER_W,), jnp.int32),
            pltpu.VMEM((RULES_PER_W,), jnp.int32),
            pltpu.VMEM((RULES_PER_W,), jnp.float32),
            pltpu.VMEM((RULES_PER_W,), jnp.float32),
            [pltpu.VMEM((KR, BATCH), jnp.float32)] * 2,
            [pltpu.VMEM((KR, BATCH), jnp.float32)] * 2,
            [pltpu.VMEM((KR, BATCH), jnp.float32)] * 2,
            [pltpu.SemaphoreType.DMA] * 2,
            [pltpu.SemaphoreType.DMA] * 2,
        ],
    )
    out_t = f(ft, idx1, idx2, weight)
    return out_t.T

# --- scband reference (transcript-rebuilt; emitter-appended) ---
"""Pipeline reference for scband-fixed-pair-rule-layer-979252543910 (READ-ONLY COPY).

The authoritative reference and input builder live on the scoring server;
editing this copy changes nothing except your own understanding.
"""

import jax, jax.numpy as jnp
import numpy as np

INPUT_DIM = 100000
NUM_RULES = 32768
BATCH = 1024

def setup_inputs(seed: int = 0) -> dict:
    key = jax.random.key(seed)
    k1, k2, k3 = jax.random.split(key, 3)
    facts = jax.random.normal(k1, (BATCH, INPUT_DIM), dtype=jnp.float32)
    # Replicate FixedPairRuleLayer buffer construction: distinct pair indices per rule
    idx1 = jax.random.randint(k2, (NUM_RULES,), 0, INPUT_DIM)
    offset = jax.random.randint(k3, (NUM_RULES,), 1, INPUT_DIM)
    idx2 = (idx1 + offset) % INPUT_DIM
    idx = jnp.stack([idx1, idx2], axis=1).astype(jnp.int64)
    weight = jnp.ones((NUM_RULES,), dtype=jnp.float32)
    return {"facts": facts, "idx": idx, "weight": weight}

def reference(facts, idx, weight):
    # f1, f2 = facts[:, idx[:,0]], facts[:, idx[:,1]]  -> column gathers
    f1 = jnp.take(facts, idx[:, 0], axis=1)
    f2 = jnp.take(facts, idx[:, 1], axis=1)
    rule_strength = jax.nn.sigmoid(weight)
    return rule_strength * (f1 * f2)

if __name__ == "__main__":
    import jax
    _d = setup_inputs()
    print(jax.jit(kernel)(*tuple(_d.values())))

</pallas_src>

<mosaic_0001>
#map = affine_map<(d0, d1) -> (0, 0)>
#map1 = affine_map<(d0, d1) -> (0)>
module attributes {stable_mosaic.version = 14 : i64} {
  func.func @_sc_body(%arg0: i32, %arg1: i32, %arg2: memref<100000x1024xf32, #tpu.memory_space<hbm>>, %arg3: memref<32768xi32, #tpu.memory_space<hbm>>, %arg4: memref<32768xi32, #tpu.memory_space<hbm>>, %arg5: memref<32768xf32, #tpu.memory_space<hbm>>, %arg6: memref<32768x1024xf32, #tpu.memory_space<hbm>>, %arg7: memref<1024xi32, #tpu.memory_space<vmem>>, %arg8: memref<1024xi32, #tpu.memory_space<vmem>>, %arg9: memref<1024xf32, #tpu.memory_space<vmem>>, %arg10: memref<1024xf32, #tpu.memory_space<vmem>>, %arg11: memref<16x1024xf32, #tpu.memory_space<vmem>>, %arg12: memref<16x1024xf32, #tpu.memory_space<vmem>>, %arg13: memref<16x1024xf32, #tpu.memory_space<vmem>>, %arg14: memref<16x1024xf32, #tpu.memory_space<vmem>>, %arg15: memref<16x1024xf32, #tpu.memory_space<vmem>>, %arg16: memref<16x1024xf32, #tpu.memory_space<vmem>>, %arg17: memref<!tpu.dma_semaphore, #tpu.memory_space<semaphore_mem>>, %arg18: memref<!tpu.dma_semaphore, #tpu.memory_space<semaphore_mem>>, %arg19: memref<!tpu.dma_semaphore, #tpu.memory_space<semaphore_mem>>, %arg20: memref<!tpu.dma_semaphore, #tpu.memory_space<semaphore_mem>>) attributes {dimension_semantics = [#tpu.dimension_semantics<core_parallel>, #tpu.dimension_semantics<subcore_parallel>], iteration_bounds = array<i64: 2, 16>, scalar_prefetch = 0 : i64, scratch_operands = 14 : i64, tpu.core_type = #tpu.core_type<sc_vector_subcore>, window_params = [{transform_indices = #map}, {transform_indices = #map1}, {transform_indices = #map1}, {transform_indices = #map1}, {transform_indices = #map}]} {
    %mul3A = arith.constant 2 : i32
    %mul3A_0 = arith.muli %arg1, %mul3A : i32
    %add3A = arith.addi %mul3A_0, %arg0 : i32
    %mul3A_1 = arith.constant 1024 : i32
    %mul3A_2 = arith.muli %add3A, %mul3A_1 : i32
    "tpu.region"() ({
      %run_scoped3A = tpu.sem_alloc : memref<!tpu.dma_semaphore, #tpu.memory_space<semaphore_mem>>
      %dma_start3A_37 = tpu.memref_slice %arg3[%mul3A_2] : memref<32768xi32, #tpu.memory_space<hbm>> -> memref<1024xi32, #tpu.memory_space<hbm>>
      %dma_start3A_38 = tpu.memref_slice %arg3[%mul3A_2] : memref<32768xi32, #tpu.memory_space<hbm>> -> memref<1024xi32, #tpu.memory_space<hbm>>
      tpu.enqueue_dma source(%dma_start3A_38 : memref<1024xi32, #tpu.memory_space<hbm>>) target(%arg7 : memref<1024xi32, #tpu.memory_space<vmem>>) target_semaphore(%run_scoped3A : memref<!tpu.dma_semaphore, #tpu.memory_space<semaphore_mem>>)
      %dma_wait3A_39 = tpu.memref_slice %arg3[%mul3A_2] : memref<32768xi32, #tpu.memory_space<hbm>> -> memref<1024xi32, #tpu.memory_space<hbm>>
      %dma_wait3A_40 = tpu.memref_slice %arg3[%mul3A_2] : memref<32768xi32, #tpu.memory_space<hbm>> -> memref<1024xi32, #tpu.memory_space<hbm>>
      tpu.wait_dma2 semaphore(%run_scoped3A : memref<!tpu.dma_semaphore, #tpu.memory_space<semaphore_mem>>) src(%dma_wait3A_40 : memref<1024xi32, #tpu.memory_space<hbm>>) dst(%arg7 : memref<1024xi32, #tpu.memory_space<vmem>>)
      tpu.yield
    }) : () -> ()
    "tpu.region"() ({
      %run_scoped3A = tpu.sem_alloc : memref<!tpu.dma_semaphore, #tpu.memory_space<semaphore_mem>>
      %dma_start3A_37 = tpu.memref_slice %arg4[%mul3A_2] : memref<32768xi32, #tpu.memory_space<hbm>> -> memref<1024xi32, #tpu.memory_space<hbm>>
      %dma_start3A_38 = tpu.memref_slice %arg4[%mul3A_2] : memref<32768xi32, #tpu.memory_space<hbm>> -> memref<1024xi32, #tpu.memory_space<hbm>>
      tpu.enqueue_dma source(%dma_start3A_38 : memref<1024xi32, #tpu.memory_space<hbm>>) target(%arg8 : memref<1024xi32, #tpu.memory_space<vmem>>) target_semaphore(%run_scoped3A : memref<!tpu.dma_semaphore, #tpu.memory_space<semaphore_mem>>)
      %dma_wait3A_39 = tpu.memref_slice %arg4[%mul3A_2] : memref<32768xi32, #tpu.memory_space<hbm>> -> memref<1024xi32, #tpu.memory_space<hbm>>
      %dma_wait3A_40 = tpu.memref_slice %arg4[%mul3A_2] : memref<32768xi32, #tpu.memory_space<hbm>> -> memref<1024xi32, #tpu.memory_space<hbm>>
      tpu.wait_dma2 semaphore(%run_scoped3A : memref<!tpu.dma_semaphore, #tpu.memory_space<semaphore_mem>>) src(%dma_wait3A_40 : memref<1024xi32, #tpu.memory_space<hbm>>) dst(%arg8 : memref<1024xi32, #tpu.memory_space<vmem>>)
      tpu.yield
    }) : () -> ()
    "tpu.region"() ({
      %run_scoped3A = tpu.sem_alloc : memref<!tpu.dma_semaphore, #tpu.memory_space<semaphore_mem>>
      %dma_start3A_37 = tpu.memref_slice %arg5[%mul3A_2] : memref<32768xf32, #tpu.memory_space<hbm>> -> memref<1024xf32, #tpu.memory_space<hbm>>
      %dma_start3A_38 = tpu.memref_slice %arg5[%mul3A_2] : memref<32768xf32, #tpu.memory_space<hbm>> -> memref<1024xf32, #tpu.memory_space<hbm>>
      tpu.enqueue_dma source(%dma_start3A_38 : memref<1024xf32, #tpu.memory_space<hbm>>) target(%arg9 : memref<1024xf32, #tpu.memory_space<vmem>>) target_semaphore(%run_scoped3A : memref<!tpu.dma_semaphore, #tpu.memory_space<semaphore_mem>>)
      %dma_wait3A_39 = tpu.memref_slice %arg5[%mul3A_2] : memref<32768xf32, #tpu.memory_space<hbm>> -> memref<1024xf32, #tpu.memory_space<hbm>>
      %dma_wait3A_40 = tpu.memref_slice %arg5[%mul3A_2] : memref<32768xf32, #tpu.memory_space<hbm>> -> memref<1024xf32, #tpu.memory_space<hbm>>
      tpu.wait_dma2 semaphore(%run_scoped3A : memref<!tpu.dma_semaphore, #tpu.memory_space<semaphore_mem>>) src(%dma_wait3A_40 : memref<1024xf32, #tpu.memory_space<hbm>>) dst(%arg9 : memref<1024xf32, #tpu.memory_space<vmem>>)
      tpu.yield
    }) : () -> ()
    %parallel_loop3A = arith.constant 0 : i32
    %parallel_loop3A_3 = arith.constant 64 : i32
    %parallel_loop3A_4 = arith.constant 1 : i32
    scf.for %parallel_loop3A_37 = %parallel_loop3A to %parallel_loop3A_3 step %parallel_loop3A_4  : i32 {
      %parallel_loop3A_38 = arith.constant 16 : i32
      %parallel_loop3A_39 = arith.muli %parallel_loop3A_37, %parallel_loop3A_38 : i32
      %parallel_loop3A_40 = arith.index_cast %parallel_loop3A_39 : i32 to index
      %parallel_loop3A_41 = tpu.vector_load %arg9[%parallel_loop3A_40] {strides = array<i32>} : memref<1024xf32, #tpu.memory_space<vmem>>, vector<16xf32>,
      %parallel_loop3A_42 = arith.constant 0.000000e+00 : f32
      %parallel_loop3A_43 = vector.broadcast %parallel_loop3A_42 : f32 to vector<16xf32>
      %parallel_loop3A_44 = arith.subf %parallel_loop3A_43, %parallel_loop3A_41 : vector<16xf32>
      %parallel_loop3A_45 = math.exp %parallel_loop3A_44 : vector<16xf32>
      %parallel_loop3A_46 = arith.constant 1.000000e+00 : f32
      %parallel_loop3A_47 = vector.broadcast %parallel_loop3A_46 : f32 to vector<16xf32>
      %parallel_loop3A_48 = arith.addf %parallel_loop3A_47, %parallel_loop3A_45 : vector<16xf32>
      %parallel_loop3A_49 = arith.constant 1.000000e+00 : f32
      %parallel_loop3A_50 = vector.broadcast %parallel_loop3A_49 : f32 to vector<16xf32>
      %parallel_loop3A_51 = arith.divf %parallel_loop3A_50, %parallel_loop3A_48 : vector<16xf32>
      %parallel_loop3A_52 = arith.index_cast %parallel_loop3A_39 : i32 to index
      %parallel_loop3A_53 = tpu.vector_load %arg10[%parallel_loop3A_52] {strides = array<i32>} : memref<1024xf32, #tpu.memory_space<vmem>>, vector<16xf32>,
      tpu.vector_store %arg10[%parallel_loop3A_52], %parallel_loop3A_51 {strides = array<i32>} : memref<1024xf32, #tpu.memory_space<vmem>>, vector<16xf32>,
    } {sc.loop_unroll_factor = 4 : i64, sc.parallel_access}
    %get3A = arith.constant 0 : index
    %get3A_5 = tpu.vector_load %arg7[%get3A] {strides = array<i32>} : memref<1024xi32, #tpu.memory_space<vmem>>, vector<16xi32>,
    %get3A_6 = arith.constant 0 : index
    %get3A_7 = tpu.vector_load %arg8[%get3A_6] {strides = array<i32>} : memref<1024xi32, #tpu.memory_space<vmem>>, vector<16xi32>,
    %dma_start3A = arith.constant 0 : i32
    %dma_start3A_8 = arith.constant 0 : i32
    %dma_start3A_9 = tpu.memref_slice %arg2[%dma_start3A, %dma_start3A_8] : memref<100000x1024xf32, #tpu.memory_space<hbm>> -> memref<100000x1024xf32, #tpu.memory_space<hbm>>
    tpu.enqueue_indirect_dma source(%dma_start3A_9 : memref<100000x1024xf32, #tpu.memory_space<hbm>>) target(%arg11 : memref<16x1024xf32, #tpu.memory_space<vmem>>) offsets(%get3A_5 : vector<16xi32>) semaphore(%arg17 : memref<!tpu.dma_semaphore, #tpu.memory_space<semaphore_mem>>)
    %dma_start3A_10 = arith.constant 0 : i32
    %dma_start3A_11 = arith.constant 0 : i32
    %dma_start3A_12 = tpu.memref_slice %arg2[%dma_start3A_10, %dma_start3A_11] : memref<100000x1024xf32, #tpu.memory_space<hbm>> -> memref<100000x1024xf32, #tpu.memory_space<hbm>>
    tpu.enqueue_indirect_dma source(%dma_start3A_12 : memref<100000x1024xf32, #tpu.memory_space<hbm>>) target(%arg13 : memref<16x1024xf32, #tpu.memory_space<vmem>>) offsets(%get3A_7 : vector<16xi32>) semaphore(%arg17 : memref<!tpu.dma_semaphore, #tpu.memory_space<semaphore_mem>>)
    %scan3A = arith.constant 0 : i32
    %scan3A_13 = arith.constant 0 : i32
    %scan3A_14 = arith.constant 32 : i32
    %scan3A_15 = arith.addi %scan3A_13, %scan3A_14 : i32
    %scan3A_16 = arith.constant 1 : i32
    scf.for %scan3A_37 = %scan3A_13 to %scan3A_15 step %scan3A_16  : i32 {
      %mul3A_38 = arith.constant 2 : i32
      %mul3A_39 = arith.muli %scan3A_37, %mul3A_38 : i32
      %add3A_40 = arith.constant 0 : i32
      %add3A_41 = arith.addi %mul3A_39, %add3A_40 : i32
      %get3A_42 = arith.constant 0 : index
      %get3A_43 = tpu.vector_load %arg7[%get3A_42] {strides = array<i32>} : memref<1024xi32, #tpu.memory_space<vmem>>, vector<16xi32>,
      %dma_wait3A_44 = arith.constant 0 : i32
      %dma_wait3A_45 = arith.constant 0 : i32
      %dma_wait3A_46 = tpu.memref_slice %arg2[%dma_wait3A_44, %dma_wait3A_45] : memref<100000x1024xf32, #tpu.memory_space<hbm>> -> memref<100000x1024xf32, #tpu.memory_space<hbm>>
      tpu.wait_indirect_dma semaphore(%arg17 : memref<!tpu.dma_semaphore, #tpu.memory_space<semaphore_mem>>) src(%dma_wait3A_46 : memref<100000x1024xf32, #tpu.memory_space<hbm>>) dst(%arg11 : memref<16x1024xf32, #tpu.memory_space<vmem>>)
      %dma_wait3A_47 = arith.constant 0 : i32
      %dma_wait3A_48 = arith.constant 0 : i32
      %dma_wait3A_49 = tpu.memref_slice %arg2[%dma_wait3A_47, %dma_wait3A_48] : memref<100000x1024xf32, #tpu.memory_space<hbm>> -> memref<100000x1024xf32, #tpu.memory_space<hbm>>
      tpu.wait_indirect_dma semaphore(%arg17 : memref<!tpu.dma_semaphore, #tpu.memory_space<semaphore_mem>>) src(%dma_wait3A_49 : memref<100000x1024xf32, #tpu.memory_space<hbm>>) dst(%arg13 : memref<16x1024xf32, #tpu.memory_space<vmem>>)
      %add3A_50 = arith.constant 1 : i32
      %add3A_51 = arith.addi %add3A_41, %add3A_50 : i32
      %rem3A = arith.constant 64 : i32
      %rem3A_52 = arith.remsi %add3A_51, %rem3A : i32
      %mul3A_53 = arith.constant 16 : i32
      %mul3A_54 = arith.muli %rem3A_52, %mul3A_53 : i32
      %get3A_55 = arith.index_cast %mul3A_54 : i32 to index
      %get3A_56 = tpu.vector_load %arg7[%get3A_55] {strides = array<i32>} : memref<1024xi32, #tpu.memory_space<vmem>>, vector<16xi32>,
      %mul3A_57 = arith.constant 16 : i32
      %mul3A_58 = arith.muli %rem3A_52, %mul3A_57 : i32
      %get3A_59 = arith.index_cast %mul3A_58 : i32 to index
      %get3A_60 = tpu.vector_load %arg8[%get3A_59] {strides = array<i32>} : memref<1024xi32, #tpu.memory_space<vmem>>, vector<16xi32>,
      %dma_start3A_61 = arith.constant 0 : i32
      %dma_start3A_62 = arith.constant 0 : i32
      %dma_start3A_63 = tpu.memref_slice %arg2[%dma_start3A_61, %dma_start3A_62] : memref<100000x1024xf32, #tpu.memory_space<hbm>> -> memref<100000x1024xf32, #tpu.memory_space<hbm>>
      tpu.enqueue_indirect_dma source(%dma_start3A_63 : memref<100000x1024xf32, #tpu.memory_space<hbm>>) target(%arg12 : memref<16x1024xf32, #tpu.memory_space<vmem>>) offsets(%get3A_56 : vector<16xi32>) semaphore(%arg18 : memref<!tpu.dma_semaphore, #tpu.memory_space<semaphore_mem>>)
      %dma_start3A_64 = arith.constant 0 : i32
      %dma_start3A_65 = arith.constant 0 : i32
      %dma_start3A_66 = tpu.memref_slice %arg2[%dma_start3A_64, %dma_start3A_65] : memref<100000x1024xf32, #tpu.memory_space<hbm>> -> memref<100000x1024xf32, #tpu.memory_space<hbm>>
      tpu.enqueue_indirect_dma source(%dma_start3A_66 : memref<100000x1024xf32, #tpu.memory_space<hbm>>) target(%arg14 : memref<16x1024xf32, #tpu.memory_space<vmem>>) offsets(%get3A_60 : vector<16xi32>) semaphore(%arg18 : memref<!tpu.dma_semaphore, #tpu.memory_space<semaphore_mem>>)
      %ge3A = arith.constant 2 : i32
      %ge3A_67 = arith.cmpi sge, %add3A_41, %ge3A : i32
      %convert_element_type3A = arith.extui %ge3A_67 : i1 to i32
      %cond3A = arith.constant 0 : i32
      %cond3A_68 = arith.cmpi ne, %convert_element_type3A, %cond3A : i32
      scf.if %cond3A_68 {
        %dma_wait3A_315 = arith.constant 0 : i32
        %dma_wait3A_316 = arith.constant 0 : i32
        %dma_wait3A_317 = tpu.memref_slice %arg6[%dma_wait3A_315, %dma_wait3A_316] : memref<32768x1024xf32, #tpu.memory_space<hbm>> -> memref<16x1024xf32, #tpu.memory_space<hbm>>
        %dma_wait3A_318 = arith.constant 0 : i32
        %dma_wait3A_319 = arith.constant 0 : i32
        %dma_wait3A_320 = tpu.memref_slice %arg6[%dma_wait3A_318, %dma_wait3A_319] : memref<32768x1024xf32, #tpu.memory_space<hbm>> -> memref<16x1024xf32, #tpu.memory_space<hbm>>
        tpu.wait_dma2 semaphore(%arg19 : memref<!tpu.dma_semaphore, #tpu.memory_space<semaphore_mem>>) src(%arg15 : memref<16x1024xf32, #tpu.memory_space<vmem>>) dst(%dma_wait3A_320 : memref<16x1024xf32, #tpu.memory_space<hbm>>)
      } else {
      }
      %mul3A_69 = arith.constant 16 : i32
      %mul3A_70 = arith.muli %add3A_41, %mul3A_69 : i32
      %get3A_71 = arith.index_cast %mul3A_70 : i32 to index
      %get3A_72 = tpu.vector_load %arg10[%get3A_71] {strides = array<i32>} : memref<1024xf32, #tpu.memory_space<vmem>>, vector<16xf32>,
      %slice3A = vector.extract_strided_slice %get3A_72 {offsets = [0], sizes = [1], strides = [1]} : vector<16xf32> to vector<1xf32>
      %squeeze3A = vector.extract %slice3A[0] : f32 from vector<1xf32>
      %broadcast_in_dim3A = vector.broadcast %squeeze3A : f32 to vector<16xf32>
      %parallel_loop3A_73 = arith.constant 0 : i32
      %parallel_loop3A_74 = arith.constant 64 : i32
      %parallel_loop3A_75 = arith.constant 1 : i32
      scf.for %parallel_loop3A_315 = %parallel_loop3A_73 to %parallel_loop3A_74 step %parallel_loop3A_75  : i32 {
        %parallel_loop3A_316 = arith.constant 16 : i32
        %parallel_loop3A_317 = arith.muli %parallel_loop3A_315, %parallel_loop3A_316 : i32
        %parallel_loop3A_318 = arith.constant 0 : i32
        %parallel_loop3A_319 = arith.index_cast %parallel_loop3A_318 : i32 to index
        %parallel_loop3A_320 = arith.index_cast %parallel_loop3A_317 : i32 to index
        %parallel_loop3A_321 = tpu.vector_load %arg11[%parallel_loop3A_319, %parallel_loop3A_320] {strides = array<i32>} : memref<16x1024xf32, #tpu.memory_space<vmem>>, vector<16xf32>,
        %parallel_loop3A_322 = arith.constant 0 : i32
        %parallel_loop3A_323 = arith.index_cast %parallel_loop3A_322 : i32 to index
        %parallel_loop3A_324 = arith.index_cast %parallel_loop3A_317 : i32 to index
        %parallel_loop3A_325 = tpu.vector_load %arg13[%parallel_loop3A_323, %parallel_loop3A_324] {strides = array<i32>} : memref<16x1024xf32, #tpu.memory_space<vmem>>, vector<16xf32>,
        %parallel_loop3A_326 = arith.mulf %parallel_loop3A_321, %parallel_loop3A_325 : vector<16xf32>
        %parallel_loop3A_327 = arith.mulf %broadcast_in_dim3A, %parallel_loop3A_326 : vector<16xf32>
        %parallel_loop3A_328 = arith.constant 0 : i32
        %parallel_loop3A_329 = arith.index_cast %parallel_loop3A_328 : i32 to index
        %parallel_loop3A_330 = arith.index_cast %parallel_loop3A_317 : i32 to index
        %parallel_loop3A_331 = tpu.vector_load %arg15[%parallel_loop3A_329, %parallel_loop3A_330] {strides = array<i32>} : memref<16x1024xf32, #tpu.memory_space<vmem>>, vector<16xf32>,
        tpu.vector_store %arg15[%parallel_loop3A_329, %parallel_loop3A_330], %parallel_loop3A_327 {strides = array<i32>} : memref<16x1024xf32, #tpu.memory_space<vmem>>, vector<16xf32>,
      } {sc.loop_unroll_factor = 4 : i64, sc.parallel_access}
      %slice3A_76 = vector.extract_strided_slice %get3A_72 {offsets = [1], sizes = [1], strides = [1]} : vector<16xf32> to vector<1xf32>
      %squeeze3A_77 = vector.extract %slice3A_76[0] : f32 from vector<1xf32>
      %broadcast_in_dim3A_78 = vector.broadcast %squeeze3A_77 : f32 to vector<16xf32>
      %parallel_loop3A_79 = arith.constant 0 : i32
      %parallel_loop3A_80 = arith.constant 64 : i32
      %parallel_loop3A_81 = arith.constant 1 : i32
      scf.for %parallel_loop3A_315 = %parallel_loop3A_79 to %parallel_loop3A_80 step %parallel_loop3A_81  : i32 {
        %parallel_loop3A_316 = arith.constant 16 : i32
        %parallel_loop3A_317 = arith.muli %parallel_loop3A_315, %parallel_loop3A_316 : i32
        %parallel_loop3A_318 = arith.constant 1 : i32
        %parallel_loop3A_319 = arith.index_cast %parallel_loop3A_318 : i32 to index
        %parallel_loop3A_320 = arith.index_cast %parallel_loop3A_317 : i32 to index
        %parallel_loop3A_321 = tpu.vector_load %arg11[%parallel_loop3A_319, %parallel_loop3A_320] {strides = array<i32>} : memref<16x1024xf32, #tpu.memory_space<vmem>>, vector<16xf32>,
        %parallel_loop3A_322 = arith.constant 1 : i32
        %parallel_loop3A_323 = arith.index_cast %parallel_loop3A_322 : i32 to index
        %parallel_loop3A_324 = arith.index_cast %parallel_loop3A_317 : i32 to index
        %parallel_loop3A_325 = tpu.vector_load %arg13[%parallel_loop3A_323, %parallel_loop3A_324] {strides = array<i32>} : memref<16x1024xf32, #tpu.memory_space<vmem>>, vector<16xf32>,
        %parallel_loop3A_326 = arith.mulf %parallel_loop3A_321, %parallel_loop3A_325 : vector<16xf32>
        %parallel_loop3A_327 = arith.mulf %broadcast_in_dim3A_78, %parallel_loop3A_326 : vector<16xf32>
        %parallel_loop3A_328 = arith.constant 1 : i32
        %parallel_loop3A_329 = arith.index_cast %parallel_loop3A_328 : i32 to index
        %parallel_loop3A_330 = arith.index_cast %parallel_loop3A_317 : i32 to index
        %parallel_loop3A_331 = tpu.vector_load %arg15[%parallel_loop3A_329, %parallel_loop3A_330] {strides = array<i32>} : memref<16x1024xf32, #tpu.memory_space<vmem>>, vector<16xf32>,
        tpu.vector_store %arg15[%parallel_loop3A_329, %parallel_loop3A_330], %parallel_loop3A_327 {strides = array<i32>} : memref<16x1024xf32, #tpu.memory_space<vmem>>, vector<16xf32>,
      } {sc.loop_unroll_factor = 4 : i64, sc.parallel_access}
      %slice3A_82 = vector.extract_strided_slice %get3A_72 {offsets = [2], sizes = [1], strides = [1]} : vector<16xf32> to vector<1xf32>
      %squeeze3A_83 = vector.extract %slice3A_82[0] : f32 from vector<1xf32>
      %broadcast_in_dim3A_84 = vector.broadcast %squeeze3A_83 : f32 to vector<16xf32>
      %parallel_loop3A_85 = arith.constant 0 : i32
      %parallel_loop3A_86 = arith.constant 64 : i32
      %parallel_loop3A_87 = arith.constant 1 : i32
      scf.for %parallel_loop3A_315 = %parallel_loop3A_85 to %parallel_loop3A_86 step %parallel_loop3A_87  : i32 {
        %parallel_loop3A_316 = arith.constant 16 : i32
        %parallel_loop3A_317 = arith.muli %parallel_loop3A_315, %parallel_loop3A_316 : i32
        %parallel_loop3A_318 = arith.constant 2 : i32
        %parallel_loop3A_319 = arith.index_cast %parallel_loop3A_318 : i32 to index
        %parallel_loop3A_320 = arith.index_cast %parallel_loop3A_317 : i32 to index
        %parallel_loop3A_321 = tpu.vector_load %arg11[%parallel_loop3A_319, %parallel_loop3A_320] {strides = array<i32>} : memref<16x1024xf32, #tpu.memory_space<vmem>>, vector<16xf32>,
        %parallel_loop3A_322 = arith.constant 2 : i32
        %parallel_loop3A_323 = arith.index_cast %parallel_loop3A_322 : i32 to index
        %parallel_loop3A_324 = arith.index_cast %parallel_loop3A_317 : i32 to index
        %parallel_loop3A_325 = tpu.vector_load %arg13[%parallel_loop3A_323, %parallel_loop3A_324] {strides = array<i32>} : memref<16x1024xf32, #tpu.memory_space<vmem>>, vector<16xf32>,
        %parallel_loop3A_326 = arith.mulf %parallel_loop3A_321, %parallel_loop3A_325 : vector<16xf32>
        %parallel_loop3A_327 = arith.mulf %broadcast_in_dim3A_84, %parallel_loop3A_326 : vector<16xf32>
        %parallel_loop3A_328 = arith.constant 2 : i32
        %parallel_loop3A_329 = arith.index_cast %parallel_loop3A_328 : i32 to index
        %parallel_loop3A_330 = arith.index_cast %parallel_loop3A_317 : i32 to index
        %parallel_loop3A_331 = tpu.vector_load %arg15[%parallel_loop3A_329, %parallel_loop3A_330] {strides = array<i32>} : memref<16x1024xf32, #tpu.memory_space<vmem>>, vector<16xf32>,
        tpu.vector_store %arg15[%parallel_loop3A_329, %parallel_loop3A_330], %parallel_loop3A_327 {strides = array<i32>} : memref<16x1024xf32, #tpu.memory_space<vmem>>, vector<16xf32>,
      } {sc.loop_unroll_factor = 4 : i64, sc.parallel_access}
      %slice3A_88 = vector.extract_strided_slice %get3A_72 {offsets = [3], sizes = [1], strides = [1]} : vector<16xf32> to vector<1xf32>
      %squeeze3A_89 = vector.extract %slice3A_88[0] : f32 from vector<1xf32>
      %broadcast_in_dim3A_90 = vector.broadcast %squeeze3A_89 : f32 to vector<16xf32>
      %parallel_loop3A_91 = arith.constant 0 : i32
      %parallel_loop3A_92 = arith.constant 64 : i32
      %parallel_loop3A_93 = arith.constant 1 : i32
      scf.for %parallel_loop3A_315 = %parallel_loop3A_91 to %parallel_loop3A_92 step %parallel_loop3A_93  : i32 {
        %parallel_loop3A_316 = arith.constant 16 : i32
        %parallel_loop3A_317 = arith.muli %parallel_loop3A_315, %parallel_loop3A_316 : i32
        %parallel_loop3A_318 = arith.constant 3 : i32
        %parallel_loop3A_319 = arith.index_cast %parallel_loop3A_318 : i32 to index
        %parallel_loop3A_320 = arith.index_cast %parallel_loop3A_317 : i32 to index
        %parallel_loop3A_321 = tpu.vector_load %arg11[%parallel_loop3A_319, %parallel_loop3A_320] {strides = array<i32>} : memref<16x1024xf32, #tpu.memory_space<vmem>>, vector<16xf32>,
        %parallel_loop3A_322 = arith.constant 3 : i32
        %parallel_loop3A_323 = arith.index_cast %parallel_loop3A_322 : i32 to index
        %parallel_loop3A_324 = arith.index_cast %parallel_loop3A_317 : i32 to index
        %parallel_loop3A_325 = tpu.vector_load %arg13[%parallel_loop3A_323, %parallel_loop3A_324] {strides = array<i32>} : memref<16x1024xf32, #tpu.memory_space<vmem>>, vector<16xf32>,
        %parallel_loop3A_326 = arith.mulf %parallel_loop3A_321, %parallel_loop3A_325 : vector<16xf32>
        %parallel_loop3A_327 = arith.mulf %broadcast_in_dim3A_90, %parallel_loop3A_326 : vector<16xf32>
        %parallel_loop3A_328 = arith.constant 3 : i32
        %parallel_loop3A_329 = arith.index_cast %parallel_loop3A_328 : i32 to index
        %parallel_loop3A_330 = arith.index_cast %parallel_loop3A_317 : i32 to index
        %parallel_loop3A_331 = tpu.vector_load %arg15[%parallel_loop3A_329, %parallel_loop3A_330] {strides = array<i32>} : memref<16x1024xf32, #tpu.memory_space<vmem>>, vector<16xf32>,
        tpu.vector_store %arg15[%parallel_loop3A_329, %parallel_loop3A_330], %parallel_loop3A_327 {strides = array<i32>} : memref<16x1024xf32, #tpu.memory_space<vmem>>, vector<16xf32>,
      } {sc.loop_unroll_factor = 4 : i64, sc.parallel_access}
      %slice3A_94 = vector.extract_strided_slice %get3A_72 {offsets = [4], sizes = [1], strides = [1]} : vector<16xf32> to vector<1xf32>
      %squeeze3A_95 = vector.extract %slice3A_94[0] : f32 from vector<1xf32>
      %broadcast_in_dim3A_96 = vector.broadcast %squeeze3A_95 : f32 to vector<16xf32>
      %parallel_loop3A_97 = arith.constant 0 : i32
      %parallel_loop3A_98 = arith.constant 64 : i32
      %parallel_loop3A_99 = arith.constant 1 : i32
      scf.for %parallel_loop3A_315 = %parallel_loop3A_97 to %parallel_loop3A_98 step %parallel_loop3A_99  : i32 {
        %parallel_loop3A_316 = arith.constant 16 : i32
        %parallel_loop3A_317 = arith.muli %parallel_loop3A_315, %parallel_loop3A_316 : i32
        %parallel_loop3A_318 = arith.constant 4 : i32
        %parallel_loop3A_319 = arith.index_cast %parallel_loop3A_318 : i32 to index
        %parallel_loop3A_320 = arith.index_cast %parallel_loop3A_317 : i32 to index
        %parallel_loop3A_321 = tpu.vector_load %arg11[%parallel_loop3A_319, %parallel_loop3A_320] {strides = array<i32>} : memref<16x1024xf32, #tpu.memory_space<vmem>>, vector<16xf32>,
        %parallel_loop3A_322 = arith.constant 4 : i32
        %parallel_loop3A_323 = arith.index_cast %parallel_loop3A_322 : i32 to index
        %parallel_loop3A_324 = arith.index_cast %parallel_loop3A_317 : i32 to index
        %parallel_loop3A_325 = tpu.vector_load %arg13[%parallel_loop3A_323, %parallel_loop3A_324] {strides = array<i32>} : memref<16x1024xf32, #tpu.memory_space<vmem>>, vector<16xf32>,
        %parallel_loop3A_326 = arith.mulf %parallel_loop3A_321, %parallel_loop3A_325 : vector<16xf32>
        %parallel_loop3A_327 = arith.mulf %broadcast_in_dim3A_96, %parallel_loop3A_326 : vector<16xf32>
        %parallel_loop3A_328 = arith.constant 4 : i32
        %parallel_loop3A_329 = arith.index_cast %parallel_loop3A_328 : i32 to index
        %parallel_loop3A_330 = arith.index_cast %parallel_loop3A_317 : i32 to index
        %parallel_loop3A_331 = tpu.vector_load %arg15[%parallel_loop3A_329, %parallel_loop3A_330] {strides = array<i32>} : memref<16x1024xf32, #tpu.memory_space<vmem>>, vector<16xf32>,
        tpu.vector_store %arg15[%parallel_loop3A_329, %parallel_loop3A_330], %parallel_loop3A_327 {strides = array<i32>} : memref<16x1024xf32, #tpu.memory_space<vmem>>, vector<16xf32>,
      } {sc.loop_unroll_factor = 4 : i64, sc.parallel_access}
      %slice3A_100 = vector.extract_strided_slice %get3A_72 {offsets = [5], sizes = [1], strides = [1]} : vector<16xf32> to vector<1xf32>
      %squeeze3A_101 = vector.extract %slice3A_100[0] : f32 from vector<1xf32>
      %broadcast_in_dim3A_102 = vector.broadcast %squeeze3A_101 : f32 to vector<16xf32>
      %parallel_loop3A_103 = arith.constant 0 : i32
      %parallel_loop3A_104 = arith.constant 64 : i32
      %parallel_loop3A_105 = arith.constant 1 : i32
      scf.for %parallel_loop3A_315 = %parallel_loop3A_103 to %parallel_loop3A_104 step %parallel_loop3A_105  : i32 {
        %parallel_loop3A_316 = arith.constant 16 : i32
        %parallel_loop3A_317 = arith.muli %parallel_loop3A_315, %parallel_loop3A_316 : i32
        %parallel_loop3A_318 = arith.constant 5 : i32
        %parallel_loop3A_319 = arith.index_cast %parallel_loop3A_318 : i32 to index
        %parallel_loop3A_320 = arith.index_cast %parallel_loop3A_317 : i32 to index
        %parallel_loop3A_321 = tpu.vector_load %arg11[%parallel_loop3A_319, %parallel_loop3A_320] {strides = array<i32>} : memref<16x1024xf32, #tpu.memory_space<vmem>>, vector<16xf32>,
        %parallel_loop3A_322 = arith.constant 5 : i32
        %parallel_loop3A_323 = arith.index_cast %parallel_loop3A_322 : i32 to index
        %parallel_loop3A_324 = arith.index_cast %parallel_loop3A_317 : i32 to index
        %parallel_loop3A_325 = tpu.vector_load %arg13[%parallel_loop3A_323, %parallel_loop3A_324] {strides = array<i32>} : memref<16x1024xf32, #tpu.memory_space<vmem>>, vector<16xf32>,
        %parallel_loop3A_326 = arith.mulf %parallel_loop3A_321, %parallel_loop3A_325 : vector<16xf32>
        %parallel_loop3A_327 = arith.mulf %broadcast_in_dim3A_102, %parallel_loop3A_326 : vector<16xf32>
        %parallel_loop3A_328 = arith.constant 5 : i32
        %parallel_loop3A_329 = arith.index_cast %parallel_loop3A_328 : i32 to index
        %parallel_loop3A_330 = arith.index_cast %parallel_loop3A_317 : i32 to index
        %parallel_loop3A_331 = tpu.vector_load %arg15[%parallel_loop3A_329, %parallel_loop3A_330] {strides = array<i32>} : memref<16x1024xf32, #tpu.memory_space<vmem>>, vector<16xf32>,
        tpu.vector_store %arg15[%parallel_loop3A_329, %parallel_loop3A_330], %parallel_loop3A_327 {strides = array<i32>} : memref<16x1024xf32, #tpu.memory_space<vmem>>, vector<16xf32>,
      } {sc.loop_unroll_factor = 4 : i64, sc.parallel_access}
      %slice3A_106 = vector.extract_strided_slice %get3A_72 {offsets = [6], sizes = [1], strides = [1]} : vector<16xf32> to vector<1xf32>
      %squeeze3A_107 = vector.extract %slice3A_106[0] : f32 from vector<1xf32>
      %broadcast_in_dim3A_108 = vector.broadcast %squeeze3A_107 : f32 to vector<16xf32>
      %parallel_loop3A_109 = arith.constant 0 : i32
      %parallel_loop3A_110 = arith.constant 64 : i32
      %parallel_loop3A_111 = arith.constant 1 : i32
      scf.for %parallel_loop3A_315 = %parallel_loop3A_109 to %parallel_loop3A_110 step %parallel_loop3A_111  : i32 {
        %parallel_loop3A_316 = arith.constant 16 : i32
        %parallel_loop3A_317 = arith.muli %parallel_loop3A_315, %parallel_loop3A_316 : i32
        %parallel_loop3A_318 = arith.constant 6 : i32
        %parallel_loop3A_319 = arith.index_cast %parallel_loop3A_318 : i32 to index
        %parallel_loop3A_320 = arith.index_cast %parallel_loop3A_317 : i32 to index
        %parallel_loop3A_321 = tpu.vector_load %arg11[%parallel_loop3A_319, %parallel_loop3A_320] {strides = array<i32>} : memref<16x1024xf32, #tpu.memory_space<vmem>>, vector<16xf32>,
        %parallel_loop3A_322 = arith.constant 6 : i32
        %parallel_loop3A_323 = arith.index_cast %parallel_loop3A_322 : i32 to index
        %parallel_loop3A_324 = arith.index_cast %parallel_loop3A_317 : i32 to index
        %parallel_loop3A_325 = tpu.vector_load %arg13[%parallel_loop3A_323, %parallel_loop3A_324] {strides = array<i32>} : memref<16x1024xf32, #tpu.memory_space<vmem>>, vector<16xf32>,
        %parallel_loop3A_326 = arith.mulf %parallel_loop3A_321, %parallel_loop3A_325 : vector<16xf32>
        %parallel_loop3A_327 = arith.mulf %broadcast_in_dim3A_108, %parallel_loop3A_326 : vector<16xf32>
        %parallel_loop3A_328 = arith.constant 6 : i32
        %parallel_loop3A_329 = arith.index_cast %parallel_loop3A_328 : i32 to index
        %parallel_loop3A_330 = arith.index_cast %parallel_loop3A_317 : i32 to index
        %parallel_loop3A_331 = tpu.vector_load %arg15[%parallel_loop3A_329, %parallel_loop3A_330] {strides = array<i32>} : memref<16x1024xf32, #tpu.memory_space<vmem>>, vector<16xf32>,
        tpu.vector_store %arg15[%parallel_loop3A_329, %parallel_loop3A_330], %parallel_loop3A_327 {strides = array<i32>} : memref<16x1024xf32, #tpu.memory_space<vmem>>, vector<16xf32>,
      } {sc.loop_unroll_factor = 4 : i64, sc.parallel_access}
      %slice3A_112 = vector.extract_strided_slice %get3A_72 {offsets = [7], sizes = [1], strides = [1]} : vector<16xf32> to vector<1xf32>
      %squeeze3A_113 = vector.extract %slice3A_112[0] : f32 from vector<1xf32>
      %broadcast_in_dim3A_114 = vector.broadcast %squeeze3A_113 : f32 to vector<16xf32>
      %parallel_loop3A_115 = arith.constant 0 : i32
      %parallel_loop3A_116 = arith.constant 64 : i32
      %parallel_loop3A_117 = arith.constant 1 : i32
      scf.for %parallel_loop3A_315 = %parallel_loop3A_115 to %parallel_loop3A_116 step %parallel_loop3A_117  : i32 {
        %parallel_loop3A_316 = arith.constant 16 : i32
        %parallel_loop3A_317 = arith.muli %parallel_loop3A_315, %parallel_loop3A_316 : i32
        %parallel_loop3A_318 = arith.constant 7 : i32
        %parallel_loop3A_319 = arith.index_cast %parallel_loop3A_318 : i32 to index
        %parallel_loop3A_320 = arith.index_cast %parallel_loop3A_317 : i32 to index
        %parallel_loop3A_321 = tpu.vector_load %arg11[%parallel_loop3A_319, %parallel_loop3A_320] {strides = array<i32>} : memref<16x1024xf32, #tpu.memory_space<vmem>>, vector<16xf32>,
        %parallel_loop3A_322 = arith.constant 7 : i32
        %parallel_loop3A_323 = arith.index_cast %parallel_loop3A_322 : i32 to index
        %parallel_loop3A_324 = arith.index_cast %parallel_loop3A_317 : i32 to index
        %parallel_loop3A_325 = tpu.vector_load %arg13[%parallel_loop3A_323, %parallel_loop3A_324] {strides = array<i32>} : memref<16x1024xf32, #tpu.memory_space<vmem>>, vector<16xf32>,
        %parallel_loop3A_326 = arith.mulf %parallel_loop3A_321, %parallel_loop3A_325 : vector<16xf32>
        %parallel_loop3A_327 = arith.mulf %broadcast_in_dim3A_114, %parallel_loop3A_326 : vector<16xf32>
        %parallel_loop3A_328 = arith.constant 7 : i32
        %parallel_loop3A_329 = arith.index_cast %parallel_loop3A_328 : i32 to index
        %parallel_loop3A_330 = arith.index_cast %parallel_loop3A_317 : i32 to index
        %parallel_loop3A_331 = tpu.vector_load %arg15[%parallel_loop3A_329, %parallel_loop3A_330] {strides = array<i32>} : memref<16x1024xf32, #tpu.memory_space<vmem>>, vector<16xf32>,
        tpu.vector_store %arg15[%parallel_loop3A_329, %parallel_loop3A_330], %parallel_loop3A_327 {strides = array<i32>} : memref<16x1024xf32, #tpu.memory_space<vmem>>, vector<16xf32>,
      } {sc.loop_unroll_factor = 4 : i64, sc.parallel_access}
      %slice3A_118 = vector.extract_strided_slice %get3A_72 {offsets = [8], sizes = [1], strides = [1]} : vector<16xf32> to vector<1xf32>
      %squeeze3A_119 = vector.extract %slice3A_118[0] : f32 from vector<1xf32>
      %broadcast_in_dim3A_120 = vector.broadcast %squeeze3A_119 : f32 to vector<16xf32>
      %parallel_loop3A_121 = arith.constant 0 : i32
      %parallel_loop3A_122 = arith.constant 64 : i32
      %parallel_loop3A_123 = arith.constant 1 : i32
      scf.for %parallel_loop3A_315 = %parallel_loop3A_121 to %parallel_loop3A_122 step %parallel_loop3A_123  : i32 {
        %parallel_loop3A_316 = arith.constant 16 : i32
        %parallel_loop3A_317 = arith.muli %parallel_loop3A_315, %parallel_loop3A_316 : i32
        %parallel_loop3A_318 = arith.constant 8 : i32
        %parallel_loop3A_319 = arith.index_cast %parallel_loop3A_318 : i32 to index
        %parallel_loop3A_320 = arith.index_cast %parallel_loop3A_317 : i32 to index
        %parallel_loop3A_321 = tpu.vector_load %arg11[%parallel_loop3A_319, %parallel_loop3A_320] {strides = array<i32>} : memref<16x1024xf32, #tpu.memory_space<vmem>>, vector<16xf32>,
        %parallel_loop3A_322 = arith.constant 8 : i32
        %parallel_loop3A_323 = arith.index_cast %parallel_loop3A_322 : i32 to index
        %parallel_loop3A_324 = arith.index_cast %parallel_loop3A_317 : i32 to index
        %parallel_loop3A_325 = tpu.vector_load %arg13[%parallel_loop3A_323, %parallel_loop3A_324] {strides = array<i32>} : memref<16x1024xf32, #tpu.memory_space<vmem>>, vector<16xf32>,
        %parallel_loop3A_326 = arith.mulf %parallel_loop3A_321, %parallel_loop3A_325 : vector<16xf32>
        %parallel_loop3A_327 = arith.mulf %broadcast_in_dim3A_120, %parallel_loop3A_326 : vector<16xf32>
        %parallel_loop3A_328 = arith.constant 8 : i32
        %parallel_loop3A_329 = arith.index_cast %parallel_loop3A_328 : i32 to index
        %parallel_loop3A_330 = arith.index_cast %parallel_loop3A_317 : i32 to index
        %parallel_loop3A_331 = tpu.vector_load %arg15[%parallel_loop3A_329, %parallel_loop3A_330] {strides = array<i32>} : memref<16x1024xf32, #tpu.memory_space<vmem>>, vector<16xf32>,
        tpu.vector_store %arg15[%parallel_loop3A_329, %parallel_loop3A_330], %parallel_loop3A_327 {strides = array<i32>} : memref<16x1024xf32, #tpu.memory_space<vmem>>, vector<16xf32>,
      } {sc.loop_unroll_factor = 4 : i64, sc.parallel_access}
      %slice3A_124 = vector.extract_strided_slice %get3A_72 {offsets = [9], sizes = [1], strides = [1]} : vector<16xf32> to vector<1xf32>
      %squeeze3A_125 = vector.extract %slice3A_124[0] : f32 from vector<1xf32>
      %broadcast_in_dim3A_126 = vector.broadcast %squeeze3A_125 : f32 to vector<16xf32>
      %parallel_loop3A_127 = arith.constant 0 : i32
      %parallel_loop3A_128 = arith.constant 64 : i32
      %parallel_loop3A_129 = arith.constant 1 : i32
      scf.for %parallel_loop3A_315 = %parallel_loop3A_127 to %parallel_loop3A_128 step %parallel_loop3A_129  : i32 {
        %parallel_loop3A_316 = arith.constant 16 : i32
        %parallel_loop3A_317 = arith.muli %parallel_loop3A_315, %parallel_loop3A_316 : i32
        %parallel_loop3A_318 = arith.constant 9 : i32
        %parallel_loop3A_319 = arith.index_cast %parallel_loop3A_318 : i32 to index
        %parallel_loop3A_320 = arith.index_cast %parallel_loop3A_317 : i32 to index
        %parallel_loop3A_321 = tpu.vector_load %arg11[%parallel_loop3A_319, %parallel_loop3A_320] {strides = array<i32>} : memref<16x1024xf32, #tpu.memory_space<vmem>>, vector<16xf32>,
        %parallel_loop3A_322 = arith.constant 9 : i32
        %parallel_loop3A_323 = arith.index_cast %parallel_loop3A_322 : i32 to index
        %parallel_loop3A_324 = arith.index_cast %parallel_loop3A_317 : i32 to index
        %parallel_loop3A_325 = tpu.vector_load %arg13[%parallel_loop3A_323, %parallel_loop3A_324] {strides = array<i32>} : memref<16x1024xf32, #tpu.memory_space<vmem>>, vector<16xf32>,
        %parallel_loop3A_326 = arith.mulf %parallel_loop3A_321, %parallel_loop3A_325 : vector<16xf32>
        %parallel_loop3A_327 = arith.mulf %broadcast_in_dim3A_126, %parallel_loop3A_326 : vector<16xf32>
        %parallel_loop3A_328 = arith.constant 9 : i32
        %parallel_loop3A_329 = arith.index_cast %parallel_loop3A_328 : i32 to index
        %parallel_loop3A_330 = arith.index_cast %parallel_loop3A_317 : i32 to index
        %parallel_loop3A_331 = tpu.vector_load %arg15[%parallel_loop3A_329, %parallel_loop3A_330] {strides = array<i32>} : memref<16x1024xf32, #tpu.memory_space<vmem>>, vector<16xf32>,
        tpu.vector_store %arg15[%parallel_loop3A_329, %parallel_loop3A_330], %parallel_loop3A_327 {strides = array<i32>} : memref<16x1024xf32, #tpu.memory_space<vmem>>, vector<16xf32>,
      } {sc.loop_unroll_factor = 4 : i64, sc.parallel_access}
      %slice3A_130 = vector.extract_strided_slice %get3A_72 {offsets = [10], sizes = [1], strides = [1]} : vector<16xf32> to vector<1xf32>
      %squeeze3A_131 = vector.extract %slice3A_130[0] : f32 from vector<1xf32>
      %broadcast_in_dim3A_132 = vector.broadcast %squeeze3A_131 : f32 to vector<16xf32>
      %parallel_loop3A_133 = arith.constant 0 : i32
      %parallel_loop3A_134 = arith.constant 64 : i32
      %parallel_loop3A_135 = arith.constant 1 : i32
      scf.for %parallel_loop3A_315 = %parallel_loop3A_133 to %parallel_loop3A_134 step %parallel_loop3A_135  : i32 {
        %parallel_loop3A_316 = arith.constant 16 : i32
        %parallel_loop3A_317 = arith.muli %parallel_loop3A_315, %parallel_loop3A_316 : i32
        %parallel_loop3A_318 = arith.constant 10 : i32
        %parallel_loop3A_319 = arith.index_cast %parallel_loop3A_318 : i32 to index
        %parallel_loop3A_320 = arith.index_cast %parallel_loop3A_317 : i32 to index
        %parallel_loop3A_321 = tpu.vector_load %arg11[%parallel_loop3A_319, %parallel_loop3A_320] {strides = array<i32>} : memref<16x1024xf32, #tpu.memory_space<vmem>>, vector<16xf32>,
        %parallel_loop3A_322 = arith.constant 10 : i32
        %parallel_loop3A_323 = arith.index_cast %parallel_loop3A_322 : i32 to index
        %parallel_loop3A_324 = arith.index_cast %parallel_loop3A_317 : i32 to index
        %parallel_loop3A_325 = tpu.vector_load %arg13[%parallel_loop3A_323, %parallel_loop3A_324] {strides = array<i32>} : memref<16x1024xf32, #tpu.memory_space<vmem>>, vector<16xf32>,
        %parallel_loop3A_326 = arith.mulf %parallel_loop3A_321, %parallel_loop3A_325 : vector<16xf32>
        %parallel_loop3A_327 = arith.mulf %broadcast_in_dim3A_132, %parallel_loop3A_326 : vector<16xf32>
        %parallel_loop3A_328 = arith.constant 10 : i32
        %parallel_loop3A_329 = arith.index_cast %parallel_loop3A_328 : i32 to index
        %parallel_loop3A_330 = arith.index_cast %parallel_loop3A_317 : i32 to index
        %parallel_loop3A_331 = tpu.vector_load %arg15[%parallel_loop3A_329, %parallel_loop3A_330] {strides = array<i32>} : memref<16x1024xf32, #tpu.memory_space<vmem>>, vector<16xf32>,
        tpu.vector_store %arg15[%parallel_loop3A_329, %parallel_loop3A_330], %parallel_loop3A_327 {strides = array<i32>} : memref<16x1024xf32, #tpu.memory_space<vmem>>, vector<16xf32>,
      } {sc.loop_unroll_factor = 4 : i64, sc.parallel_access}
      %slice3A_136 = vector.extract_strided_slice %get3A_72 {offsets = [11], sizes = [1], strides = [1]} : vector<16xf32> to vector<1xf32>
      %squeeze3A_137 = vector.extract %slice3A_136[0] : f32 from vector<1xf32>
      %broadcast_in_dim3A_138 = vector.broadcast %squeeze3A_137 : f32 to vector<16xf32>
      %parallel_loop3A_139 = arith.constant 0 : i32
      %parallel_loop3A_140 = arith.constant 64 : i32
      %parallel_loop3A_141 = arith.constant 1 : i32
      scf.for %parallel_loop3A_315 = %parallel_loop3A_139 to %parallel_loop3A_140 step %parallel_loop3A_141  : i32 {
        %parallel_loop3A_316 = arith.constant 16 : i32
        %parallel_loop3A_317 = arith.muli %parallel_loop3A_315, %parallel_loop3A_316 : i32
        %parallel_loop3A_318 = arith.constant 11 : i32
        %parallel_loop3A_319 = arith.index_cast %parallel_loop3A_318 : i32 to index
        %parallel_loop3A_320 = arith.index_cast %parallel_loop3A_317 : i32 to index
        %parallel_loop3A_321 = tpu.vector_load %arg11[%parallel_loop3A_319, %parallel_loop3A_320] {strides = array<i32>} : memref<16x1024xf32, #tpu.memory_space<vmem>>, vector<16xf32>,
        %parallel_loop3A_322 = arith.constant 11 : i32
        %parallel_loop3A_323 = arith.index_cast %parallel_loop3A_322 : i32 to index
        %parallel_loop3A_324 = arith.index_cast %parallel_loop3A_317 : i32 to index
        %parallel_loop3A_325 = tpu.vector_load %arg13[%parallel_loop3A_323, %parallel_loop3A_324] {strides = array<i32>} : memref<16x1024xf32, #tpu.memory_space<vmem>>, vector<16xf32>,
        %parallel_loop3A_326 = arith.mulf %parallel_loop3A_321, %parallel_loop3A_325 : vector<16xf32>
        %parallel_loop3A_327 = arith.mulf %broadcast_in_dim3A_138, %parallel_loop3A_326 : vector<16xf32>
        %parallel_loop3A_328 = arith.constant 11 : i32
        %parallel_loop3A_329 = arith.index_cast %parallel_loop3A_328 : i32 to index
        %parallel_loop3A_330 = arith.index_cast %parallel_loop3A_317 : i32 to index
        %parallel_loop3A_331 = tpu.vector_load %arg15[%parallel_loop3A_329, %parallel_loop3A_330] {strides = array<i32>} : memref<16x1024xf32, #tpu.memory_space<vmem>>, vector<16xf32>,
        tpu.vector_store %arg15[%parallel_loop3A_329, %parallel_loop3A_330], %parallel_loop3A_327 {strides = array<i32>} : memref<16x1024xf32, #tpu.memory_space<vmem>>, vector<16xf32>,
      } {sc.loop_unroll_factor = 4 : i64, sc.parallel_access}
      %slice3A_142 = vector.extract_strided_slice %get3A_72 {offsets = [12], sizes = [1], strides = [1]} : vector<16xf32> to vector<1xf32>
      %squeeze3A_143 = vector.extract %slice3A_142[0] : f32 from vector<1xf32>
      %broadcast_in_dim3A_144 = vector.broadcast %squeeze3A_143 : f32 to vector<16xf32>
      %parallel_loop3A_145 = arith.constant 0 : i32
      %parallel_loop3A_146 = arith.constant 64 : i32
      %parallel_loop3A_147 = arith.constant 1 : i32
      scf.for %parallel_loop3A_315 = %parallel_loop3A_145 to %parallel_loop3A_146 step %parallel_loop3A_147  : i32 {
        %parallel_loop3A_316 = arith.constant 16 : i32
        %parallel_loop3A_317 = arith.muli %parallel_loop3A_315, %parallel_loop3A_316 : i32
        %parallel_loop3A_318 = arith.constant 12 : i32
        %parallel_loop3A_319 = arith.index_cast %parallel_loop3A_318 : i32 to index
        %parallel_loop3A_320 = arith.index_cast %parallel_loop3A_317 : i32 to index
        %parallel_loop3A_321 = tpu.vector_load %arg11[%parallel_loop3A_319, %parallel_loop3A_320] {strides = array<i32>} : memref<16x1024xf32, #tpu.memory_space<vmem>>, vector<16xf32>,
        %parallel_loop3A_322 = arith.constant 12 : i32
        %parallel_loop3A_323 = arith.index_cast %parallel_loop3A_322 : i32 to index
        %parallel_loop3A_324 = arith.index_cast %parallel_loop3A_317 : i32 to index
        %parallel_loop3A_325 = tpu.vector_load %arg13[%parallel_loop3A_323, %parallel_loop3A_324] {strides = array<i32>} : memref<16x1024xf32, #tpu.memory_space<vmem>>, vector<16xf32>,
        %parallel_loop3A_326 = arith.mulf %parallel_loop3A_321, %parallel_loop3A_325 : vector<16xf32>
        %parallel_loop3A_327 = arith.mulf %broadcast_in_dim3A_144, %parallel_loop3A_326 : vector<16xf32>
        %parallel_loop3A_328 = arith.constant 12 : i32
        %parallel_loop3A_329 = arith.index_cast %parallel_loop3A_328 : i32 to index
        %parallel_loop3A_330 = arith.index_cast %parallel_loop3A_317 : i32 to index
        %parallel_loop3A_331 = tpu.vector_load %arg15[%parallel_loop3A_329, %parallel_loop3A_330] {strides = array<i32>} : memref<16x1024xf32, #tpu.memory_space<vmem>>, vector<16xf32>,
        tpu.vector_store %arg15[%parallel_loop3A_329, %parallel_loop3A_330], %parallel_loop3A_327 {strides = array<i32>} : memref<16x1024xf32, #tpu.memory_space<vmem>>, vector<16xf32>,
      } {sc.loop_unroll_factor = 4 : i64, sc.parallel_access}
      %slice3A_148 = vector.extract_strided_slice %get3A_72 {offsets = [13], sizes = [1], strides = [1]} : vector<16xf32> to vector<1xf32>
      %squeeze3A_149 = vector.extract %slice3A_148[0] : f32 from vector<1xf32>
      %broadcast_in_dim3A_150 = vector.broadcast %squeeze3A_149 : f32 to vector<16xf32>
      %parallel_loop3A_151 = arith.constant 0 : i32
      %parallel_loop3A_152 = arith.constant 64 : i32
      %parallel_loop3A_153 = arith.constant 1 : i32
      scf.for %parallel_loop3A_315 = %parallel_loop3A_151 to %parallel_loop3A_152 step %parallel_loop3A_153  : i32 {
        %parallel_loop3A_316 = arith.constant 16 : i32
        %parallel_loop3A_317 = arith.muli %parallel_loop3A_315, %parallel_loop3A_316 : i32
        %parallel_loop3A_318 = arith.constant 13 : i32
        %parallel_loop3A_319 = arith.index_cast %parallel_loop3A_318 : i32 to index
        %parallel_loop3A_320 = arith.index_cast %parallel_loop3A_317 : i32 to index
        %parallel_loop3A_321 = tpu.vector_load %arg11[%parallel_loop3A_319, %parallel_loop3A_320] {strides = array<i32>} : memref<16x1024xf32, #tpu.memory_space<vmem>>, vector<16xf32>,
        %parallel_loop3A_322 = arith.constant 13 : i32
        %parallel_loop3A_323 = arith.index_cast %parallel_loop3A_322 : i32 to index
        %parallel_loop3A_324 = arith.index_cast %parallel_loop3A_317 : i32 to index
        %parallel_loop3A_325 = tpu.vector_load %arg13[%parallel_loop3A_323, %parallel_loop3A_324] {strides = array<i32>} : memref<16x1024xf32, #tpu.memory_space<vmem>>, vector<16xf32>,
        %parallel_loop3A_326 = arith.mulf %parallel_loop3A_321, %parallel_loop3A_325 : vector<16xf32>
        %parallel_loop3A_327 = arith.mulf %broadcast_in_dim3A_150, %parallel_loop3A_326 : vector<16xf32>
        %parallel_loop3A_328 = arith.constant 13 : i32
        %parallel_loop3A_329 = arith.index_cast %parallel_loop3A_328 : i32 to index
        %parallel_loop3A_330 = arith.index_cast %parallel_loop3A_317 : i32 to index
        %parallel_loop3A_331 = tpu.vector_load %arg15[%parallel_loop3A_329, %parallel_loop3A_330] {strides = array<i32>} : memref<16x1024xf32, #tpu.memory_space<vmem>>, vector<16xf32>,
        tpu.vector_store %arg15[%parallel_loop3A_329, %parallel_loop3A_330], %parallel_loop3A_327 {strides = array<i32>} : memref<16x1024xf32, #tpu.memory_space<vmem>>, vector<16xf32>,
      } {sc.loop_unroll_factor = 4 : i64, sc.parallel_access}
      %slice3A_154 = vector.extract_strided_slice %get3A_72 {offsets = [14], sizes = [1], strides = [1]} : vector<16xf32> to vector<1xf32>
      %squeeze3A_155 = vector.extract %slice3A_154[0] : f32 from vector<1xf32>
      %broadcast_in_dim3A_156 = vector.broadcast %squeeze3A_155 : f32 to vector<16xf32>
      %parallel_loop3A_157 = arith.constant 0 : i32
      %parallel_loop3A_158 = arith.constant 64 : i32
      %parallel_loop3A_159 = arith.constant 1 : i32
      scf.for %parallel_loop3A_315 = %parallel_loop3A_157 to %parallel_loop3A_158 step %parallel_loop3A_159  : i32 {
        %parallel_loop3A_316 = arith.constant 16 : i32
        %parallel_loop3A_317 = arith.muli %parallel_loop3A_315, %parallel_loop3A_316 : i32
        %parallel_loop3A_318 = arith.constant 14 : i32
        %parallel_loop3A_319 = arith.index_cast %parallel_loop3A_318 : i32 to index
        %parallel_loop3A_320 = arith.index_cast %parallel_loop3A_317 : i32 to index
        %parallel_loop3A_321 = tpu.vector_load %arg11[%parallel_loop3A_319, %parallel_loop3A_320] {strides = array<i32>} : memref<16x1024xf32, #tpu.memory_space<vmem>>, vector<16xf32>,
        %parallel_loop3A_322 = arith.constant 14 : i32
        %parallel_loop3A_323 = arith.index_cast %parallel_loop3A_322 : i32 to index
        %parallel_loop3A_324 = arith.index_cast %parallel_loop3A_317 : i32 to index
        %parallel_loop3A_325 = tpu.vector_load %arg13[%parallel_loop3A_323, %parallel_loop3A_324] {strides = array<i32>} : memref<16x1024xf32, #tpu.memory_space<vmem>>, vector<16xf32>,
        %parallel_loop3A_326 = arith.mulf %parallel_loop3A_321, %parallel_loop3A_325 : vector<16xf32>
        %parallel_loop3A_327 = arith.mulf %broadcast_in_dim3A_156, %parallel_loop3A_326 : vector<16xf32>
        %parallel_loop3A_328 = arith.constant 14 : i32
        %parallel_loop3A_329 = arith.index_cast %parallel_loop3A_328 : i32 to index
        %parallel_loop3A_330 = arith.index_cast %parallel_loop3A_317 : i32 to index
        %parallel_loop3A_331 = tpu.vector_load %arg15[%parallel_loop3A_329, %parallel_loop3A_330] {strides = array<i32>} : memref<16x1024xf32, #tpu.memory_space<vmem>>, vector<16xf32>,
        tpu.vector_store %arg15[%parallel_loop3A_329, %parallel_loop3A_330], %parallel_loop3A_327 {strides = array<i32>} : memref<16x1024xf32, #tpu.memory_space<vmem>>, vector<16xf32>,
      } {sc.loop_unroll_factor = 4 : i64, sc.parallel_access}
      %slice3A_160 = vector.extract_strided_slice %get3A_72 {offsets = [15], sizes = [1], strides = [1]} : vector<16xf32> to vector<1xf32>
      %squeeze3A_161 = vector.extract %slice3A_160[0] : f32 from vector<1xf32>
      %broadcast_in_dim3A_162 = vector.broadcast %squeeze3A_161 : f32 to vector<16xf32>
      %parallel_loop3A_163 = arith.constant 0 : i32
      %parallel_loop3A_164 = arith.constant 64 : i32
      %parallel_loop3A_165 = arith.constant 1 : i32
      scf.for %parallel_loop3A_315 = %parallel_loop3A_163 to %parallel_loop3A_164 step %parallel_loop3A_165  : i32 {
        %parallel_loop3A_316 = arith.constant 16 : i32
        %parallel_loop3A_317 = arith.muli %parallel_loop3A_315, %parallel_loop3A_316 : i32
        %parallel_loop3A_318 = arith.constant 15 : i32
        %parallel_loop3A_319 = arith.index_cast %parallel_loop3A_318 : i32 to index
        %parallel_loop3A_320 = arith.index_cast %parallel_loop3A_317 : i32 to index
        %parallel_loop3A_321 = tpu.vector_load %arg11[%parallel_loop3A_319, %parallel_loop3A_320] {strides = array<i32>} : memref<16x1024xf32, #tpu.memory_space<vmem>>, vector<16xf32>,
        %parallel_loop3A_322 = arith.constant 15 : i32
        %parallel_loop3A_323 = arith.index_cast %parallel_loop3A_322 : i32 to index
        %parallel_loop3A_324 = arith.index_cast %parallel_loop3A_317 : i32 to index
        %parallel_loop3A_325 = tpu.vector_load %arg13[%parallel_loop3A_323, %parallel_loop3A_324] {strides = array<i32>} : memref<16x1024xf32, #tpu.memory_space<vmem>>, vector<16xf32>,
        %parallel_loop3A_326 = arith.mulf %parallel_loop3A_321, %parallel_loop3A_325 : vector<16xf32>
        %parallel_loop3A_327 = arith.mulf %broadcast_in_dim3A_162, %parallel_loop3A_326 : vector<16xf32>
        %parallel_loop3A_328 = arith.constant 15 : i32
        %parallel_loop3A_329 = arith.index_cast %parallel_loop3A_328 : i32 to index
        %parallel_loop3A_330 = arith.index_cast %parallel_loop3A_317 : i32 to index
        %parallel_loop3A_331 = tpu.vector_load %arg15[%parallel_loop3A_329, %parallel_loop3A_330] {strides = array<i32>} : memref<16x1024xf32, #tpu.memory_space<vmem>>, vector<16xf32>,
        tpu.vector_store %arg15[%parallel_loop3A_329, %parallel_loop3A_330], %parallel_loop3A_327 {strides = array<i32>} : memref<16x1024xf32, #tpu.memory_space<vmem>>, vector<16xf32>,
      } {sc.loop_unroll_factor = 4 : i64, sc.parallel_access}
      %mul3A_166 = arith.constant 16 : i32
      %mul3A_167 = arith.muli %add3A_41, %mul3A_166 : i32
      %add3A_168 = arith.addi %mul3A_2, %mul3A_167 : i32
      %dma_start3A_169 = arith.constant 0 : i32
      %dma_start3A_170 = tpu.memref_slice %arg6[%add3A_168, %dma_start3A_169] : memref<32768x1024xf32, #tpu.memory_space<hbm>> -> memref<16x1024xf32, #tpu.memory_space<hbm>>
      %dma_start3A_171 = arith.constant 0 : i32
      %dma_start3A_172 = tpu.memref_slice %arg6[%add3A_168, %dma_start3A_171] : memref<32768x1024xf32, #tpu.memory_space<hbm>> -> memref<16x1024xf32, #tpu.memory_space<hbm>>
      tpu.enqueue_dma source(%arg15 : memref<16x1024xf32, #tpu.memory_space<vmem>>) target(%dma_start3A_172 : memref<16x1024xf32, #tpu.memory_space<hbm>>) target_semaphore(%arg19 : memref<!tpu.dma_semaphore, #tpu.memory_space<semaphore_mem>>)
      %mul3A_173 = arith.constant 2 : i32
      %mul3A_174 = arith.muli %scan3A_37, %mul3A_173 : i32
      %add3A_175 = arith.constant 1 : i32
      %add3A_176 = arith.addi %mul3A_174, %add3A_175 : i32
      %get3A_177 = arith.constant 0 : index
      %get3A_178 = tpu.vector_load %arg7[%get3A_177] {strides = array<i32>} : memref<1024xi32, #tpu.memory_space<vmem>>, vector<16xi32>,
      %dma_wait3A_179 = arith.constant 0 : i32
      %dma_wait3A_180 = arith.constant 0 : i32
      %dma_wait3A_181 = tpu.memref_slice %arg2[%dma_wait3A_179, %dma_wait3A_180] : memref<100000x1024xf32, #tpu.memory_space<hbm>> -> memref<100000x1024xf32, #tpu.memory_space<hbm>>
      tpu.wait_indirect_dma semaphore(%arg18 : memref<!tpu.dma_semaphore, #tpu.memory_space<semaphore_mem>>) src(%dma_wait3A_181 : memref<100000x1024xf32, #tpu.memory_space<hbm>>) dst(%arg12 : memref<16x1024xf32, #tpu.memory_space<vmem>>)
      %dma_wait3A_182 = arith.constant 0 : i32
      %dma_wait3A_183 = arith.constant 0 : i32
      %dma_wait3A_184 = tpu.memref_slice %arg2[%dma_wait3A_182, %dma_wait3A_183] : memref<100000x1024xf32, #tpu.memory_space<hbm>> -> memref<100000x1024xf32, #tpu.memory_space<hbm>>
      tpu.wait_indirect_dma semaphore(%arg18 : memref<!tpu.dma_semaphore, #tpu.memory_space<semaphore_mem>>) src(%dma_wait3A_184 : memref<100000x1024xf32, #tpu.memory_space<hbm>>) dst(%arg14 : memref<16x1024xf32, #tpu.memory_space<vmem>>)
      %add3A_185 = arith.constant 1 : i32
      %add3A_186 = arith.addi %add3A_176, %add3A_185 : i32
      %rem3A_187 = arith.constant 64 : i32
      %rem3A_188 = arith.remsi %add3A_186, %rem3A_187 : i32
      %mul3A_189 = arith.constant 16 : i32
      %mul3A_190 = arith.muli %rem3A_188, %mul3A_189 : i32
      %get3A_191 = arith.index_cast %mul3A_190 : i32 to index
      %get3A_192 = tpu.vector_load %arg7[%get3A_191] {strides = array<i32>} : memref<1024xi32, #tpu.memory_space<vmem>>, vector<16xi32>,
      %mul3A_193 = arith.constant 16 : i32
      %mul3A_194 = arith.muli %rem3A_188, %mul3A_193 : i32
      %get3A_195 = arith.index_cast %mul3A_194 : i32 to index
      %get3A_196 = tpu.vector_load %arg8[%get3A_195] {strides = array<i32>} : memref<1024xi32, #tpu.memory_space<vmem>>, vector<16xi32>,
      %dma_start3A_197 = arith.constant 0 : i32
      %dma_start3A_198 = arith.constant 0 : i32
      %dma_start3A_199 = tpu.memref_slice %arg2[%dma_start3A_197, %dma_start3A_198] : memref<100000x1024xf32, #tpu.memory_space<hbm>> -> memref<100000x1024xf32, #tpu.memory_space<hbm>>
      tpu.enqueue_indirect_dma source(%dma_start3A_199 : memref<100000x1024xf32, #tpu.memory_space<hbm>>) target(%arg11 : memref<16x1024xf32, #tpu.memory_space<vmem>>) offsets(%get3A_192 : vector<16xi32>) semaphore(%arg17 : memref<!tpu.dma_semaphore, #tpu.memory_space<semaphore_mem>>)
      %dma_start3A_200 = arith.constant 0 : i32
      %dma_start3A_201 = arith.constant 0 : i32
      %dma_start3A_202 = tpu.memref_slice %arg2[%dma_start3A_200, %dma_start3A_201] : memref<100000x1024xf32, #tpu.memory_space<hbm>> -> memref<100000x1024xf32, #tpu.memory_space<hbm>>
      tpu.enqueue_indirect_dma source(%dma_start3A_202 : memref<100000x1024xf32, #tpu.memory_space<hbm>>) target(%arg13 : memref<16x1024xf32, #tpu.memory_space<vmem>>) offsets(%get3A_196 : vector<16xi32>) semaphore(%arg17 : memref<!tpu.dma_semaphore, #tpu.memory_space<semaphore_mem>>)
      %ge3A_203 = arith.constant 2 : i32
      %ge3A_204 = arith.cmpi sge, %add3A_176, %ge3A_203 : i32
      %convert_element_type3A_205 = arith.extui %ge3A_204 : i1 to i32
      %cond3A_206 = arith.constant 0 : i32
      %cond3A_207 = arith.cmpi ne, %convert_element_type3A_205, %cond3A_206 : i32
      scf.if %cond3A_207 {
        %dma_wait3A_315 = arith.constant 0 : i32
        %dma_wait3A_316 = arith.constant 0 : i32
        %dma_wait3A_317 = tpu.memref_slice %arg6[%dma_wait3A_315, %dma_wait3A_316] : memref<32768x1024xf32, #tpu.memory_space<hbm>> -> memref<16x1024xf32, #tpu.memory_space<hbm>>
        %dma_wait3A_318 = arith.constant 0 : i32
        %dma_wait3A_319 = arith.constant 0 : i32
        %dma_wait3A_320 = tpu.memref_slice %arg6[%dma_wait3A_318, %dma_wait3A_319] : memref<32768x1024xf32, #tpu.memory_space<hbm>> -> memref<16x1024xf32, #tpu.memory_space<hbm>>
        tpu.wait_dma2 semaphore(%arg20 : memref<!tpu.dma_semaphore, #tpu.memory_space<semaphore_mem>>) src(%arg16 : memref<16x1024xf32, #tpu.memory_space<vmem>>) dst(%dma_wait3A_320 : memref<16x1024xf32, #tpu.memory_space<hbm>>)
      } else {
      }
      %mul3A_208 = arith.constant 16 : i32
      %mul3A_209 = arith.muli %add3A_176, %mul3A_208 : i32
      %get3A_210 = arith.index_cast %mul3A_209 : i32 to index
      %get3A_211 = tpu.vector_load %arg10[%get3A_210] {strides = array<i32>} : memref<1024xf32, #tpu.memory_space<vmem>>, vector<16xf32>,
      %slice3A_212 = vector.extract_strided_slice %get3A_211 {offsets = [0], sizes = [1], strides = [1]} : vector<16xf32> to vector<1xf32>
      %squeeze3A_213 = vector.extract %slice3A_212[0] : f32 from vector<1xf32>
      %broadcast_in_dim3A_214 = vector.broadcast %squeeze3A_213 : f32 to vector<16xf32>
      %parallel_loop3A_215 = arith.constant 0 : i32
      %parallel_loop3A_216 = arith.constant 64 : i32
      %parallel_loop3A_217 = arith.constant 1 : i32
      scf.for %parallel_loop3A_315 = %parallel_loop3A_215 to %parallel_loop3A_216 step %parallel_loop3A_217  : i32 {
        %parallel_loop3A_316 = arith.constant 16 : i32
        %parallel_loop3A_317 = arith.muli %parallel_loop3A_315, %parallel_loop3A_316 : i32
        %parallel_loop3A_318 = arith.constant 0 : i32
        %parallel_loop3A_319 = arith.index_cast %parallel_loop3A_318 : i32 to index
        %parallel_loop3A_320 = arith.index_cast %parallel_loop3A_317 : i32 to index
        %parallel_loop3A_321 = tpu.vector_load %arg12[%parallel_loop3A_319, %parallel_loop3A_320] {strides = array<i32>} : memref<16x1024xf32, #tpu.memory_space<vmem>>, vector<16xf32>,
        %parallel_loop3A_322 = arith.constant 0 : i32
        %parallel_loop3A_323 = arith.index_cast %parallel_loop3A_322 : i32 to index
        %parallel_loop3A_324 = arith.index_cast %parallel_loop3A_317 : i32 to index
        %parallel_loop3A_325 = tpu.vector_load %arg14[%parallel_loop3A_323, %parallel_loop3A_324] {strides = array<i32>} : memref<16x1024xf32, #tpu.memory_space<vmem>>, vector<16xf32>,
        %parallel_loop3A_326 = arith.mulf %parallel_loop3A_321, %parallel_loop3A_325 : vector<16xf32>
        %parallel_loop3A_327 = arith.mulf %broadcast_in_dim3A_214, %parallel_loop3A_326 : vector<16xf32>
        %parallel_loop3A_328 = arith.constant 0 : i32
        %parallel_loop3A_329 = arith.index_cast %parallel_loop3A_328 : i32 to index
        %parallel_loop3A_330 = arith.index_cast %parallel_loop3A_317 : i32 to index
        %parallel_loop3A_331 = tpu.vector_load %arg16[%parallel_loop3A_329, %parallel_loop3A_330] {strides = array<i32>} : memref<16x1024xf32, #tpu.memory_space<vmem>>, vector<16xf32>,
        tpu.vector_store %arg16[%parallel_loop3A_329, %parallel_loop3A_330], %parallel_loop3A_327 {strides = array<i32>} : memref<16x1024xf32, #tpu.memory_space<vmem>>, vector<16xf32>,
      } {sc.loop_unroll_factor = 4 : i64, sc.parallel_access}
      %slice3A_218 = vector.extract_strided_slice %get3A_211 {offsets = [1], sizes = [1], strides = [1]} : vector<16xf32> to vector<1xf32>
      %squeeze3A_219 = vector.extract %slice3A_218[0] : f32 from vector<1xf32>
      %broadcast_in_dim3A_220 = vector.broadcast %squeeze3A_219 : f32 to vector<16xf32>
      %parallel_loop3A_221 = arith.constant 0 : i32
      %parallel_loop3A_222 = arith.constant 64 : i32
      %parallel_loop3A_223 = arith.constant 1 : i32
      scf.for %parallel_loop3A_315 = %parallel_loop3A_221 to %parallel_loop3A_222 step %parallel_loop3A_223  : i32 {
        %parallel_loop3A_316 = arith.constant 16 : i32
        %parallel_loop3A_317 = arith.muli %parallel_loop3A_315, %parallel_loop3A_316 : i32
        %parallel_loop3A_318 = arith.constant 1 : i32
        %parallel_loop3A_319 = arith.index_cast %parallel_loop3A_318 : i32 to index
        %parallel_loop3A_320 = arith.index_cast %parallel_loop3A_317 : i32 to index
        %parallel_loop3A_321 = tpu.vector_load %arg12[%parallel_loop3A_319, %parallel_loop3A_320] {strides = array<i32>} : memref<16x1024xf32, #tpu.memory_space<vmem>>, vector<16xf32>,
        %parallel_loop3A_322 = arith.constant 1 : i32
        %parallel_loop3A_323 = arith.index_cast %parallel_loop3A_322 : i32 to index
        %parallel_loop3A_324 = arith.index_cast %parallel_loop3A_317 : i32 to index
        %parallel_loop3A_325 = tpu.vector_load %arg14[%parallel_loop3A_323, %parallel_loop3A_324] {strides = array<i32>} : memref<16x1024xf32, #tpu.memory_space<vmem>>, vector<16xf32>,
        %parallel_loop3A_326 = arith.mulf %parallel_loop3A_321, %parallel_loop3A_325 : vector<16xf32>
        %parallel_loop3A_327 = arith.mulf %broadcast_in_dim3A_220, %parallel_loop3A_326 : vector<16xf32>
        %parallel_loop3A_328 = arith.constant 1 : i32
        %parallel_loop3A_329 = arith.index_cast %parallel_loop3A_328 : i32 to index
        %parallel_loop3A_330 = arith.index_cast %parallel_loop3A_317 : i32 to index
        %parallel_loop3A_331 = tpu.vector_load %arg16[%parallel_loop3A_329, %parallel_loop3A_330] {strides = array<i32>} : memref<16x1024xf32, #tpu.memory_space<vmem>>, vector<16xf32>,
        tpu.vector_store %arg16[%parallel_loop3A_329, %parallel_loop3A_330], %parallel_loop3A_327 {strides = array<i32>} : memref<16x1024xf32, #tpu.memory_space<vmem>>, vector<16xf32>,
      } {sc.loop_unroll_factor = 4 : i64, sc.parallel_access}
      %slice3A_224 = vector.extract_strided_slice %get3A_211 {offsets = [2], sizes = [1], strides = [1]} : vector<16xf32> to vector<1xf32>
      %squeeze3A_225 = vector.extract %slice3A_224[0] : f32 from vector<1xf32>
      %broadcast_in_dim3A_226 = vector.broadcast %squeeze3A_225 : f32 to vector<16xf32>
      %parallel_loop3A_227 = arith.constant 0 : i32
      %parallel_loop3A_228 = arith.constant 64 : i32
      %parallel_loop3A_229 = arith.constant 1 : i32
      scf.for %parallel_loop3A_315 = %parallel_loop3A_227 to %parallel_loop3A_228 step %parallel_loop3A_229  : i32 {
        %parallel_loop3A_316 = arith.constant 16 : i32
        %parallel_loop3A_317 = arith.muli %parallel_loop3A_315, %parallel_loop3A_316 : i32
        %parallel_loop3A_318 = arith.constant 2 : i32
        %parallel_loop3A_319 = arith.index_cast %parallel_loop3A_318 : i32 to index
        %parallel_loop3A_320 = arith.index_cast %parallel_loop3A_317 : i32 to index
        %parallel_loop3A_321 = tpu.vector_load %arg12[%parallel_loop3A_319, %parallel_loop3A_320] {strides = array<i32>} : memref<16x1024xf32, #tpu.memory_space<vmem>>, vector<16xf32>,
        %parallel_loop3A_322 = arith.constant 2 : i32
        %parallel_loop3A_323 = arith.index_cast %parallel_loop3A_322 : i32 to index
        %parallel_loop3A_324 = arith.index_cast %parallel_loop3A_317 : i32 to index
        %parallel_loop3A_325 = tpu.vector_load %arg14[%parallel_loop3A_323, %parallel_loop3A_324] {strides = array<i32>} : memref<16x1024xf32, #tpu.memory_space<vmem>>, vector<16xf32>,
        %parallel_loop3A_326 = arith.mulf %parallel_loop3A_321, %parallel_loop3A_325 : vector<16xf32>
        %parallel_loop3A_327 = arith.mulf %broadcast_in_dim3A_226, %parallel_loop3A_326 : vector<16xf32>
        %parallel_loop3A_328 = arith.constant 2 : i32
        %parallel_loop3A_329 = arith.index_cast %parallel_loop3A_328 : i32 to index
        %parallel_loop3A_330 = arith.index_cast %parallel_loop3A_317 : i32 to index
        %parallel_loop3A_331 = tpu.vector_load %arg16[%parallel_loop3A_329, %parallel_loop3A_330] {strides = array<i32>} : memref<16x1024xf32, #tpu.memory_space<vmem>>, vector<16xf32>,
        tpu.vector_store %arg16[%parallel_loop3A_329, %parallel_loop3A_330], %parallel_loop3A_327 {strides = array<i32>} : memref<16x1024xf32, #tpu.memory_space<vmem>>, vector<16xf32>,
      } {sc.loop_unroll_factor = 4 : i64, sc.parallel_access}
      %slice3A_230 = vector.extract_strided_slice %get3A_211 {offsets = [3], sizes = [1], strides = [1]} : vector<16xf32> to vector<1xf32>
      %squeeze3A_231 = vector.extract %slice3A_230[0] : f32 from vector<1xf32>
      %broadcast_in_dim3A_232 = vector.broadcast %squeeze3A_231 : f32 to vector<16xf32>
      %parallel_loop3A_233 = arith.constant 0 : i32
      %parallel_loop3A_234 = arith.constant 64 : i32
      %parallel_loop3A_235 = arith.constant 1 : i32
      scf.for %parallel_loop3A_315 = %parallel_loop3A_233 to %parallel_loop3A_234 step %parallel_loop3A_235  : i32 {
        %parallel_loop3A_316 = arith.constant 16 : i32
        %parallel_loop3A_317 = arith.muli %parallel_loop3A_315, %parallel_loop3A_316 : i32
        %parallel_loop3A_318 = arith.constant 3 : i32
        %parallel_loop3A_319 = arith.index_cast %parallel_loop3A_318 : i32 to index
        %parallel_loop3A_320 = arith.index_cast %parallel_loop3A_317 : i32 to index
        %parallel_loop3A_321 = tpu.vector_load %arg12[%parallel_loop3A_319, %parallel_loop3A_320] {strides = array<i32>} : memref<16x1024xf32, #tpu.memory_space<vmem>>, vector<16xf32>,
        %parallel_loop3A_322 = arith.constant 3 : i32
        %parallel_loop3A_323 = arith.index_cast %parallel_loop3A_322 : i32 to index
        %parallel_loop3A_324 = arith.index_cast %parallel_loop3A_317 : i32 to index
        %parallel_loop3A_325 = tpu.vector_load %arg14[%parallel_loop3A_323, %parallel_loop3A_324] {strides = array<i32>} : memref<16x1024xf32, #tpu.memory_space<vmem>>, vector<16xf32>,
        %parallel_loop3A_326 = arith.mulf %parallel_loop3A_321, %parallel_loop3A_325 : vector<16xf32>
        %parallel_loop3A_327 = arith.mulf %broadcast_in_dim3A_232, %parallel_loop3A_326 : vector<16xf32>
        %parallel_loop3A_328 = arith.constant 3 : i32
        %parallel_loop3A_329 = arith.index_cast %parallel_loop3A_328 : i32 to index
        %parallel_loop3A_330 = arith.index_cast %parallel_loop3A_317 : i32 to index
        %parallel_loop3A_331 = tpu.vector_load %arg16[%parallel_loop3A_329, %parallel_loop3A_330] {strides = array<i32>} : memref<16x1024xf32, #tpu.memory_space<vmem>>, vector<16xf32>,
        tpu.vector_store %arg16[%parallel_loop3A_329, %parallel_loop3A_330], %parallel_loop3A_327 {strides = array<i32>} : memref<16x1024xf32, #tpu.memory_space<vmem>>, vector<16xf32>,
      } {sc.loop_unroll_factor = 4 : i64, sc.parallel_access}
      %slice3A_236 = vector.extract_strided_slice %get3A_211 {offsets = [4], sizes = [1], strides = [1]} : vector<16xf32> to vector<1xf32>
      %squeeze3A_237 = vector.extract %slice3A_236[0] : f32 from vector<1xf32>
      %broadcast_in_dim3A_238 = vector.broadcast %squeeze3A_237 : f32 to vector<16xf32>
      %parallel_loop3A_239 = arith.constant 0 : i32
      %parallel_loop3A_240 = arith.constant 64 : i32
      %parallel_loop3A_241 = arith.constant 1 : i32
      scf.for %parallel_loop3A_315 = %parallel_loop3A_239 to %parallel_loop3A_240 step %parallel_loop3A_241  : i32 {
        %parallel_loop3A_316 = arith.constant 16 : i32
        %parallel_loop3A_317 = arith.muli %parallel_loop3A_315, %parallel_loop3A_316 : i32
        %parallel_loop3A_318 = arith.constant 4 : i32
        %parallel_loop3A_319 = arith.index_cast %parallel_loop3A_318 : i32 to index
        %parallel_loop3A_320 = arith.index_cast %parallel_loop3A_317 : i32 to index
        %parallel_loop3A_321 = tpu.vector_load %arg12[%parallel_loop3A_319, %parallel_loop3A_320] {strides = array<i32>} : memref<16x1024xf32, #tpu.memory_space<vmem>>, vector<16xf32>,
        %parallel_loop3A_322 = arith.constant 4 : i32
        %parallel_loop3A_323 = arith.index_cast %parallel_loop3A_322 : i32 to index
        %parallel_loop3A_324 = arith.index_cast %parallel_loop3A_317 : i32 to index
        %parallel_loop3A_325 = tpu.vector_load %arg14[%parallel_loop3A_323, %parallel_loop3A_324] {strides = array<i32>} : memref<16x1024xf32, #tpu.memory_space<vmem>>, vector<16xf32>,
        %parallel_loop3A_326 = arith.mulf %parallel_loop3A_321, %parallel_loop3A_325 : vector<16xf32>
        %parallel_loop3A_327 = arith.mulf %broadcast_in_dim3A_238, %parallel_loop3A_326 : vector<16xf32>
        %parallel_loop3A_328 = arith.constant 4 : i32
        %parallel_loop3A_329 = arith.index_cast %parallel_loop3A_328 : i32 to index
        %parallel_loop3A_330 = arith.index_cast %parallel_loop3A_317 : i32 to index
        %parallel_loop3A_331 = tpu.vector_load %arg16[%parallel_loop3A_329, %parallel_loop3A_330] {strides = array<i32>} : memref<16x1024xf32, #tpu.memory_space<vmem>>, vector<16xf32>,
        tpu.vector_store %arg16[%parallel_loop3A_329, %parallel_loop3A_330], %parallel_loop3A_327 {strides = array<i32>} : memref<16x1024xf32, #tpu.memory_space<vmem>>, vector<16xf32>,
      } {sc.loop_unroll_factor = 4 : i64, sc.parallel_access}
      %slice3A_242 = vector.extract_strided_slice %get3A_211 {offsets = [5], sizes = [1], strides = [1]} : vector<16xf32> to vector<1xf32>
      %squeeze3A_243 = vector.extract %slice3A_242[0] : f32 from vector<1xf32>
      %broadcast_in_dim3A_244 = vector.broadcast %squeeze3A_243 : f32 to vector<16xf32>
      %parallel_loop3A_245 = arith.constant 0 : i32
      %parallel_loop3A_246 = arith.constant 64 : i32
      %parallel_loop3A_247 = arith.constant 1 : i32
      scf.for %parallel_loop3A_315 = %parallel_loop3A_245 to %parallel_loop3A_246 step %parallel_loop3A_247  : i32 {
        %parallel_loop3A_316 = arith.constant 16 : i32
        %parallel_loop3A_317 = arith.muli %parallel_loop3A_315, %parallel_loop3A_316 : i32
        %parallel_loop3A_318 = arith.constant 5 : i32
        %parallel_loop3A_319 = arith.index_cast %parallel_loop3A_318 : i32 to index
        %parallel_loop3A_320 = arith.index_cast %parallel_loop3A_317 : i32 to index
        %parallel_loop3A_321 = tpu.vector_load %arg12[%parallel_loop3A_319, %parallel_loop3A_320] {strides = array<i32>} : memref<16x1024xf32, #tpu.memory_space<vmem>>, vector<16xf32>,
        %parallel_loop3A_322 = arith.constant 5 : i32
        %parallel_loop3A_323 = arith.index_cast %parallel_loop3A_322 : i32 to index
        %parallel_loop3A_324 = arith.index_cast %parallel_loop3A_317 : i32 to index
        %parallel_loop3A_325 = tpu.vector_load %arg14[%parallel_loop3A_323, %parallel_loop3A_324] {strides = array<i32>} : memref<16x1024xf32, #tpu.memory_space<vmem>>, vector<16xf32>,
        %parallel_loop3A_326 = arith.mulf %parallel_loop3A_321, %parallel_loop3A_325 : vector<16xf32>
        %parallel_loop3A_327 = arith.mulf %broadcast_in_dim3A_244, %parallel_loop3A_326 : vector<16xf32>
        %parallel_loop3A_328 = arith.constant 5 : i32
        %parallel_loop3A_329 = arith.index_cast %parallel_loop3A_328 : i32 to index
        %parallel_loop3A_330 = arith.index_cast %parallel_loop3A_317 : i32 to index
        %parallel_loop3A_331 = tpu.vector_load %arg16[%parallel_loop3A_329, %parallel_loop3A_330] {strides = array<i32>} : memref<16x1024xf32, #tpu.memory_space<vmem>>, vector<16xf32>,
        tpu.vector_store %arg16[%parallel_loop3A_329, %parallel_loop3A_330], %parallel_loop3A_327 {strides = array<i32>} : memref<16x1024xf32, #tpu.memory_space<vmem>>, vector<16xf32>,
      } {sc.loop_unroll_factor = 4 : i64, sc.parallel_access}
      %slice3A_248 = vector.extract_strided_slice %get3A_211 {offsets = [6], sizes = [1], strides = [1]} : vector<16xf32> to vector<1xf32>
      %squeeze3A_249 = vector.extract %slice3A_248[0] : f32 from vector<1xf32>
      %broadcast_in_dim3A_250 = vector.broadcast %squeeze3A_249 : f32 to vector<16xf32>
      %parallel_loop3A_251 = arith.constant 0 : i32
      %parallel_loop3A_252 = arith.constant 64 : i32
      %parallel_loop3A_253 = arith.constant 1 : i32
      scf.for %parallel_loop3A_315 = %parallel_loop3A_251 to %parallel_loop3A_252 step %parallel_loop3A_253  : i32 {
        %parallel_loop3A_316 = arith.constant 16 : i32
        %parallel_loop3A_317 = arith.muli %parallel_loop3A_315, %parallel_loop3A_316 : i32
        %parallel_loop3A_318 = arith.constant 6 : i32
        %parallel_loop3A_319 = arith.index_cast %parallel_loop3A_318 : i32 to index
        %parallel_loop3A_320 = arith.index_cast %parallel_loop3A_317 : i32 to index
        %parallel_loop3A_321 = tpu.vector_load %arg12[%parallel_loop3A_319, %parallel_loop3A_320] {strides = array<i32>} : memref<16x1024xf32, #tpu.memory_space<vmem>>, vector<16xf32>,
        %parallel_loop3A_322 = arith.constant 6 : i32
        %parallel_loop3A_323 = arith.index_cast %parallel_loop3A_322 : i32 to index
        %parallel_loop3A_324 = arith.index_cast %parallel_loop3A_317 : i32 to index
        %parallel_loop3A_325 = tpu.vector_load %arg14[%parallel_loop3A_323, %parallel_loop3A_324] {strides = array<i32>} : memref<16x1024xf32, #tpu.memory_space<vmem>>, vector<16xf32>,
        %parallel_loop3A_326 = arith.mulf %parallel_loop3A_321, %parallel_loop3A_325 : vector<16xf32>
        %parallel_loop3A_327 = arith.mulf %broadcast_in_dim3A_250, %parallel_loop3A_326 : vector<16xf32>
        %parallel_loop3A_328 = arith.constant 6 : i32
        %parallel_loop3A_329 = arith.index_cast %parallel_loop3A_328 : i32 to index
        %parallel_loop3A_330 = arith.index_cast %parallel_loop3A_317 : i32 to index
        %parallel_loop3A_331 = tpu.vector_load %arg16[%parallel_loop3A_329, %parallel_loop3A_330] {strides = array<i32>} : memref<16x1024xf32, #tpu.memory_space<vmem>>, vector<16xf32>,
        tpu.vector_store %arg16[%parallel_loop3A_329, %parallel_loop3A_330], %parallel_loop3A_327 {strides = array<i32>} : memref<16x1024xf32, #tpu.memory_space<vmem>>, vector<16xf32>,
      } {sc.loop_unroll_factor = 4 : i64, sc.parallel_access}
      %slice3A_254 = vector.extract_strided_slice %get3A_211 {offsets = [7], sizes = [1], strides = [1]} : vector<16xf32> to vector<1xf32>
      %squeeze3A_255 = vector.extract %slice3A_254[0] : f32 from vector<1xf32>
      %broadcast_in_dim3A_256 = vector.broadcast %squeeze3A_255 : f32 to vector<16xf32>
      %parallel_loop3A_257 = arith.constant 0 : i32
      %parallel_loop3A_258 = arith.constant 64 : i32
      %parallel_loop3A_259 = arith.constant 1 : i32
      scf.for %parallel_loop3A_315 = %parallel_loop3A_257 to %parallel_loop3A_258 step %parallel_loop3A_259  : i32 {
        %parallel_loop3A_316 = arith.constant 16 : i32
        %parallel_loop3A_317 = arith.muli %parallel_loop3A_315, %parallel_loop3A_316 : i32
        %parallel_loop3A_318 = arith.constant 7 : i32
        %parallel_loop3A_319 = arith.index_cast %parallel_loop3A_318 : i32 to index
        %parallel_loop3A_320 = arith.index_cast %parallel_loop3A_317 : i32 to index
        %parallel_loop3A_321 = tpu.vector_load %arg12[%parallel_loop3A_319, %parallel_loop3A_320] {strides = array<i32>} : memref<16x1024xf32, #tpu.memory_space<vmem>>, vector<16xf32>,
        %parallel_loop3A_322 = arith.constant 7 : i32
        %parallel_loop3A_323 = arith.index_cast %parallel_loop3A_322 : i32 to index
        %parallel_loop3A_324 = arith.index_cast %parallel_loop3A_317 : i32 to index
        %parallel_loop3A_325 = tpu.vector_load %arg14[%parallel_loop3A_323, %parallel_loop3A_324] {strides = array<i32>} : memref<16x1024xf32, #tpu.memory_space<vmem>>, vector<16xf32>,
        %parallel_loop3A_326 = arith.mulf %parallel_loop3A_321, %parallel_loop3A_325 : vector<16xf32>
        %parallel_loop3A_327 = arith.mulf %broadcast_in_dim3A_256, %parallel_loop3A_326 : vector<16xf32>
        %parallel_loop3A_328 = arith.constant 7 : i32
        %parallel_loop3A_329 = arith.index_cast %parallel_loop3A_328 : i32 to index
        %parallel_loop3A_330 = arith.index_cast %parallel_loop3A_317 : i32 to index
        %parallel_loop3A_331 = tpu.vector_load %arg16[%parallel_loop3A_329, %parallel_loop3A_330] {strides = array<i32>} : memref<16x1024xf32, #tpu.memory_space<vmem>>, vector<16xf32>,
        tpu.vector_store %arg16[%parallel_loop3A_329, %parallel_loop3A_330], %parallel_loop3A_327 {strides = array<i32>} : memref<16x1024xf32, #tpu.memory_space<vmem>>, vector<16xf32>,
      } {sc.loop_unroll_factor = 4 : i64, sc.parallel_access}
      %slice3A_260 = vector.extract_strided_slice %get3A_211 {offsets = [8], sizes = [1], strides = [1]} : vector<16xf32> to vector<1xf32>
      %squeeze3A_261 = vector.extract %slice3A_260[0] : f32 from vector<1xf32>
      %broadcast_in_dim3A_262 = vector.broadcast %squeeze3A_261 : f32 to vector<16xf32>
      %parallel_loop3A_263 = arith.constant 0 : i32
      %parallel_loop3A_264 = arith.constant 64 : i32
      %parallel_loop3A_265 = arith.constant 1 : i32
      scf.for %parallel_loop3A_315 = %parallel_loop3A_263 to %parallel_loop3A_264 step %parallel_loop3A_265  : i32 {
        %parallel_loop3A_316 = arith.constant 16 : i32
        %parallel_loop3A_317 = arith.muli %parallel_loop3A_315, %parallel_loop3A_316 : i32
        %parallel_loop3A_318 = arith.constant 8 : i32
        %parallel_loop3A_319 = arith.index_cast %parallel_loop3A_318 : i32 to index
        %parallel_loop3A_320 = arith.index_cast %parallel_loop3A_317 : i32 to index
        %parallel_loop3A_321 = tpu.vector_load %arg12[%parallel_loop3A_319, %parallel_loop3A_320] {strides = array<i32>} : memref<16x1024xf32, #tpu.memory_space<vmem>>, vector<16xf32>,
        %parallel_loop3A_322 = arith.constant 8 : i32
        %parallel_loop3A_323 = arith.index_cast %parallel_loop3A_322 : i32 to index
        %parallel_loop3A_324 = arith.index_cast %parallel_loop3A_317 : i32 to index
        %parallel_loop3A_325 = tpu.vector_load %arg14[%parallel_loop3A_323, %parallel_loop3A_324] {strides = array<i32>} : memref<16x1024xf32, #tpu.memory_space<vmem>>, vector<16xf32>,
        %parallel_loop3A_326 = arith.mulf %parallel_loop3A_321, %parallel_loop3A_325 : vector<16xf32>
        %parallel_loop3A_327 = arith.mulf %broadcast_in_dim3A_262, %parallel_loop3A_326 : vector<16xf32>
        %parallel_loop3A_328 = arith.constant 8 : i32
        %parallel_loop3A_329 = arith.index_cast %parallel_loop3A_328 : i32 to index
        %parallel_loop3A_330 = arith.index_cast %parallel_loop3A_317 : i32 to index
        %parallel_loop3A_331 = tpu.vector_load %arg16[%parallel_loop3A_329, %parallel_loop3A_330] {strides = array<i32>} : memref<16x1024xf32, #tpu.memory_space<vmem>>, vector<16xf32>,
        tpu.vector_store %arg16[%parallel_loop3A_329, %parallel_loop3A_330], %parallel_loop3A_327 {strides = array<i32>} : memref<16x1024xf32, #tpu.memory_space<vmem>>, vector<16xf32>,
      } {sc.loop_unroll_factor = 4 : i64, sc.parallel_access}
      %slice3A_266 = vector.extract_strided_slice %get3A_211 {offsets = [9], sizes = [1], strides = [1]} : vector<16xf32> to vector<1xf32>
      %squeeze3A_267 = vector.extract %slice3A_266[0] : f32 from vector<1xf32>
      %broadcast_in_dim3A_268 = vector.broadcast %squeeze3A_267 : f32 to vector<16xf32>
      %parallel_loop3A_269 = arith.constant 0 : i32
      %parallel_loop3A_270 = arith.constant 64 : i32
      %parallel_loop3A_271 = arith.constant 1 : i32
      scf.for %parallel_loop3A_315 = %parallel_loop3A_269 to %parallel_loop3A_270 step %parallel_loop3A_271  : i32 {
        %parallel_loop3A_316 = arith.constant 16 : i32
        %parallel_loop3A_317 = arith.muli %parallel_loop3A_315, %parallel_loop3A_316 : i32
        %parallel_loop3A_318 = arith.constant 9 : i32
        %parallel_loop3A_319 = arith.index_cast %parallel_loop3A_318 : i32 to index
        %parallel_loop3A_320 = arith.index_cast %parallel_loop3A_317 : i32 to index
        %parallel_loop3A_321 = tpu.vector_load %arg12[%parallel_loop3A_319, %parallel_loop3A_320] {strides = array<i32>} : memref<16x1024xf32, #tpu.memory_space<vmem>>, vector<16xf32>,
        %parallel_loop3A_322 = arith.constant 9 : i32
        %parallel_loop3A_323 = arith.index_cast %parallel_loop3A_322 : i32 to index
        %parallel_loop3A_324 = arith.index_cast %parallel_loop3A_317 : i32 to index
        %parallel_loop3A_325 = tpu.vector_load %arg14[%parallel_loop3A_323, %parallel_loop3A_324] {strides = array<i32>} : memref<16x1024xf32, #tpu.memory_space<vmem>>, vector<16xf32>,
        %parallel_loop3A_326 = arith.mulf %parallel_loop3A_321, %parallel_loop3A_325 : vector<16xf32>
        %parallel_loop3A_327 = arith.mulf %broadcast_in_dim3A_268, %parallel_loop3A_326 : vector<16xf32>
        %parallel_loop3A_328 = arith.constant 9 : i32
        %parallel_loop3A_329 = arith.index_cast %parallel_loop3A_328 : i32 to index
        %parallel_loop3A_330 = arith.index_cast %parallel_loop3A_317 : i32 to index
        %parallel_loop3A_331 = tpu.vector_load %arg16[%parallel_loop3A_329, %parallel_loop3A_330] {strides = array<i32>} : memref<16x1024xf32, #tpu.memory_space<vmem>>, vector<16xf32>,
        tpu.vector_store %arg16[%parallel_loop3A_329, %parallel_loop3A_330], %parallel_loop3A_327 {strides = array<i32>} : memref<16x1024xf32, #tpu.memory_space<vmem>>, vector<16xf32>,
      } {sc.loop_unroll_factor = 4 : i64, sc.parallel_access}
      %slice3A_272 = vector.extract_strided_slice %get3A_211 {offsets = [10], sizes = [1], strides = [1]} : vector<16xf32> to vector<1xf32>
      %squeeze3A_273 = vector.extract %slice3A_272[0] : f32 from vector<1xf32>
      %broadcast_in_dim3A_274 = vector.broadcast %squeeze3A_273 : f32 to vector<16xf32>
      %parallel_loop3A_275 = arith.constant 0 : i32
      %parallel_loop3A_276 = arith.constant 64 : i32
      %parallel_loop3A_277 = arith.constant 1 : i32
      scf.for %parallel_loop3A_315 = %parallel_loop3A_275 to %parallel_loop3A_276 step %parallel_loop3A_277  : i32 {
        %parallel_loop3A_316 = arith.constant 16 : i32
        %parallel_loop3A_317 = arith.muli %parallel_loop3A_315, %parallel_loop3A_316 : i32
        %parallel_loop3A_318 = arith.constant 10 : i32
        %parallel_loop3A_319 = arith.index_cast %parallel_loop3A_318 : i32 to index
        %parallel_loop3A_320 = arith.index_cast %parallel_loop3A_317 : i32 to index
        %parallel_loop3A_321 = tpu.vector_load %arg12[%parallel_loop3A_319, %parallel_loop3A_320] {strides = array<i32>} : memref<16x1024xf32, #tpu.memory_space<vmem>>, vector<16xf32>,
        %parallel_loop3A_322 = arith.constant 10 : i32
        %parallel_loop3A_323 = arith.index_cast %parallel_loop3A_322 : i32 to index
        %parallel_loop3A_324 = arith.index_cast %parallel_loop3A_317 : i32 to index
        %parallel_loop3A_325 = tpu.vector_load %arg14[%parallel_loop3A_323, %parallel_loop3A_324] {strides = array<i32>} : memref<16x1024xf32, #tpu.memory_space<vmem>>, vector<16xf32>,
        %parallel_loop3A_326 = arith.mulf %parallel_loop3A_321, %parallel_loop3A_325 : vector<16xf32>
        %parallel_loop3A_327 = arith.mulf %broadcast_in_dim3A_274, %parallel_loop3A_326 : vector<16xf32>
        %parallel_loop3A_328 = arith.constant 10 : i32
        %parallel_loop3A_329 = arith.index_cast %parallel_loop3A_328 : i32 to index
        %parallel_loop3A_330 = arith.index_cast %parallel_loop3A_317 : i32 to index
        %parallel_loop3A_331 = tpu.vector_load %arg16[%parallel_loop3A_329, %parallel_loop3A_330] {strides = array<i32>} : memref<16x1024xf32, #tpu.memory_space<vmem>>, vector<16xf32>,
        tpu.vector_store %arg16[%parallel_loop3A_329, %parallel_loop3A_330], %parallel_loop3A_327 {strides = array<i32>} : memref<16x1024xf32, #tpu.memory_space<vmem>>, vector<16xf32>,
      } {sc.loop_unroll_factor = 4 : i64, sc.parallel_access}
      %slice3A_278 = vector.extract_strided_slice %get3A_211 {offsets = [11], sizes = [1], strides = [1]} : vector<16xf32> to vector<1xf32>
      %squeeze3A_279 = vector.extract %slice3A_278[0] : f32 from vector<1xf32>
      %broadcast_in_dim3A_280 = vector.broadcast %squeeze3A_279 : f32 to vector<16xf32>
      %parallel_loop3A_281 = arith.constant 0 : i32
      %parallel_loop3A_282 = arith.constant 64 : i32
      %parallel_loop3A_283 = arith.constant 1 : i32
      scf.for %parallel_loop3A_315 = %parallel_loop3A_281 to %parallel_loop3A_282 step %parallel_loop3A_283  : i32 {
        %parallel_loop3A_316 = arith.constant 16 : i32
        %parallel_loop3A_317 = arith.muli %parallel_loop3A_315, %parallel_loop3A_316 : i32
        %parallel_loop3A_318 = arith.constant 11 : i32
        %parallel_loop3A_319 = arith.index_cast %parallel_loop3A_318 : i32 to index
        %parallel_loop3A_320 = arith.index_cast %parallel_loop3A_317 : i32 to index
        %parallel_loop3A_321 = tpu.vector_load %arg12[%parallel_loop3A_319, %parallel_loop3A_320] {strides = array<i32>} : memref<16x1024xf32, #tpu.memory_space<vmem>>, vector<16xf32>,
        %parallel_loop3A_322 = arith.constant 11 : i32
        %parallel_loop3A_323 = arith.index_cast %parallel_loop3A_322 : i32 to index
        %parallel_loop3A_324 = arith.index_cast %parallel_loop3A_317 : i32 to index
        %parallel_loop3A_325 = tpu.vector_load %arg14[%parallel_loop3A_323, %parallel_loop3A_324] {strides = array<i32>} : memref<16x1024xf32, #tpu.memory_space<vmem>>, vector<16xf32>,
        %parallel_loop3A_326 = arith.mulf %parallel_loop3A_321, %parallel_loop3A_325 : vector<16xf32>
        %parallel_loop3A_327 = arith.mulf %broadcast_in_dim3A_280, %parallel_loop3A_326 : vector<16xf32>
        %parallel_loop3A_328 = arith.constant 11 : i32
        %parallel_loop3A_329 = arith.index_cast %parallel_loop3A_328 : i32 to index
        %parallel_loop3A_330 = arith.index_cast %parallel_loop3A_317 : i32 to index
        %parallel_loop3A_331 = tpu.vector_load %arg16[%parallel_loop3A_329, %parallel_loop3A_330] {strides = array<i32>} : memref<16x1024xf32, #tpu.memory_space<vmem>>, vector<16xf32>,
        tpu.vector_store %arg16[%parallel_loop3A_329, %parallel_loop3A_330], %parallel_loop3A_327 {strides = array<i32>} : memref<16x1024xf32, #tpu.memory_space<vmem>>, vector<16xf32>,
      } {sc.loop_unroll_factor = 4 : i64, sc.parallel_access}
      %slice3A_284 = vector.extract_strided_slice %get3A_211 {offsets = [12], sizes = [1], strides = [1]} : vector<16xf32> to vector<1xf32>
      %squeeze3A_285 = vector.extract %slice3A_284[0] : f32 from vector<1xf32>
      %broadcast_in_dim3A_286 = vector.broadcast %squeeze3A_285 : f32 to vector<16xf32>
      %parallel_loop3A_287 = arith.constant 0 : i32
      %parallel_loop3A_288 = arith.constant 64 : i32
      %parallel_loop3A_289 = arith.constant 1 : i32
      scf.for %parallel_loop3A_315 = %parallel_loop3A_287 to %parallel_loop3A_288 step %parallel_loop3A_289  : i32 {
        %parallel_loop3A_316 = arith.constant 16 : i32
        %parallel_loop3A_317 = arith.muli %parallel_loop3A_315, %parallel_loop3A_316 : i32
        %parallel_loop3A_318 = arith.constant 12 : i32
        %parallel_loop3A_319 = arith.index_cast %parallel_loop3A_318 : i32 to index
        %parallel_loop3A_320 = arith.index_cast %parallel_loop3A_317 : i32 to index
        %parallel_loop3A_321 = tpu.vector_load %arg12[%parallel_loop3A_319, %parallel_loop3A_320] {strides = array<i32>} : memref<16x1024xf32, #tpu.memory_space<vmem>>, vector<16xf32>,
        %parallel_loop3A_322 = arith.constant 12 : i32
        %parallel_loop3A_323 = arith.index_cast %parallel_loop3A_322 : i32 to index
        %parallel_loop3A_324 = arith.index_cast %parallel_loop3A_317 : i32 to index
        %parallel_loop3A_325 = tpu.vector_load %arg14[%parallel_loop3A_323, %parallel_loop3A_324] {strides = array<i32>} : memref<16x1024xf32, #tpu.memory_space<vmem>>, vector<16xf32>,
        %parallel_loop3A_326 = arith.mulf %parallel_loop3A_321, %parallel_loop3A_325 : vector<16xf32>
        %parallel_loop3A_327 = arith.mulf %broadcast_in_dim3A_286, %parallel_loop3A_326 : vector<16xf32>
        %parallel_loop3A_328 = arith.constant 12 : i32
        %parallel_loop3A_329 = arith.index_cast %parallel_loop3A_328 : i32 to index
        %parallel_loop3A_330 = arith.index_cast %parallel_loop3A_317 : i32 to index
        %parallel_loop3A_331 = tpu.vector_load %arg16[%parallel_loop3A_329, %parallel_loop3A_330] {strides = array<i32>} : memref<16x1024xf32, #tpu.memory_space<vmem>>, vector<16xf32>,
        tpu.vector_store %arg16[%parallel_loop3A_329, %parallel_loop3A_330], %parallel_loop3A_327 {strides = array<i32>} : memref<16x1024xf32, #tpu.memory_space<vmem>>, vector<16xf32>,
      } {sc.loop_unroll_factor = 4 : i64, sc.parallel_access}
      %slice3A_290 = vector.extract_strided_slice %get3A_211 {offsets = [13], sizes = [1], strides = [1]} : vector<16xf32> to vector<1xf32>
      %squeeze3A_291 = vector.extract %slice3A_290[0] : f32 from vector<1xf32>
      %broadcast_in_dim3A_292 = vector.broadcast %squeeze3A_291 : f32 to vector<16xf32>
      %parallel_loop3A_293 = arith.constant 0 : i32
      %parallel_loop3A_294 = arith.constant 64 : i32
      %parallel_loop3A_295 = arith.constant 1 : i32
      scf.for %parallel_loop3A_315 = %parallel_loop3A_293 to %parallel_loop3A_294 step %parallel_loop3A_295  : i32 {
        %parallel_loop3A_316 = arith.constant 16 : i32
        %parallel_loop3A_317 = arith.muli %parallel_loop3A_315, %parallel_loop3A_316 : i32
        %parallel_loop3A_318 = arith.constant 13 : i32
        %parallel_loop3A_319 = arith.index_cast %parallel_loop3A_318 : i32 to index
        %parallel_loop3A_320 = arith.index_cast %parallel_loop3A_317 : i32 to index
        %parallel_loop3A_321 = tpu.vector_load %arg12[%parallel_loop3A_319, %parallel_loop3A_320] {strides = array<i32>} : memref<16x1024xf32, #tpu.memory_space<vmem>>, vector<16xf32>,
        %parallel_loop3A_322 = arith.constant 13 : i32
        %parallel_loop3A_323 = arith.index_cast %parallel_loop3A_322 : i32 to index
        %parallel_loop3A_324 = arith.index_cast %parallel_loop3A_317 : i32 to index
        %parallel_loop3A_325 = tpu.vector_load %arg14[%parallel_loop3A_323, %parallel_loop3A_324] {strides = array<i32>} : memref<16x1024xf32, #tpu.memory_space<vmem>>, vector<16xf32>,
        %parallel_loop3A_326 = arith.mulf %parallel_loop3A_321, %parallel_loop3A_325 : vector<16xf32>
        %parallel_loop3A_327 = arith.mulf %broadcast_in_dim3A_292, %parallel_loop3A_326 : vector<16xf32>
        %parallel_loop3A_328 = arith.constant 13 : i32
        %parallel_loop3A_329 = arith.index_cast %parallel_loop3A_328 : i32 to index
        %parallel_loop3A_330 = arith.index_cast %parallel_loop3A_317 : i32 to index
        %parallel_loop3A_331 = tpu.vector_load %arg16[%parallel_loop3A_329, %parallel_loop3A_330] {strides = array<i32>} : memref<16x1024xf32, #tpu.memory_space<vmem>>, vector<16xf32>,
        tpu.vector_store %arg16[%parallel_loop3A_329, %parallel_loop3A_330], %parallel_loop3A_327 {strides = array<i32>} : memref<16x1024xf32, #tpu.memory_space<vmem>>, vector<16xf32>,
      } {sc.loop_unroll_factor = 4 : i64, sc.parallel_access}
      %slice3A_296 = vector.extract_strided_slice %get3A_211 {offsets = [14], sizes = [1], strides = [1]} : vector<16xf32> to vector<1xf32>
      %squeeze3A_297 = vector.extract %slice3A_296[0] : f32 from vector<1xf32>
      %broadcast_in_dim3A_298 = vector.broadcast %squeeze3A_297 : f32 to vector<16xf32>
      %parallel_loop3A_299 = arith.constant 0 : i32
      %parallel_loop3A_300 = arith.constant 64 : i32
      %parallel_loop3A_301 = arith.constant 1 : i32
      scf.for %parallel_loop3A_315 = %parallel_loop3A_299 to %parallel_loop3A_300 step %parallel_loop3A_301  : i32 {
        %parallel_loop3A_316 = arith.constant 16 : i32
        %parallel_loop3A_317 = arith.muli %parallel_loop3A_315, %parallel_loop3A_316 : i32
        %parallel_loop3A_318 = arith.constant 14 : i32
        %parallel_loop3A_319 = arith.index_cast %parallel_loop3A_318 : i32 to index
        %parallel_loop3A_320 = arith.index_cast %parallel_loop3A_317 : i32 to index
        %parallel_loop3A_321 = tpu.vector_load %arg12[%parallel_loop3A_319, %parallel_loop3A_320] {strides = array<i32>} : memref<16x1024xf32, #tpu.memory_space<vmem>>, vector<16xf32>,
        %parallel_loop3A_322 = arith.constant 14 : i32
        %parallel_loop3A_323 = arith.index_cast %parallel_loop3A_322 : i32 to index
        %parallel_loop3A_324 = arith.index_cast %parallel_loop3A_317 : i32 to index
        %parallel_loop3A_325 = tpu.vector_load %arg14[%parallel_loop3A_323, %parallel_loop3A_324] {strides = array<i32>} : memref<16x1024xf32, #tpu.memory_space<vmem>>, vector<16xf32>,
        %parallel_loop3A_326 = arith.mulf %parallel_loop3A_321, %parallel_loop3A_325 : vector<16xf32>
        %parallel_loop3A_327 = arith.mulf %broadcast_in_dim3A_298, %parallel_loop3A_326 : vector<16xf32>
        %parallel_loop3A_328 = arith.constant 14 : i32
        %parallel_loop3A_329 = arith.index_cast %parallel_loop3A_328 : i32 to index
        %parallel_loop3A_330 = arith.index_cast %parallel_loop3A_317 : i32 to index
        %parallel_loop3A_331 = tpu.vector_load %arg16[%parallel_loop3A_329, %parallel_loop3A_330] {strides = array<i32>} : memref<16x1024xf32, #tpu.memory_space<vmem>>, vector<16xf32>,
        tpu.vector_store %arg16[%parallel_loop3A_329, %parallel_loop3A_330], %parallel_loop3A_327 {strides = array<i32>} : memref<16x1024xf32, #tpu.memory_space<vmem>>, vector<16xf32>,
      } {sc.loop_unroll_factor = 4 : i64, sc.parallel_access}
      %slice3A_302 = vector.extract_strided_slice %get3A_211 {offsets = [15], sizes = [1], strides = [1]} : vector<16xf32> to vector<1xf32>
      %squeeze3A_303 = vector.extract %slice3A_302[0] : f32 from vector<1xf32>
      %broadcast_in_dim3A_304 = vector.broadcast %squeeze3A_303 : f32 to vector<16xf32>
      %parallel_loop3A_305 = arith.constant 0 : i32
      %parallel_loop3A_306 = arith.constant 64 : i32
      %parallel_loop3A_307 = arith.constant 1 : i32
      scf.for %parallel_loop3A_315 = %parallel_loop3A_305 to %parallel_loop3A_306 step %parallel_loop3A_307  : i32 {
        %parallel_loop3A_316 = arith.constant 16 : i32
        %parallel_loop3A_317 = arith.muli %parallel_loop3A_315, %parallel_loop3A_316 : i32
        %parallel_loop3A_318 = arith.constant 15 : i32
        %parallel_loop3A_319 = arith.index_cast %parallel_loop3A_318 : i32 to index
        %parallel_loop3A_320 = arith.index_cast %parallel_loop3A_317 : i32 to index
        %parallel_loop3A_321 = tpu.vector_load %arg12[%parallel_loop3A_319, %parallel_loop3A_320] {strides = array<i32>} : memref<16x1024xf32, #tpu.memory_space<vmem>>, vector<16xf32>,
        %parallel_loop3A_322 = arith.constant 15 : i32
        %parallel_loop3A_323 = arith.index_cast %parallel_loop3A_322 : i32 to index
        %parallel_loop3A_324 = arith.index_cast %parallel_loop3A_317 : i32 to index
        %parallel_loop3A_325 = tpu.vector_load %arg14[%parallel_loop3A_323, %parallel_loop3A_324] {strides = array<i32>} : memref<16x1024xf32, #tpu.memory_space<vmem>>, vector<16xf32>,
        %parallel_loop3A_326 = arith.mulf %parallel_loop3A_321, %parallel_loop3A_325 : vector<16xf32>
        %parallel_loop3A_327 = arith.mulf %broadcast_in_dim3A_304, %parallel_loop3A_326 : vector<16xf32>
        %parallel_loop3A_328 = arith.constant 15 : i32
        %parallel_loop3A_329 = arith.index_cast %parallel_loop3A_328 : i32 to index
        %parallel_loop3A_330 = arith.index_cast %parallel_loop3A_317 : i32 to index
        %parallel_loop3A_331 = tpu.vector_load %arg16[%parallel_loop3A_329, %parallel_loop3A_330] {strides = array<i32>} : memref<16x1024xf32, #tpu.memory_space<vmem>>, vector<16xf32>,
        tpu.vector_store %arg16[%parallel_loop3A_329, %parallel_loop3A_330], %parallel_loop3A_327 {strides = array<i32>} : memref<16x1024xf32, #tpu.memory_space<vmem>>, vector<16xf32>,
      } {sc.loop_unroll_factor = 4 : i64, sc.parallel_access}
      %mul3A_308 = arith.constant 16 : i32
      %mul3A_309 = arith.muli %add3A_176, %mul3A_308 : i32
      %add3A_310 = arith.addi %mul3A_2, %mul3A_309 : i32
      %dma_start3A_311 = arith.constant 0 : i32
      %dma_start3A_312 = tpu.memref_slice %arg6[%add3A_310, %dma_start3A_311] : memref<32768x1024xf32, #tpu.memory_space<hbm>> -> memref<16x1024xf32, #tpu.memory_space<hbm>>
      %dma_start3A_313 = arith.constant 0 : i32
      %dma_start3A_314 = tpu.memref_slice %arg6[%add3A_310, %dma_start3A_313] : memref<32768x1024xf32, #tpu.memory_space<hbm>> -> memref<16x1024xf32, #tpu.memory_space<hbm>>
      tpu.enqueue_dma source(%arg16 : memref<16x1024xf32, #tpu.memory_space<vmem>>) target(%dma_start3A_314 : memref<16x1024xf32, #tpu.memory_space<hbm>>) target_semaphore(%arg20 : memref<!tpu.dma_semaphore, #tpu.memory_space<semaphore_mem>>)
    }
    %scan3A_17 = arith.constant 32 : i32
    %get3A_18 = arith.constant 0 : index
    %get3A_19 = tpu.vector_load %arg7[%get3A_18] {strides = array<i32>} : memref<1024xi32, #tpu.memory_space<vmem>>, vector<16xi32>,
    %dma_wait3A = arith.constant 0 : i32
    %dma_wait3A_20 = arith.constant 0 : i32
    %dma_wait3A_21 = tpu.memref_slice %arg2[%dma_wait3A, %dma_wait3A_20] : memref<100000x1024xf32, #tpu.memory_space<hbm>> -> memref<100000x1024xf32, #tpu.memory_space<hbm>>
    tpu.wait_indirect_dma semaphore(%arg17 : memref<!tpu.dma_semaphore, #tpu.memory_space<semaphore_mem>>) src(%dma_wait3A_21 : memref<100000x1024xf32, #tpu.memory_space<hbm>>) dst(%arg11 : memref<16x1024xf32, #tpu.memory_space<vmem>>)
    %dma_wait3A_22 = arith.constant 0 : i32
    %dma_wait3A_23 = arith.constant 0 : i32
    %dma_wait3A_24 = tpu.memref_slice %arg2[%dma_wait3A_22, %dma_wait3A_23] : memref<100000x1024xf32, #tpu.memory_space<hbm>> -> memref<100000x1024xf32, #tpu.memory_space<hbm>>
    tpu.wait_indirect_dma semaphore(%arg17 : memref<!tpu.dma_semaphore, #tpu.memory_space<semaphore_mem>>) src(%dma_wait3A_24 : memref<100000x1024xf32, #tpu.memory_space<hbm>>) dst(%arg13 : memref<16x1024xf32, #tpu.memory_space<vmem>>)
    %dma_wait3A_25 = arith.constant 0 : i32
    %dma_wait3A_26 = arith.constant 0 : i32
    %dma_wait3A_27 = tpu.memref_slice %arg6[%dma_wait3A_25, %dma_wait3A_26] : memref<32768x1024xf32, #tpu.memory_space<hbm>> -> memref<16x1024xf32, #tpu.memory_space<hbm>>
    %dma_wait3A_28 = arith.constant 0 : i32
    %dma_wait3A_29 = arith.constant 0 : i32
    %dma_wait3A_30 = tpu.memref_slice %arg6[%dma_wait3A_28, %dma_wait3A_29] : memref<32768x1024xf32, #tpu.memory_space<hbm>> -> memref<16x1024xf32, #tpu.memory_space<hbm>>
    tpu.wait_dma2 semaphore(%arg19 : memref<!tpu.dma_semaphore, #tpu.memory_space<semaphore_mem>>) src(%arg15 : memref<16x1024xf32, #tpu.memory_space<vmem>>) dst(%dma_wait3A_30 : memref<16x1024xf32, #tpu.memory_space<hbm>>)
    %dma_wait3A_31 = arith.constant 0 : i32
    %dma_wait3A_32 = arith.constant 0 : i32
    %dma_wait3A_33 = tpu.memref_slice %arg6[%dma_wait3A_31, %dma_wait3A_32] : memref<32768x1024xf32, #tpu.memory_space<hbm>> -> memref<16x1024xf32, #tpu.memory_space<hbm>>
    %dma_wait3A_34 = arith.constant 0 : i32
    %dma_wait3A_35 = arith.constant 0 : i32
    %dma_wait3A_36 = tpu.memref_slice %arg6[%dma_wait3A_34, %dma_wait3A_35] : memref<32768x1024xf32, #tpu.memory_space<hbm>> -> memref<16x1024xf32, #tpu.memory_space<hbm>>
    tpu.wait_dma2 semaphore(%arg20 : memref<!tpu.dma_semaphore, #tpu.memory_space<semaphore_mem>>) src(%arg16 : memref<16x1024xf32, #tpu.memory_space<vmem>>) dst(%dma_wait3A_36 : memref<16x1024xf32, #tpu.memory_space<hbm>>)
    return
  }
}

</mosaic_0001>

<sc_bundles>
// kernel: kernel.3.cloned.1.call-start
scs
__scs_entry_jumppad:
0x0: {  	(pc) =	sbr.rel $0x88, $3  }
0x1: {  	(tag) =	ssettag $0x0;
	lr =	simm.s32 $0x1  }
0x2: {  	[smem:$0x3F9E] =	sst lr;
	_ =	strace $0xD0000000  }
0x3: {  	_ = 	snop  }
0x4: {  	_ = 	snop  }
0x5: {  	_ = 	snop  }
0x6: {  	_ = 	snop  }
0x7: {  	_ = 	snop  }
__scs_overlays_trampoline_lowered:
0x8: {  	[smem:$0x3FAD] =	sst s0  }
0x9: {  	[smem:$0x3FAE] =	sst s1  }
0xa: {  	[smem:$0x3FAF] =	sst s2  }
0xb: {  	[smem:$0x3FB0] =	sst s3  }
0xc: {  	[smem:$0x3FB1] =	sst s4  }
0xd: {  	[smem:$0x3FB2] =	sst s5  }
0xe: {  	[smem:$0x3FB3] =	sst s6  }
0xf: {  	[smem:$0x3FB4] =	sst s7  }
0x10: {  	[smem:$0x3FB5] =	sst s8  }
0x11: {  	[smem:$0x3FB6] =	sst s9;
	s0 =	simm.s32 @!p0 $0x0  }
0x12: {  	s1 =	sld [smem:$0x3F9C];
	s0 =	simm.s32 @p0 $0x1  }
0x13: {  	[smem:$0x3FB7] =	sst s0;
	s0 =	simm.s32 @!p1 $0x0  }
0x14: {  	s2 =	sld [smem:$0x3F9B];
	s0 =	simm.s32 @p1 $0x1  }
0x15: {  	[smem:$0x3FB8] =	sst s0;
	s0 =	simm.s32 @!p2 $0x0  }
0x16: {  	s3 =	sld [smem:$0x3FDB];
	s0 =	simm.s32 @p2 $0x1  }
0x17: {  	s4 =	simm.s32 $0x1BF5;
	[smem:$0x3FBA] =	sst s0  }
0x18: {  	s0 =	sld [smem:$0x3F9D];
	_ =	swait.ge [sflag:s4], $0x0  }
0x19: {  	s7 =	sld [smem:$0x3F9E]  }
0x1a: {  	s8 =	sadd.s32 $0xFFFFE003, lr  }
0x1b: {  	s9 =	sadd.s32 $0xFFFFFEF7, lr;
	s5 =	simm.s32 $0xFFFFFFFF;
	p2 =	slt.u32 s8, $0xFFFFF086  }
0x1c: {  	p1 =	slt.u32 s9, $0xF7A;
	s5 =	simm.s32 @!p2 $0x0  }
0x1d: {  	s5 =	simm.s32 @p1 $0x1;
	p0 =	seq.s32 s7, s2  }
0x1e: {  	s7 =	smul.u32 @!p0 $0xF7A, s2;
	p2 =	seq.s32 @!p0 s5, $0x0  }
0x1f: {  	s9 =	smul.u32 $0xF7A, s1;
	s8 =	simm.s32 @!p0 $0x1BF5;
	p2 =	por !p2, p0  }
0x20: {  	[sflag:s8] =	ssyncset.s32 @!p0 $0xFFFFF086;
	s6 =	sadd.s32 @!p0 s3, s7;
	s7 =	simm.s32 @!p0 $0x108  }
0x21: {  	s3 =	sadd.s32 s3, s9;
	s6 =	sadd.s32 @!p0 $0x88, s6;
	s7 =	simm.s32 @p2 $0x1082  }
0x22: {  	[simem:s7], [sflag:s8] =	dma.local @!p0 [hbm:s6], $0xF7A  }
0x23: {  	s9 =	sor.u32 $0xD0000000, s2;
	s6 =	simm.s32 $0x108;
	_ =	swait.ge @!p0 [sflag:s8], $0x0  }
0x24: {  	s3 =	sadd.s32 $0x88, s3;
	s6 =	simm.s32 @!p1 $0x1082;
	[sflag:s4] =	ssyncset.s32 $0xFFFFF086  }
0x25: {  	[simem:s6], [sflag:s4] =	dma.local [hbm:s3], $0xF7A  }
0x26: {  	[smem:$0x3F9E] =	sst s1;
	(tag) =	ssettag s2;
	_ =	strace s9  }
0x27: {  	s1 =	sld [smem:$0x3FAE]  }
0x28: {  	s2 =	sld [smem:$0x3FAF]  }
0x29: {  	s4 =	sld [smem:$0x3FB1]  }
0x2a: {  	p0 =	seq.s32 s5, $0x0;
	s5 =	sld [smem:$0x3FB2]  }
0x2b: {  	s6 =	sld [smem:$0x3FB3]  }
0x2c: {  	s7 =	sld [smem:$0x3FB4]  }
0x2d: {  	s3 =	simm.s32 $0x108;
	s8 =	sld [smem:$0x3FB5]  }
0x2e: {  	s3 =	simm.s32 @!p0 $0x1082;
	s9 =	sld [smem:$0x3FB6]  }
0x2f: {  	lr =	sadd.s32 s0, s3;
	s0 =	sld [smem:$0x3FAD]  }
0x30: {  	s3 =	sld [smem:$0x3FB0]  }
0x31: {  	[smem:$0x3FB9] =	sst s10  }
0x32: {  	s10 =	sld [smem:$0x3FB7];
	_ =	sdelay $0x3  }
0x33: {  	p0 =	seq.s32 s10, $0x1;
	s10 =	sld [smem:$0x3FB9];
	_ =	sdelay $0x3  }
0x34: {  	[smem:$0x3FB9] =	sst s10  }
0x35: {  	s10 =	sld [smem:$0x3FB8];
	_ =	sdelay $0x3  }
0x36: {  	p1 =	seq.s32 s10, $0x1;
	s10 =	sld [smem:$0x3FB9];
	_ =	sdelay $0x3  }
0x37: {  	[smem:$0x3FB9] =	sst s10  }
0x38: {  	s10 =	sld [smem:$0x3FBA]  }
0x39: {  	_ = 	snop;
	(pc) =	sbr.ind lr, $3  }
0x3a: {  	_ = 	snop  }
0x3b: {  	_ = 	snop  }
0x3c: {  	p2 =	seq.s32 s10, $0x1;
	s10 =	sld [smem:$0x3FB9]  }
0x3d: {  	_ =	shalt  }
0x3e: {  	_ =	shalt  }
0x3f: {  	_ =	shalt  }
0x40: {  	_ =	shalt  }
0x41: {  	_ =	shalt  }
0x42: {  	_ =	shalt  }
0x43: {  	_ =	shalt  }
0x44: {  	_ =	shalt  }
0x45: {  	_ =	shalt  }
0x46: {  	_ =	shalt  }
0x47: {  	_ =	shalt  }
0x48: {  	_ =	shalt  }
0x49: {  	_ =	shalt  }
0x4a: {  	_ =	shalt  }
0x4b: {  	_ =	shalt  }
0x4c: {  	_ =	shalt  }
0x4d: {  	_ =	shalt  }
0x4e: {  	_ =	shalt  }
0x4f: {  	_ =	shalt  }
0x50: {  	_ =	shalt  }
0x51: {  	_ =	shalt  }
0x52: {  	_ =	shalt  }
0x53: {  	_ =	shalt  }
0x54: {  	_ =	shalt  }
0x55: {  	_ =	shalt  }
0x56: {  	_ =	shalt  }
0x57: {  	_ =	shalt  }
0x58: {  	_ =	shalt  }
0x59: {  	_ =	shalt  }
0x5a: {  	_ =	shalt  }
0x5b: {  	_ =	shalt  }
0x5c: {  	_ =	shalt  }
0x5d: {  	_ =	shalt  }
0x5e: {  	_ =	shalt  }
0x5f: {  	_ =	shalt  }
0x60: {  	_ =	shalt  }
0x61: {  	_ =	shalt  }
0x62: {  	_ =	shalt  }
0x63: {  	_ =	shalt  }
0x64: {  	_ =	shalt  }
0x65: {  	_ =	shalt  }
0x66: {  	_ =	shalt  }
0x67: {  	_ =	shalt  }
0x68: {  	_ =	shalt  }
0x69: {  	_ =	shalt  }
0x6a: {  	_ =	shalt  }
0x6b: {  	_ =	shalt  }
0x6c: {  	_ =	shalt  }
0x6d: {  	_ =	shalt  }
0x6e: {  	_ =	shalt  }
0x6f: {  	_ =	shalt  }
0x70: {  	_ =	shalt  }
0x71: {  	_ =	shalt  }
0x72: {  	_ =	shalt  }
0x73: {  	_ =	shalt  }
0x74: {  	_ =	shalt  }
0x75: {  	_ =	shalt  }
0x76: {  	_ =	shalt  }
0x77: {  	_ =	shalt  }
0x78: {  	_ =	shalt  }
0x79: {  	_ =	shalt  }
0x7a: {  	_ =	shalt  }
0x7b: {  	_ =	shalt  }
0x7c: {  	_ =	shalt  }
0x7d: {  	_ =	shalt  }
0x7e: {  	_ =	shalt  }
0x7f: {  	_ =	shalt  }
0x80: {  	_ =	shalt  }
0x81: {  	_ =	shalt  }
0x82: {  	_ =	shalt  }
0x83: {  	_ =	shalt  }
0x84: {  	_ =	shalt  }
0x85: {  	_ =	shalt  }
0x86: {  	_ =	shalt  }
0x87: {  	_ =	shalt  }
.Lfunc_end0:
.L_simem_size_0:
called_computation.1_lowered:
.L_overlay_start_0:
0x88: {  	s2 =	sld [smem:$0x3FD9]  }
0x89: {  	s3 =	sld [smem:$0x3FFE];
	_ =	sdelay $0x1  }
0x8a: {  	s1 =	srdreg.scid  }
0x8b: {  	s0 =	sand.u32 $0x1, s1  }
0x8c: {  	s17 =	sshll.u32 s0, $0xA;
	s2 =	sadd.s32 s3, s2  }
0x8d: {  	s2 =	sadd.s32 s2, s17  }
0x8e: {  	[smem:$0x3FC5] =	sst s2  }
0x8f: {  	_ = 	snop  }
0x90: {  	s2 =	sld [smem:$0x3FC9]  }
0x91: {  	s18 =	sld [smem:$0x3FC7]  }
0x92: {  	s4 =	sld [smem:$0x3FD0];
	(tm) =	ssettm $0x1  }
0x93: {  	s5 =	sld [smem:$0x3FFB];
	_ =	sdelay $0x3  }
0x94: {  	_ =	strace s5  }
0x95: {  	s5 =	sld [smem:$0x3FFC];
	_ =	sdelay $0x3  }
0x96: {  	_ =	strace s5  }
0x97: {  	s5 =	sld [smem:$0x3FFD];
	_ =	sdelay $0x3  }
0x98: {  	_ =	strace s5  }
0x99: {  	_ =	strace $0x8FFFFFFF  }
0x9a: {  	s19 =	sld [smem:$0x3FDB];
	_ =	sdelay $0x1  }
0x9b: {  	s6 =	simm.s32 $_scs_section_size  }
0x9c: {  	s7 =	simm.s32 $_size__tile_overlayer_lowered;
	s8 =	simm.s32 $_tile_overlayer_lowered  }
0x9d: {  	s22 =	simm.s32 $0x1BFF;
	s21 =	sshll.u32 s8, $0x1;
	s5 =	sadd.s32 s6, s19  }
0x9e: {  	s9 =	simm.s32 $0x0;
	s20 =	sshll.u32 s7, $0x1;
	s7 =	sadd.s32 s21, s5  }
0x9f: {  	[timem:s9], [sflag:s22] =	dma.local [hbm:s7], s20  }
0xa0: {  	_ =	swait.ge [sflag:s22], s20  }
0xa1: {  	s6 =	ssub.s32 $0x0, s20;
	[sflag:s22] =	ssyncset.done $0x0  }
0xa2: {  	[sflag:s22] =	ssyncadd.s32 s6;
	_ =	sdelay $0x1  }
0xa3: {  	s23 =	simm.s32 $0x1B8B  }
0xa4: {  	_ =	swait.ge [sflag:s23], $0x1  }
0xa5: {  	[sflag:s23] =	ssyncset.done $0x0  }
0xa6: {  	s25 =	simm.s32 $0x1B8E;
	s24 =	sld [smem:$0x3FFE];
	[sflag:s23] =	ssyncadd.s32 $0xFFFFFFFF  }
0xa7: {  	s26 =	simm.s32 $execute0_lowered;
	[smem:$0x3FD2] =	sst s25  }
0xa8: {  	s7 =	sshll.u32 s26, $0x1;
	_ =	strace $0x80000046;
	[dreg:$0x1] =	wrdreg $0xFFFFFFFF  }
0xa9: {  	s28 =	simm.s32 $_size_execute0_lowered;
	s5 =	sadd.s32 s5, s7;
	[dreg:$0x0] =	wrdreg $0x0  }
0xaa: {  	s7 =	sshll.u32 s28, $0x1;
	[dreg:$0x2] =	wrdreg s5  }
0xab: {  	[dreg:$0x3] =	wrdreg s7  }
0xac: {  	[dreg:$0x4] =	wrdreg $0xC0  }
0xad: {  	_ =	task [dreg:s9], $0x5FFFF  }
0xae: {  	[dreg:$0x1] =	wrdreg $0xFFFFFFFF  }
0xaf: {  	[dreg:$0x0] =	wrdreg $0x60  }
0xb0: {  	[dreg:$0x2] =	wrdreg s2  }
0xb1: {  	[dreg:$0x3] =	wrdreg s24  }
0xb2: {  	[dreg:$0x4] =	wrdreg s4  }
0xb3: {  	[dreg:$0x5] =	wrdreg s18  }
0xb4: {  	[dreg:$0x6] =	wrdreg $0x9  }
0xb5: {  	_ =	task.clear_ibuf [dreg:s9], $0x7FFFF;
	_ =	strace $0x90000046  }
0xb6: {  	s29 =	simm.s32 $0x9;
	_ =	strace $0x80000048  }
0xb7: {  	_ =	swait.ge [sflag:s29], $0x1  }
0xb8: {  	[sflag:s29] =	ssyncadd.s32 $0xFFFFFFFF  }
0xb9: {  	_ =	strace $0x90000048  }
0xba: {  	_ =	sfence  }
0xbb: {  	s30 =	sld [smem:$0x0];
	_ =	sdelay $0x2  }
0xbc: {  	s31 =	sshll.u32 s1, $0xD;
	s1 =	sshrl.u32 s1, $0x2  }
0xbd: {  	s3 =	sand.u32 $0x4000, s31;
	s1 =	sadd.s32 s1, s30  }
0xbe: {  	s0 =	sor.u32 s3, s0;
	s1 =	sshll.u32 s1, $0x11  }
0xbf: {  	s0 =	sor.u32 s1, s0  }
0xc0: {  	s0 =	sadd.s32 $0x8F2B, s0  }
0xc1: {  	[sflag:s0] =	ssyncadd.remote.s32 $0x1  }
0xc2: {  	_ =	sfence.sel $0xFFFF  }
0xc3: {  	[dreg:$0x0] =	wrdreg $0xFFFFFFFF;
	(pc) =	sbr.abs _section_cstart, $3  }
0xc4: {  	[dreg:$0x1] =	wrdreg $0xFFFFFFFF  }
0xc5: {  	_ =	task.clear_ibuf [dreg:s9], $0x2FFFF;
	_ =	strace $0x9FFFFFFF  }
0xc6: {  	(tm) =	ssettm $0x7FFFFFFF  }
0xc7: {  	_ =	shalt  }
tec
execute0_lowered:
.L_overlay_start_1:
0x0: {  	(tag) =	ssettag $0x1  }
0x1: {  	s1 =	rddreg [dreg:$0x0]  }
0x2: {  	s0 =	rddreg [dreg:$0x1]  }
0x3: {  	s2 =	srdreg.scid;
	s6 =	rddreg [dreg:$0x2]  }
0x4: {  	s3 =	stileid.u32;
	s7 =	rddreg [dreg:$0x3]  }
0x5: {  	s28 =	simm.s32 $0xA800;
	s29 =	simm.s32 $0xB000;
	s30 =	simm.s32 $0xB800  }
0x6: {  	s31 =	simm.s32 $0xC000;
	s12 =	simm.s32 $0x0;
	s2 =	sand.u32 $0x1, s2  }
0x7: {  	s4 =	sshll.u32 s3, $0xB;
	s3 =	simm.s32 $0x0;
	s11 =	sadd.s32 $0x300, s1  }
0x8: {  	s5 =	sshll.u32 s2, $0xA;
	[smem:$0x7FF] =	sst s3;
	s2 =	ssub.s32 $0x2, s2  }
0x9: {  	s4 =	sor.u32 s5, s4;
	_ =	strace $0x80000047;
	s10 =	sshrl.u32 s2, $0x1  }
0xa: {  	s5 =	sadd.s32 $0x1A00, s0;
	s8 =	sshrl.u32 s4, $0x3;
	s23 =	ssub.s32 s2, s10  }
0xb: {  	s10 =	sadd.s32 $0x200, s1;
	s2 =	simm.s32 $0xC800;
	s25 =	sadd.s32 s6, s8  }
0xc: {  	s9 =	sadd.s32 s8, s0;
	s26 =	sadd.s32 s7, s8;
	[dreg:$0x6] =	wrdreg s25  }
0xd: {  	v2 =	vlaneseq.u32;
	s0 =	smax.u32 s23, $0x1;
	s7 =	simm.s32 $0x2;
	[dreg:$0x7] =	wrdreg s26  }
0xe: {  	vm0 =	vmmov $0xffff;
	v1 =	vshrl.u32 v2, $0x3;
	s24 =	sadd.s32 $0xA00, s9;
	s9 =	sadd.s32 $0x100, s1;
	[dreg:$0x8] =	wrdreg s0  }
0xf: {  	v0 =	vand.u32 $0x7, v2;
	v2 =	vor.u32 $0x8, v2;
	v1 =	vmul.u32 $0x8, v1;
	s26 =	simm.s32 $0xA000;
	s0 =	simm.s32 $0x1;
	[dreg:$0x5] =	wrdreg s24  }
.LBB2_1:
0x10: {  	[dreg:$0x9] =	wrdreg s12  }
0x11: {  	s6 =	rddreg [dreg:$0x5];
	s8 =	simm.s32 $0x5  }
0x12: {  	[tilespmem:s3], [sflag:$0x5] =	stream.linear.gather [hbm4b:s6+s3], $0x400, $0x38;
	[tilespmem:$0x19000] =	vst v63  }
0x13: {  	_ =	swait.ge [sflag:s8], $0x400  }
0x14: {  	[sflag:s8] =	ssyncset.done $0x0  }
0x15: {  	s19 =	simm.s32 $0x400;
	s18 =	rddreg [dreg:$0x6];
	[sflag:s8] =	ssyncadd.s32 $0xFFFFFC00  }
0x16: {  	[tilespmem:s19], [sflag:$0x5] =	stream.linear.gather [hbm4b:s18+s3], $0x400, $0x38;
	[tilespmem:$0x19000] =	vst v63  }
0x17: {  	_ =	swait.ge [sflag:s8], $0x400  }
0x18: {  	[sflag:s8] =	ssyncset.done $0x0  }
0x19: {  	s21 =	simm.s32 $0x800;
	s20 =	rddreg [dreg:$0x7];
	[sflag:s8] =	ssyncadd.s32 $0xFFFFFC00  }
0x1a: {  	[tilespmem:s21], [sflag:$0x5] =	stream.linear.gather [hbm4b:s20+s3], $0x400, $0x38;
	[tilespmem:$0x19000] =	vst v63  }
0x1b: {  	_ =	swait.ge [sflag:s8], $0x400  }
0x1c: {  	[sflag:s8] =	ssyncset.done $0x0  }
0x1d: {  	s22 =	simm.s32 $0x820;
	[sflag:s8] =	ssyncadd.s32 $0xFFFFFC00  }
0x1e: {  	v3 =	vld [tilespmem:s22+$0x10]  }
0x1f: {  	v4 =	vld [tilespmem:s22+$0xFFFFFFF0]  }
0x20: {  	v5 =	vld [tilespmem:s22+$0x0]  }
0x21: {  	v6 =	vld [tilespmem:s22+$0xFFFFFFE0];
	_ =	sdelay $0x1  }
0x22: {  	v3 =	vsub.f32 $0.0e+00, v3  }
0x23: {  	s23 =	simm.s32 $0x860;
	v4 =	vsub.f32 $0.0e+00, v4  }
0x24: {  	v8 =	vld [tilespmem:s23+$0xFFFFFFF0];
	v5 =	vsub.f32 $0.0e+00, v5;
	v3 =	vmul.f32 $1.442695020e+00, v3  }
0x25: {  	v7 =	vld [tilespmem:s23+$0x10];
	v6 =	vsub.f32 $0.0e+00, v6;
	v4 =	vmul.f32 $1.442695020e+00, v4  }
0x26: {  	v5 =	vmul.f32 $1.442695020e+00, v5;
	(erf) = vpow2.f32 v3  }
0x27: {  	v6 =	vmul.f32 $1.442695020e+00, v6;
	v3 =	vld [tilespmem:s23+$0x0];
	(erf) = vpow2.f32 v4  }
0x28: {  	v4 =	vld [tilespmem:s23+$0xFFFFFFE0];
	(erf) = vpow2.f32 v5  }
0x29: {  	(erf) = vpow2.f32 v6;
	v6 =	vsub.f32 $0.0e+00, v8  }
0x2a: {  	v5 =	vsub.f32 $0.0e+00, v7  }
0x2b: {  	v6 =	vmul.f32 $1.442695020e+00, v6  }
0x2c: {  	s24 =	simm.s32 $0x8A0;
	v5 =	vmul.f32 $1.442695020e+00, v5;
	v3 =	vsub.f32 $0.0e+00, v3  }
0x2d: {  	v7 =	vld [tilespmem:s24+$0x10];
	v4 =	vsub.f32 $0.0e+00, v4  }
0x2e: {  	v8 =	vld [tilespmem:s24+$0xFFFFFFF0];
	(erf) = vpow2.f32 v5;
	v3 =	vmul.f32 $1.442695020e+00, v3  }
0x2f: {  	v5 =	vld [tilespmem:s24+$0x0];
	(erf) = vpow2.f32 v6;
	v4 =	vmul.f32 $1.442695020e+00, v4;
	v6 =	vpop (erf)  }
0x30: {  	v9 =	vld [tilespmem:s24+$0xFFFFFFE0];
	(erf) = vpow2.f32 v3;
	v3 =	vadd.f32 $1.000000000e+00, v6;
	v6 =	vpop (erf)  }
0x31: {  	(erf) = vpow2.f32 v4;
	v4 =	vadd.f32 $1.000000000e+00, v6;
	v6 =	vpop (erf)  }
0x32: {  	v7 =	vsub.f32 $0.0e+00, v7;
	v6 =	vadd.f32 $1.000000000e+00, v6;
	v10 =	vpop (erf)  }
0x33: {  	(erf) = vrcp.f32 v3;
	v3 =	vsub.f32 $0.0e+00, v8;
	v8 =	vadd.f32 $1.000000000e+00, v10  }
0x34: {  	(erf) = vrcp.f32 v4;
	v4 =	vsub.f32 $0.0e+00, v5;
	v5 =	vmul.f32 $1.442695020e+00, v7  }
0x35: {  	v7 =	vsub.f32 $0.0e+00, v9;
	(erf) = vrcp.f32 v6;
	v3 =	vmul.f32 $1.442695020e+00, v3  }
0x36: {  	s25 =	simm.s32 $0x8E0;
	(erf) = vrcp.f32 v8;
	v4 =	vmul.f32 $1.442695020e+00, v4  }
0x37: {  	v6 =	vld [tilespmem:s25+$0x10];
	(erf) = vpow2.f32 v5;
	v5 =	vmul.f32 $1.442695020e+00, v7;
	_ =	sdelay $0x1  }
0x38: {  	(erf) = vpow2.f32 v3;
	v3 =	vpop (erf)  }
0x39: {  	(erf) = vpow2.f32 v4;
	v3 =	vadd.f32 $1.000000000e+00, v3;
	v4 =	vpop (erf)  }
0x3a: {  	v8 =	vld [tilespmem:s25+$0xFFFFFFF0];
	(erf) = vpow2.f32 v5;
	v4 =	vadd.f32 $1.000000000e+00, v4;
	v5 =	vpop (erf)  }
0x3b: {  	v9 =	vld [tilespmem:s25+$0x0];
	v10 =	vsub.f32 $0.0e+00, v6;
	v6 =	vpop (erf);
	(erf) = vrcp.f32 v3  }
0x3c: {  	(erf) = vrcp.f32 v4;
	v4 =	vld [tilespmem:s25+$0xFFFFFFE0]  }
0x3d: {  	v11 =	vadd.f32 $1.000000000e+00, v5;
	_ =	sdelay $0x1  }
0x3e: {  	s12 =	simm.s32 $0xC20;
	v5 =	vsub.f32 $0.0e+00, v8;
	v6 =	vadd.f32 $1.000000000e+00, v6;
	v3 =	vpop (erf);
	(erf) = vrcp.f32 v11  }
0x3f: {  	s6 =	simm.s32 $0xC;
	s8 =	simm.s32 $0x920;
	v7 =	vsub.f32 $0.0e+00, v9;
	v8 =	vmul.f32 $1.442695020e+00, v10;
	[tilespmem:s12+$0x10] =	vst v3;
	v3 =	vpop (erf)  }
.LBB2_2:
0x40: {  	v9 =	vld [tilespmem:s8+$0x10];
	s6 =	sadd.s32 $0x4, s6;
	v4 =	vsub.f32 $0.0e+00, v4;
	v11 =	vmul.f32 $1.442695020e+00, v5;
	(erf) = vrcp.f32 v6;
	[tilespmem:s12+$0xFFFFFFF0] =	vst v3;
	v3 =	vpop (erf)  }
0x41: {  	v6 =	vld [tilespmem:s8+$0xFFFFFFF0];
	p0 =	slt.u32 s6, $0x3C;
	v7 =	vmul.f32 $1.442695020e+00, v7;
	(erf) = vpow2.f32 v8;
	[tilespmem:s12+$0x0] =	vst v3;
	v3 =	vpop (erf)  }
0x42: {  	v8 =	vld [tilespmem:s8+$0x0];
	v10 =	vmul.f32 $1.442695020e+00, v4;
	(erf) = vpow2.f32 v11;
	v5 =	vpop (erf);
	[tilespmem:s12+$0xFFFFFFE0] =	vst v3  }
.Ltmp0:
0x43: {  	v4 =	vld [tilespmem:s8+$0xFFFFFFE0];
	(erf) = vpow2.f32 v7;
	v12 =	vadd.f32 $1.000000000e+00, v5;
	v5 =	vpop (erf);
	(pc) =	sbr.rel @p0 .LBB2_2-.Ltmp0, $4  }
0x44: {  	(erf) = vpow2.f32 v10;
	v7 =	vadd.f32 $1.000000000e+00, v5;
	v5 =	vpop (erf)  }
0x45: {  	v9 =	vsub.f32 $0.0e+00, v9;
	v10 =	vadd.f32 $1.000000000e+00, v5;
	v11 =	vpop (erf);
	(erf) = vrcp.f32 v12  }
0x46: {  	s12 =	sadd.s32 $0x40, s12;
	v5 =	vsub.f32 $0.0e+00, v6;
	v6 =	vadd.f32 $1.000000000e+00, v11;
	(erf) = vrcp.f32 v7;
	v3 =	vpop (erf)  }
0x47: {  	s8 =	sadd.s32 $0x40, s8;
	v7 =	vsub.f32 $0.0e+00, v8;
	v8 =	vmul.f32 $1.442695020e+00, v9;
	(erf) = vrcp.f32 v10;
	[tilespmem:s12+$0x10] =	vst v3;
	v3 =	vpop (erf)  }
0x48: {  	v4 =	vsub.f32 $0.0e+00, v4;
	v5 =	vmul.f32 $1.442695020e+00, v5;
	(erf) = vrcp.f32 v6;
	v50 =	vpop (erf)  }
0x49: {  	v7 =	vmul.f32 $1.442695020e+00, v7;
	(erf) = vpow2.f32 v8;
	v51 =	vpop (erf)  }
0x4a: {  	v4 =	vmul.f32 $1.442695020e+00, v4;
	(erf) = vpow2.f32 v5;
	v52 =	vpop (erf)  }
0x4b: {  	(erf) = vpow2.f32 v7;
	v53 =	vpop (erf)  }
0x4c: {  	(erf) = vpow2.f32 v4;
	v54 =	vpop (erf)  }
0x4d: {  	v9 =	vpop (erf)  }
0x4e: {  	v10 =	vpop (erf)  }
0x4f: {  	v5 =	vadd.f32 $1.000000000e+00, v52;
	v11 =	vpop (erf)  }
0x50: {  	v7 =	vadd.f32 $1.000000000e+00, v53;
	v12 =	vpop (erf)  }
0x51: {  	v4 =	vadd.f32 $1.000000000e+00, v54;
	(erf) = vrcp.f32 v5;
	v55 =	vpop (erf)  }
0x52: {  	v9 =	vadd.f32 $1.000000000e+00, v9;
	(erf) = vrcp.f32 v7;
	v56 =	vpop (erf)  }
0x53: {  	(erf) = vrcp.f32 v4;
	v57 =	vadd.f32 $1.000000000e+00, v56;
	v58 =	vpop (erf)  }
0x54: {  	[tilespmem:s12+$0xFFFFFFF0] =	vst v3;
	(erf) = vrcp.f32 v9;
	v3 =	vadd.f32 $1.000000000e+00, v58;
	v59 =	vpop (erf)  }
0x55: {  	[tilespmem:s12+$0x0] =	vst v50;
	v60 =	vadd.f32 $1.000000000e+00, v59;
	(erf) = vrcp.f32 v57;
	v61 =	vpop (erf)  }
0x56: {  	s6 =	sadd.s32 $0x40, s12;
	[tilespmem:s12+$0xFFFFFFE0] =	vst v51;
	(erf) = vrcp.f32 v3;
	v3 =	vadd.f32 $1.000000000e+00, v61  }
0x57: {  	[tilespmem:s6+$0x10] =	vst v10;
	(erf) = vrcp.f32 v60  }
0x58: {  	[tilespmem:s6+$0xFFFFFFF0] =	vst v11;
	(erf) = vrcp.f32 v3  }
0x59: {  	[tilespmem:s6+$0x0] =	vst v12  }
0x5a: {  	[tilespmem:s6+$0xFFFFFFE0] =	vst v55;
	s6 =	sadd.s32 $0x40, s6;
	v3 =	vpop (erf)  }
0x5b: {  	[tilespmem:s6+$0x10] =	vst v3;
	v3 =	vpop (erf)  }
0x5c: {  	[tilespmem:s6+$0xFFFFFFF0] =	vst v3;
	v3 =	vpop (erf)  }
0x5d: {  	[tilespmem:s6+$0x0] =	vst v3;
	v3 =	vpop (erf)  }
0x5e: {  	[tilespmem:s6+$0xFFFFFFE0] =	vst v3;
	v3 =	vpop (erf);
	s6 =	sadd.s32 $0x40, s6  }
0x5f: {  	[tilespmem:s6+$0x10] =	vst v3;
	v3 =	vpop (erf)  }
0x60: {  	[tilespmem:s6+$0xFFFFFFF0] =	vst v3;
	v3 =	vpop (erf)  }
0x61: {  	[tilespmem:s6+$0x0] =	vst v3;
	v3 =	vpop (erf)  }
0x62: {  	[tilespmem:s6+$0xFFFFFFE0] =	vst v3  }
0x63: {  	v3 =	vld [tilespmem:$0x0];
	_ =	sdelay $0x4  }
0x64: {  	v62 =	vshll.u32 v3, $0x3  }
0x65: {  	v3 =	vand.u32 $0x7, v3;
	v4 =	vand.u32 $0xFFFFFFC0, v62  }
0x66: {  	v3 =	vor.u32 v3, v4  }
0x67: {  	v4 =	vperm.xlane v3, v0;
	_ =	sdelay $0x1  }
0x68: {  	v4 =	vadd.s32 v1, v4;
	_ =	sdelay $0x3  }
0x69: {  	s16 =	simm.s32 $0x1000;
	s12 =	simm.s32 $0x0  }
0x6a: {  	v5 =	vld [tilespmem:$0x400];
	[tilespmem:s16], [sflag:$0x1] =	stream.indirect_vreg.gather [hbm4b:s1+s12], $0x80, v4, vm0, $0xb8  }
0x6b: {  	s17 =	simm.s32 $0x1800;
	v3 =	vperm.xlane v3, v2  }
0x6c: {  	[tilespmem:s17], [sflag:$0x1] =	stream.indirect_vreg.gather [hbm4b:s9+s12], $0x80, v4, vm0, $0xb8;
	[tilespmem:$0x19000] =	vst v63  }
0x6d: {  	s18 =	simm.s32 $0x2000;
	v3 =	vadd.s32 v1, v3  }
0x6e: {  	[tilespmem:s18], [sflag:$0x1] =	stream.indirect_vreg.gather [hbm4b:s10+s12], $0x80, v4, vm0, $0xb8;
	[tilespmem:$0x19000] =	vst v63  }
0x6f: {  	s19 =	simm.s32 $0x2800  }
0x70: {  	v63 =	vshll.u32 v5, $0x3;
	[tilespmem:s19], [sflag:$0x1] =	stream.indirect_vreg.gather [hbm4b:s11+s12], $0x80, v4, vm0, $0xb8;
	[tilespmem:$0x19000] =	vst v63  }
0x71: {  	s20 =	simm.s32 $0x3000;
	v5 =	vand.u32 $0x7, v5;
	v4 =	vand.u32 $0xFFFFFFC0, v63  }
0x72: {  	v4 =	vor.u32 v5, v4;
	[tilespmem:s20], [sflag:$0x1] =	stream.indirect_vreg.gather [hbm4b:s1+s12], $0x80, v3, vm0, $0xb8;
	[tilespmem:$0x19000] =	vst v63  }
0x73: {  	s21 =	simm.s32 $0x3800;
	v5 =	vperm.xlane v4, v0  }
0x74: {  	[tilespmem:s21], [sflag:$0x1] =	stream.indirect_vreg.gather [hbm4b:s9+s12], $0x80, v3, vm0, $0xb8;
	[tilespmem:$0x19000] =	vst v63  }
0x75: {  	s22 =	simm.s32 $0x4000;
	v5 =	vadd.s32 v1, v5  }
0x76: {  	[tilespmem:s22], [sflag:$0x1] =	stream.indirect_vreg.gather [hbm4b:s10+s12], $0x80, v3, vm0, $0xb8;
	[tilespmem:$0x19000] =	vst v63  }
0x77: {  	s23 =	simm.s32 $0x4800  }
0x78: {  	[tilespmem:s23], [sflag:$0x1] =	stream.indirect_vreg.gather [hbm4b:s11+s12], $0x80, v3, vm0, $0xb8;
	[tilespmem:$0x19000] =	vst v63  }
0x79: {  	s24 =	simm.s32 $0x9000  }
0x7a: {  	[tilespmem:s24], [sflag:$0x1] =	stream.indirect_vreg.gather [hbm4b:s1+s12], $0x80, v5, vm0, $0xb8;
	[tilespmem:$0x19000] =	vst v63  }
0x7b: {  	s25 =	simm.s32 $0x9800;
	v3 =	vperm.xlane v4, v2  }
0x7c: {  	[tilespmem:s25], [sflag:$0x1] =	stream.indirect_vreg.gather [hbm4b:s9+s12], $0x80, v5, vm0, $0xb8;
	[tilespmem:$0x19000] =	vst v63  }
0x7d: {  	v3 =	vadd.s32 v1, v3  }
0x7e: {  	[tilespmem:s26], [sflag:$0x1] =	stream.indirect_vreg.gather [hbm4b:s10+s12], $0x80, v5, vm0, $0xb8;
	[tilespmem:$0x19000] =	vst v63  }
0x7f: {  	_ = 	snop  }
0x80: {  	[tilespmem:s28], [sflag:$0x1] =	stream.indirect_vreg.gather [hbm4b:s11+s12], $0x80, v5, vm0, $0xb8;
	[tilespmem:$0x19000] =	vst v63  }
0x81: {  	_ = 	snop  }
0x82: {  	[tilespmem:s29], [sflag:$0x1] =	stream.indirect_vreg.gather [hbm4b:s1+s12], $0x80, v3, vm0, $0xb8;
	[tilespmem:$0x19000] =	vst v63  }
0x83: {  	_ = 	snop  }
0x84: {  	[tilespmem:s30], [sflag:$0x1] =	stream.indirect_vreg.gather [hbm4b:s9+s12], $0x80, v3, vm0, $0xb8;
	[tilespmem:$0x19000] =	vst v63  }
0x85: {  	_ = 	snop  }
0x86: {  	[tilespmem:s31], [sflag:$0x1] =	stream.indirect_vreg.gather [hbm4b:s10+s12], $0x80, v3, vm0, $0xb8;
	[tilespmem:$0x19000] =	vst v63  }
0x87: {  	s13 =	simm.s32 $0x0  }
0x88: {  	[tilespmem:s2], [sflag:$0x1] =	stream.indirect_vreg.gather [hbm4b:s11+s12], $0x80, v3, vm0, $0xb8;
	[tilespmem:$0x19000] =	vst v63  }
.LBB2_4:
0x89: {  	_ =	swait.ge [sflag:s0], $0x4000  }
0x8a: {  	[sflag:s0] =	ssyncset.done $0x0  }
0x8b: {  	[sflag:s0] =	ssyncadd.s32 $0xFFFFC000  }
0x8c: {  	_ =	swait.ge [sflag:s0], $0x4000  }
0x8d: {  	[sflag:s0] =	ssyncset.done $0x0  }
0x8e: {  	s15 =	sshll.u32 s13, $0x5;
	[sflag:s0] =	ssyncadd.s32 $0xFFFFC000  }
0x8f: {  	v3 =	vld [tilespmem:s15+$0x10];
	_ =	sdelay $0x4  }
0x90: {  	v4 =	vshll.u32 v3, $0x3  }
0x91: {  	v3 =	vand.u32 $0x7, v3;
	v4 =	vand.u32 $0xFFFFFFC0, v4  }
0x92: {  	v3 =	vor.u32 v3, v4  }
0x93: {  	v4 =	vperm.xlane v3, v0;
	_ =	sdelay $0x1  }
0x94: {  	v4 =	vadd.s32 v1, v4;
	_ =	sdelay $0x3  }
0x95: {  	s6 =	simm.s32 $0x5000  }
0x96: {  	v5 =	vld [tilespmem:s15+$0x410];
	[tilespmem:s6], [sflag:$0x2] =	stream.indirect_vreg.gather [hbm4b:s1+s3], $0x80, v4, vm0, $0xb8  }
0x97: {  	s21 =	simm.s32 $0x5800;
	v3 =	vperm.xlane v3, v2  }
0x98: {  	[tilespmem:s21], [sflag:$0x2] =	stream.indirect_vreg.gather [hbm4b:s9+s3], $0x80, v4, vm0, $0xb8;
	[tilespmem:$0x19000] =	vst v63  }
0x99: {  	s22 =	simm.s32 $0x6000;
	v3 =	vadd.s32 v1, v3  }
0x9a: {  	[tilespmem:s22], [sflag:$0x2] =	stream.indirect_vreg.gather [hbm4b:s10+s3], $0x80, v4, vm0, $0xb8;
	[tilespmem:$0x19000] =	vst v63  }
0x9b: {  	s23 =	simm.s32 $0x6800  }
0x9c: {  	[tilespmem:s23], [sflag:$0x2] =	stream.indirect_vreg.gather [hbm4b:s11+s3], $0x80, v4, vm0, $0xb8;
	v4 =	vshll.u32 v5, $0x3;
	[tilespmem:$0x19000] =	vst v63  }
0x9d: {  	s24 =	simm.s32 $0x7000;
	v5 =	vand.u32 $0x7, v5;
	v4 =	vand.u32 $0xFFFFFFC0, v4  }
0x9e: {  	[tilespmem:s24], [sflag:$0x2] =	stream.indirect_vreg.gather [hbm4b:s1+s3], $0x80, v3, vm0, $0xb8;
	v4 =	vor.u32 v5, v4;
	[tilespmem:$0x19000] =	vst v63  }
0x9f: {  	s25 =	simm.s32 $0x7800;
	v5 =	vperm.xlane v4, v0  }
0xa0: {  	[tilespmem:s25], [sflag:$0x2] =	stream.indirect_vreg.gather [hbm4b:s9+s3], $0x80, v3, vm0, $0xb8;
	[tilespmem:$0x19000] =	vst v63  }
0xa1: {  	s8 =	simm.s32 $0x8000;
	v5 =	vadd.s32 v1, v5  }
0xa2: {  	[tilespmem:s8], [sflag:$0x2] =	stream.indirect_vreg.gather [hbm4b:s10+s3], $0x80, v3, vm0, $0xb8;
	[tilespmem:$0x19000] =	vst v63  }
0xa3: {  	s14 =	simm.s32 $0x8800  }
0xa4: {  	[tilespmem:s14], [sflag:$0x2] =	stream.indirect_vreg.gather [hbm4b:s11+s3], $0x80, v3, vm0, $0xb8;
	[tilespmem:$0x19000] =	vst v63  }
0xa5: {  	s16 =	simm.s32 $0xD000  }
0xa6: {  	[tilespmem:s16], [sflag:$0x2] =	stream.indirect_vreg.gather [hbm4b:s1+s3], $0x80, v5, vm0, $0xb8;
	[tilespmem:$0x19000] =	vst v63  }
0xa7: {  	s17 =	simm.s32 $0xD800;
	v3 =	vperm.xlane v4, v2  }
0xa8: {  	[tilespmem:s17], [sflag:$0x2] =	stream.indirect_vreg.gather [hbm4b:s9+s3], $0x80, v5, vm0, $0xb8;
	[tilespmem:$0x19000] =	vst v63  }
0xa9: {  	s18 =	simm.s32 $0xE000;
	v3 =	vadd.s32 v1, v3  }
0xaa: {  	[tilespmem:s18], [sflag:$0x2] =	stream.indirect_vreg.gather [hbm4b:s10+s3], $0x80, v5, vm0, $0xb8;
	[tilespmem:$0x19000] =	vst v63  }
0xab: {  	s19 =	simm.s32 $0xE800  }
0xac: {  	[tilespmem:s19], [sflag:$0x2] =	stream.indirect_vreg.gather [hbm4b:s11+s3], $0x80, v5, vm0, $0xb8;
	[tilespmem:$0x19000] =	vst v63  }
0xad: {  	s20 =	simm.s32 $0xF000  }
0xae: {  	[tilespmem:s20], [sflag:$0x2] =	stream.indirect_vreg.gather [hbm4b:s1+s3], $0x80, v3, vm0, $0xb8;
	[tilespmem:$0x19000] =	vst v63  }
0xaf: {  	s21 =	simm.s32 $0xF800  }
0xb0: {  	[tilespmem:s21], [sflag:$0x2] =	stream.indirect_vreg.gather [hbm4b:s9+s3], $0x80, v3, vm0, $0xb8;
	[tilespmem:$0x19000] =	vst v63  }
0xb1: {  	p0 =	seq.s32 s13, $0x0;
	s22 =	simm.s32 $0x10000  }
0xb2: {  	[tilespmem:s22], [sflag:$0x2] =	stream.indirect_vreg.gather [hbm4b:s10+s3], $0x80, v3, vm0, $0xb8;
	[tilespmem:$0x19000] =	vst v63  }
0xb3: {  	s6 =	simm.s32 @!p0 $0x3;
	s23 =	simm.s32 $0x10800  }
0xb4: {  	[tilespmem:s23], [sflag:$0x2] =	stream.indirect_vreg.gather [hbm4b:s11+s3], $0x80, v3, vm0, $0xb8;
	[tilespmem:$0x19000] =	vst v63  }
0xb5: {  	_ =	swait.ge @!p0 [sflag:s6], $0x4000  }
0xb6: {  	[sflag:s6] =	ssyncset.done @!p0 $0x0  }
0xb7: {  	s24 =	sand.u32 $0x40, s12;
	s8 =	sand.u32 $0x1C00, s12;
	[sflag:s6] =	ssyncadd.s32 @!p0 $0xFFFFC000  }
0xb8: {  	s6 =	sor.u32 s24, s8;
	v3 =	vld [tilespmem:s15+$0xC00]  }
0xb9: {  	v5 =	vld [tilespmem:s6+$0x1030]  }
0xba: {  	v6 =	vld [tilespmem:s6+$0x9030]  }
0xbb: {  	v7 =	vld [tilespmem:s6+$0x1000]  }
0xbc: {  	v8 =	vld [tilespmem:s6+$0x9000]  }
0xbd: {  	v9 =	vld [tilespmem:s6+$0x1010]  }
0xbe: {  	s25 =	simm.s32 $0x200;
	s14 =	simm.s32 $0x40;
	v10 =	vld [tilespmem:s6+$0x9010]  }
0xbf: {  	s14 =	sand.u32 $0x40, s14;
	s8 =	sand.u32 $0x1C00, s25;
	v12 =	vld [tilespmem:s6+$0x1020]  }
0xc0: {  	s8 =	sor.u32 s14, s8;
	v13 =	vld [tilespmem:s6+$0x9020]  }
0xc1: {  	v4 =	vbroadcast v3, $0x0;
	v6 =	vmul.f32 v6, v5;
	v5 =	vld [tilespmem:s8+$0x1030]  }
0xc2: {  	v7 =	vmul.f32 v8, v7;
	v8 =	vld [tilespmem:s8+$0x9030]  }
0xc3: {  	v10 =	vmul.f32 v10, v9;
	v9 =	vld [tilespmem:s8+$0x9000];
	v11 =	vmul.f32 v6, v4  }
0xc4: {  	v6 =	vld [tilespmem:s8+$0x1000];
	v14 =	vmul.f32 v7, v4  }
0xc5: {  	s16 =	simm.s32 $0x4;
	v12 =	vmul.f32 v13, v12;
	v7 =	vld [tilespmem:s8+$0x1010];
	[tilespmem:s6+$0x11030] =	vst v11;
	v11 =	vmul.f32 v10, v4  }
0xc6: {  	s17 =	simm.s32 $0x400;
	s18 =	simm.s32 $0x80;
	s14 =	sor.u32 $0x10, s15;
	[tilespmem:s6+$0x11000] =	vst v14;
	v10 =	vld [tilespmem:s8+$0x9010]  }
.LBB2_5:
0xc7: {  	s19 =	sand.u32 $0x40, s18;
	s20 =	sand.u32 $0x1C00, s17;
	v13 =	vld [tilespmem:s8+$0x1020];
	v8 =	vmul.f32 v8, v5;
	[tilespmem:s6+$0x11010] =	vst v11;
	v11 =	vmul.f32 v12, v4  }
0xc8: {  	s16 =	sadd.s32 $0x4, s16;
	s19 =	sor.u32 s19, s20;
	v12 =	vld [tilespmem:s8+$0x9020]  }
0xc9: {  	p1 =	slt.u32 s16, $0x3C;
	v5 =	vld [tilespmem:s19+$0x1030];
	v9 =	vmul.f32 v9, v6;
	v14 =	vmul.f32 v8, v4;
	[tilespmem:s6+$0x11020] =	vst v11;
	s6 =	smov.u32 s8;
	s8 =	smov.u32 s19  }
.Ltmp1:
0xca: {  	v8 =	vld [tilespmem:s8+$0x9030];
	(pc) =	sbr.rel @p1 .LBB2_5-.Ltmp1, $4  }
0xcb: {  	v6 =	vld [tilespmem:s8+$0x1000];
	v11 =	vmul.f32 v9, v4;
	v10 =	vmul.f32 v10, v7;
	[tilespmem:s6+$0x11030] =	vst v14  }
0xcc: {  	v9 =	vld [tilespmem:s8+$0x9000]  }
0xcd: {  	v7 =	vld [tilespmem:s8+$0x1010];
	[tilespmem:s6+$0x11000] =	vst v11;
	v11 =	vmul.f32 v10, v4;
	v12 =	vmul.f32 v12, v13  }
0xce: {  	s17 =	sadd.s32 $0x200, s17;
	s18 =	sadd.s32 $0x40, s18;
	v10 =	vld [tilespmem:s8+$0x9010]  }
0xcf: {  	v13 =	vld [tilespmem:s8+$0x1020]  }
0xd0: {  	v14 =	vld [tilespmem:s8+$0x9020];
	_ =	sdelay $0x1  }
0xd1: {  	v5 =	vmul.f32 v8, v5  }
0xd2: {  	v8 =	vmul.f32 v12, v4;
	v6 =	vmul.f32 v9, v6  }
0xd3: {  	[tilespmem:s6+$0x11010] =	vst v11;
	v5 =	vmul.f32 v5, v4;
	v7 =	vmul.f32 v10, v7  }
0xd4: {  	[tilespmem:s6+$0x11020] =	vst v8;
	v6 =	vmul.f32 v6, v4;
	v8 =	vmul.f32 v14, v13  }
0xd5: {  	[tilespmem:s8+$0x11030] =	vst v5;
	v5 =	vmul.f32 v7, v4  }
0xd6: {  	s23 =	simm.s32 $0x0;
	[tilespmem:s8+$0x11000] =	vst v6;
	v4 =	vmul.f32 v8, v4  }
0xd7: {  	s16 =	sand.u32 $0x40, s23;
	s6 =	sand.u32 $0x1C00, s23;
	[tilespmem:s8+$0x11010] =	vst v5  }
0xd8: {  	s6 =	sor.u32 s16, s6;
	[tilespmem:s8+$0x11020] =	vst v4  }
0xd9: {  	v5 =	vld [tilespmem:s6+$0x10B0]  }
0xda: {  	v6 =	vld [tilespmem:s6+$0x90B0]  }
0xdb: {  	v7 =	vld [tilespmem:s6+$0x1080]  }
0xdc: {  	v8 =	vld [tilespmem:s6+$0x9080]  }
0xdd: {  	v9 =	vld [tilespmem:s6+$0x1090]  }
0xde: {  	s24 =	simm.s32 $0x200;
	s25 =	simm.s32 $0x40;
	v10 =	vld [tilespmem:s6+$0x9090]  }
0xdf: {  	s16 =	sand.u32 $0x40, s25;
	s8 =	sand.u32 $0x1C00, s24;
	v12 =	vld [tilespmem:s6+$0x10A0]  }
0xe0: {  	v4 =	vbroadcast v3, $0x1;
	s8 =	sor.u32 s16, s8;
	v13 =	vld [tilespmem:s6+$0x90A0];
	v6 =	vmul.f32 v6, v5  }
0xe1: {  	v5 =	vld [tilespmem:s8+$0x10B0];
	v11 =	vmul.f32 v8, v7  }
0xe2: {  	v8 =	vld [tilespmem:s8+$0x90B0];
	v6 =	vmul.f32 v6, v4  }
0xe3: {  	v7 =	vld [tilespmem:s8+$0x1080];
	v10 =	vmul.f32 v10, v9;
	v11 =	vmul.f32 v11, v4  }
0xe4: {  	v9 =	vld [tilespmem:s8+$0x9080];
	[tilespmem:s6+$0x110B0] =	vst v6  }
0xe5: {  	v12 =	vmul.f32 v13, v12;
	v6 =	vld [tilespmem:s8+$0x1090];
	[tilespmem:s6+$0x11080] =	vst v11;
	v11 =	vmul.f32 v10, v4  }
0xe6: {  	s17 =	simm.s32 $0x400;
	s18 =	simm.s32 $0x80;
	s16 =	simm.s32 $0x4;
	v10 =	vld [tilespmem:s8+$0x9090]  }
.LBB2_7:
0xe7: {  	s19 =	sand.u32 $0x40, s18;
	s20 =	sand.u32 $0x1C00, s17;
	v13 =	vld [tilespmem:s8+$0x10A0];
	v8 =	vmul.f32 v8, v5;
	[tilespmem:s6+$0x11090] =	vst v11;
	v11 =	vmul.f32 v12, v4  }
0xe8: {  	s16 =	sadd.s32 $0x4, s16;
	s19 =	sor.u32 s19, s20;
	v12 =	vld [tilespmem:s8+$0x90A0]  }
0xe9: {  	p1 =	slt.u32 s16, $0x3C;
	v5 =	vld [tilespmem:s19+$0x10B0];
	v9 =	vmul.f32 v9, v7;
	v14 =	vmul.f32 v8, v4;
	[tilespmem:s6+$0x110A0] =	vst v11;
	s6 =	smov.u32 s8;
	s8 =	smov.u32 s19  }
.Ltmp2:
0xea: {  	v8 =	vld [tilespmem:s8+$0x90B0];
	(pc) =	sbr.rel @p1 .LBB2_7-.Ltmp2, $4  }
0xeb: {  	v7 =	vld [tilespmem:s8+$0x1080];
	v11 =	vmul.f32 v9, v4;
	v10 =	vmul.f32 v10, v6;
	[tilespmem:s6+$0x110B0] =	vst v14  }
0xec: {  	v9 =	vld [tilespmem:s8+$0x9080]  }
0xed: {  	v6 =	vld [tilespmem:s8+$0x1090];
	[tilespmem:s6+$0x11080] =	vst v11;
	v11 =	vmul.f32 v10, v4;
	v12 =	vmul.f32 v12, v13  }
0xee: {  	s17 =	sadd.s32 $0x200, s17;
	s18 =	sadd.s32 $0x40, s18;
	v10 =	vld [tilespmem:s8+$0x9090]  }
0xef: {  	v13 =	vld [tilespmem:s8+$0x10A0]  }
0xf0: {  	v14 =	vld [tilespmem:s8+$0x90A0];
	_ =	sdelay $0x1  }
0xf1: {  	v5 =	vmul.f32 v8, v5  }
0xf2: {  	v8 =	vmul.f32 v12, v4;
	v7 =	vmul.f32 v9, v7  }
0xf3: {  	[tilespmem:s6+$0x11090] =	vst v11;
	v5 =	vmul.f32 v5, v4;
	v6 =	vmul.f32 v10, v6  }
0xf4: {  	[tilespmem:s6+$0x110A0] =	vst v8;
	v7 =	vmul.f32 v7, v4;
	v8 =	vmul.f32 v14, v13  }
0xf5: {  	[tilespmem:s8+$0x110B0] =	vst v5;
	v5 =	vmul.f32 v6, v4  }
0xf6: {  	s23 =	simm.s32 $0x0;
	[tilespmem:s8+$0x11080] =	vst v7;
	v4 =	vmul.f32 v8, v4  }
0xf7: {  	s16 =	sand.u32 $0x40, s23;
	s6 =	sand.u32 $0x1C00, s23;
	[tilespmem:s8+$0x11090] =	vst v5  }
0xf8: {  	s6 =	sor.u32 s16, s6;
	[tilespmem:s8+$0x110A0] =	vst v4  }
0xf9: {  	v5 =	vld [tilespmem:s6+$0x1130]  }
0xfa: {  	v6 =	vld [tilespmem:s6+$0x9130]  }
0xfb: {  	v7 =	vld [tilespmem:s6+$0x1100]  }
0xfc: {  	v8 =	vld [tilespmem:s6+$0x9100]  }
0xfd: {  	v9 =	vld [tilespmem:s6+$0x1110]  }
0xfe: {  	s24 =	simm.s32 $0x200;
	s25 =	simm.s32 $0x40;
	v10 =	vld [tilespmem:s6+$0x9110]  }
0xff: {  	s16 =	sand.u32 $0x40, s25;
	s8 =	sand.u32 $0x1C00, s24;
	v12 =	vld [tilespmem:s6+$0x1120]  }
0x100: {  	v4 =	vbroadcast v3, $0x2;
	s8 =	sor.u32 s16, s8;
	v13 =	vld [tilespmem:s6+$0x9120];
	v6 =	vmul.f32 v6, v5  }
0x101: {  	v5 =	vld [tilespmem:s8+$0x1130];
	v11 =	vmul.f32 v8, v7  }
0x102: {  	v8 =	vld [tilespmem:s8+$0x9130];
	v6 =	vmul.f32 v6, v4  }
0x103: {  	v7 =	vld [tilespmem:s8+$0x1100];
	v10 =	vmul.f32 v10, v9;
	v11 =	vmul.f32 v11, v4  }
0x104: {  	v9 =	vld [tilespmem:s8+$0x9100];
	[tilespmem:s6+$0x11130] =	vst v6  }
0x105: {  	v12 =	vmul.f32 v13, v12;
	v6 =	vld [tilespmem:s8+$0x1110];
	[tilespmem:s6+$0x11100] =	vst v11;
	v11 =	vmul.f32 v10, v4  }
0x106: {  	s17 =	simm.s32 $0x400;
	s18 =	simm.s32 $0x80;
	s16 =	simm.s32 $0x4;
	v10 =	vld [tilespmem:s8+$0x9110]  }
.LBB2_9:
0x107: {  	s19 =	sand.u32 $0x40, s18;
	s20 =	sand.u32 $0x1C00, s17;
	v13 =	vld [tilespmem:s8+$0x1120];
	v8 =	vmul.f32 v8, v5;
	[tilespmem:s6+$0x11110] =	vst v11;
	v11 =	vmul.f32 v12, v4  }
0x108: {  	s16 =	sadd.s32 $0x4, s16;
	s19 =	sor.u32 s19, s20;
	v12 =	vld [tilespmem:s8+$0x9120]  }
0x109: {  	p1 =	slt.u32 s16, $0x3C;
	v5 =	vld [tilespmem:s19+$0x1130];
	v9 =	vmul.f32 v9, v7;
	v14 =	vmul.f32 v8, v4;
	[tilespmem:s6+$0x11120] =	vst v11;
	s6 =	smov.u32 s8;
	s8 =	smov.u32 s19  }
.Ltmp3:
0x10a: {  	v8 =	vld [tilespmem:s8+$0x9130];
	(pc) =	sbr.rel @p1 .LBB2_9-.Ltmp3, $4  }
0x10b: {  	v7 =	vld [tilespmem:s8+$0x1100];
	v11 =	vmul.f32 v9, v4;
	v10 =	vmul.f32 v10, v6;
	[tilespmem:s6+$0x11130] =	vst v14  }
0x10c: {  	v9 =	vld [tilespmem:s8+$0x9100]  }
0x10d: {  	v6 =	vld [tilespmem:s8+$0x1110];
	[tilespmem:s6+$0x11100] =	vst v11;
	v11 =	vmul.f32 v10, v4;
	v12 =	vmul.f32 v12, v13  }
0x10e: {  	s17 =	sadd.s32 $0x200, s17;
	s18 =	sadd.s32 $0x40, s18;
	v10 =	vld [tilespmem:s8+$0x9110]  }
0x10f: {  	v13 =	vld [tilespmem:s8+$0x1120]  }
0x110: {  	v14 =	vld [tilespmem:s8+$0x9120];
	_ =	sdelay $0x1  }
0x111: {  	v5 =	vmul.f32 v8, v5  }
0x112: {  	v8 =	vmul.f32 v12, v4;
	v7 =	vmul.f32 v9, v7  }
0x113: {  	[tilespmem:s6+$0x11110] =	vst v11;
	v5 =	vmul.f32 v5, v4;
	v6 =	vmul.f32 v10, v6  }
0x114: {  	[tilespmem:s6+$0x11120] =	vst v8;
	v7 =	vmul.f32 v7, v4;
	v8 =	vmul.f32 v14, v13  }
0x115: {  	[tilespmem:s8+$0x11130] =	vst v5;
	v5 =	vmul.f32 v6, v4  }
0x116: {  	s23 =	simm.s32 $0x0;
	[tilespmem:s8+$0x11100] =	vst v7;
	v4 =	vmul.f32 v8, v4  }
0x117: {  	s16 =	sand.u32 $0x40, s23;
	s6 =	sand.u32 $0x1C00, s23;
	[tilespmem:s8+$0x11110] =	vst v5  }
0x118: {  	[tilespmem:s8+$0x11120] =	vst v4;
	s8 =	sor.u32 s16, s6  }
0x119: {  	v5 =	vld [tilespmem:s8+$0x11B0]  }
0x11a: {  	v6 =	vld [tilespmem:s8+$0x91B0]  }
0x11b: {  	v7 =	vld [tilespmem:s8+$0x1180]  }
0x11c: {  	v8 =	vld [tilespmem:s8+$0x9180]  }
0x11d: {  	v9 =	vld [tilespmem:s8+$0x1190]  }
0x11e: {  	s24 =	simm.s32 $0x200;
	s25 =	simm.s32 $0x40;
	v10 =	vld [tilespmem:s8+$0x9190]  }
0x11f: {  	s16 =	sand.u32 $0x40, s25;
	s6 =	sand.u32 $0x1C00, s24;
	v12 =	vld [tilespmem:s8+$0x11A0]  }
0x120: {  	v4 =	vbroadcast v3, $0x3;
	s6 =	sor.u32 s16, s6;
	v13 =	vld [tilespmem:s8+$0x91A0];
	v6 =	vmul.f32 v6, v5  }
0x121: {  	v5 =	vld [tilespmem:s6+$0x11B0];
	v11 =	vmul.f32 v8, v7  }
0x122: {  	v8 =	vld [tilespmem:s6+$0x91B0];
	v6 =	vmul.f32 v6, v4  }
0x123: {  	v7 =	vld [tilespmem:s6+$0x1180];
	v10 =	vmul.f32 v10, v9;
	v11 =	vmul.f32 v11, v4  }
0x124: {  	v9 =	vld [tilespmem:s6+$0x9180];
	[tilespmem:s8+$0x111B0] =	vst v6  }
0x125: {  	v12 =	vmul.f32 v13, v12;
	v6 =	vld [tilespmem:s6+$0x1190];
	[tilespmem:s8+$0x11180] =	vst v11;
	v11 =	vmul.f32 v10, v4  }
0x126: {  	s17 =	simm.s32 $0x400;
	s18 =	simm.s32 $0x80;
	s16 =	simm.s32 $0x4;
	v10 =	vld [tilespmem:s6+$0x9190]  }
.LBB2_11:
0x127: {  	s19 =	sand.u32 $0x40, s18;
	s20 =	sand.u32 $0x1C00, s17;
	v13 =	vld [tilespmem:s6+$0x11A0];
	v8 =	vmul.f32 v8, v5;
	[tilespmem:s8+$0x11190] =	vst v11;
	v11 =	vmul.f32 v12, v4  }
0x128: {  	s16 =	sadd.s32 $0x4, s16;
	s19 =	sor.u32 s19, s20;
	v12 =	vld [tilespmem:s6+$0x91A0]  }
0x129: {  	p1 =	slt.u32 s16, $0x3C;
	v5 =	vld [tilespmem:s19+$0x11B0];
	v9 =	vmul.f32 v9, v7;
	v14 =	vmul.f32 v8, v4;
	[tilespmem:s8+$0x111A0] =	vst v11;
	s8 =	smov.u32 s6;
	s6 =	smov.u32 s19  }
.Ltmp4:
0x12a: {  	v8 =	vld [tilespmem:s6+$0x91B0];
	(pc) =	sbr.rel @p1 .LBB2_11-.Ltmp4, $4  }
0x12b: {  	v7 =	vld [tilespmem:s6+$0x1180];
	v11 =	vmul.f32 v9, v4;
	v10 =	vmul.f32 v10, v6;
	[tilespmem:s8+$0x111B0] =	vst v14  }
0x12c: {  	v9 =	vld [tilespmem:s6+$0x9180]  }
0x12d: {  	v6 =	vld [tilespmem:s6+$0x1190];
	[tilespmem:s8+$0x11180] =	vst v11;
	v11 =	vmul.f32 v10, v4;
	v12 =	vmul.f32 v12, v13  }
0x12e: {  	s17 =	sadd.s32 $0x200, s17;
	s18 =	sadd.s32 $0x40, s18;
	v10 =	vld [tilespmem:s6+$0x9190]  }
0x12f: {  	v13 =	vld [tilespmem:s6+$0x11A0]  }
0x130: {  	v14 =	vld [tilespmem:s6+$0x91A0];
	_ =	sdelay $0x1  }
0x131: {  	v5 =	vmul.f32 v8, v5  }
0x132: {  	v8 =	vmul.f32 v12, v4;
	v7 =	vmul.f32 v9, v7  }
0x133: {  	[tilespmem:s8+$0x11190] =	vst v11;
	v5 =	vmul.f32 v5, v4;
	v6 =	vmul.f32 v10, v6  }
0x134: {  	p1 =	por $0x0, $0x0;
	[tilespmem:s8+$0x111A0] =	vst v8;
	s8 =	simm.s32 $0x1;
	v7 =	vmul.f32 v7, v4;
	v8 =	vmul.f32 v14, v13  }
0x135: {  	s8 =	simm.s32 @!p1 $0x0;
	[tilespmem:s6+$0x111B0] =	vst v5;
	v5 =	vmul.f32 v6, v4  }
0x136: {  	s8 =	sshll.u32 s8, $0x6;
	[tilespmem:s6+$0x11180] =	vst v7;
	v4 =	vmul.f32 v8, v4  }
0x137: {  	s16 =	sadd.s32 $0x0, s8;
	[tilespmem:s6+$0x11190] =	vst v5  }
0x138: {  	s23 =	sor.u32 $0x230, s16;
	[tilespmem:s6+$0x111A0] =	vst v4  }
0x139: {  	v6 =	vld [tilespmem:s23+$0x1000]  }
0x13a: {  	s8 =	sor.u32 $0x200, s16;
	v7 =	vld [tilespmem:s23+$0x9000]  }
0x13b: {  	v9 =	vld [tilespmem:s8+$0x1000]  }
0x13c: {  	s17 =	simm.s32 $0x1;
	p1 =	por !p1, !p1;
	s6 =	sor.u32 $0x210, s16;
	v10 =	vld [tilespmem:s8+$0x9000]  }
0x13d: {  	s17 =	simm.s32 @!p1 $0x0;
	v12 =	vld [tilespmem:s6+$0x1000]  }
0x13e: {  	s17 =	sshll.u32 s17, $0x6;
	s16 =	sor.u32 $0x220, s16;
	v13 =	vld [tilespmem:s6+$0x9000]  }
0x13f: {  	s18 =	sadd.s32 $0x200, s17;
	v5 =	vld [tilespmem:s16+$0x1000]  }
0x140: {  	s17 =	sor.u32 $0x230, s18;
	v4 =	vbroadcast v3, $0x4;
	v8 =	vld [tilespmem:s16+$0x9000];
	v7 =	vmul.f32 v7, v6  }
0x141: {  	v6 =	vld [tilespmem:s17+$0x1000]  }
0x142: {  	s20 =	sor.u32 $0x200, s18;
	v10 =	vmul.f32 v10, v9;
	v9 =	vld [tilespmem:s17+$0x9000];
	v14 =	vmul.f32 v7, v4  }
0x143: {  	s21 =	simm.s32 $0x4;
	s22 =	simm.s32 $0x200;
	v7 =	vld [tilespmem:s20+$0x1000]  }
0x144: {  	p1 =	por !p1, !p1;
	s19 =	sor.u32 $0x210, s18;
	s18 =	sor.u32 $0x220, s18;
	v12 =	vmul.f32 v13, v12;
	v11 =	vmul.f32 v10, v4;
	v10 =	vld [tilespmem:s20+$0x9000];
	[tilespmem:s23+$0x11000] =	vst v14  }
.LBB2_13:
0x145: {  	s23 =	simm.s32 $0x1  }
0x146: {  	s23 =	simm.s32 @!p1 $0x0  }
0x147: {  	v13 =	vld [tilespmem:s19+$0x1000];
	[tilespmem:s8+$0x11000] =	vst v11;
	v11 =	vmul.f32 v12, v4;
	v8 =	vmul.f32 v8, v5;
	s8 =	smov.u32 s20;
	s22 =	sadd.s32 $0x200, s22;
	s20 =	sshll.u32 s23, $0x6  }
0x148: {  	s21 =	sadd.s32 $0x4, s21;
	v12 =	vld [tilespmem:s19+$0x9000];
	s23 =	sadd.s32 s20, s22  }
0x149: {  	p2 =	slt.u32 s21, $0x3C;
	v9 =	vmul.f32 v9, v6;
	v5 =	vld [tilespmem:s18+$0x1000];
	[tilespmem:s6+$0x11000] =	vst v11;
	v11 =	vmul.f32 v8, v4;
	s6 =	smov.u32 s19;
	s20 =	sor.u32 $0x200, s23  }
.Ltmp5:
0x14a: {  	s19 =	sor.u32 $0x210, s23;
	s24 =	sor.u32 $0x230, s23;
	v8 =	vld [tilespmem:s18+$0x9000];
	(pc) =	sbr.rel @p2 .LBB2_13-.Ltmp5, $4  }
0x14b: {  	v10 =	vmul.f32 v10, v7;
	v14 =	vmul.f32 v9, v4;
	v6 =	vld [tilespmem:s24+$0x1000];
	[tilespmem:s16+$0x11000] =	vst v11;
	s16 =	smov.u32 s18;
	s18 =	sor.u32 $0x220, s23  }
0x14c: {  	v9 =	vld [tilespmem:s24+$0x9000]  }
0x14d: {  	v11 =	vmul.f32 v10, v4;
	v7 =	vld [tilespmem:s20+$0x1000];
	v12 =	vmul.f32 v12, v13;
	[tilespmem:s17+$0x11000] =	vst v14;
	s17 =	smov.u32 s24  }
0x14e: {  	p1 =	por !p1, !p1;
	v10 =	vld [tilespmem:s20+$0x9000]  }
0x14f: {  	v13 =	vld [tilespmem:s19+$0x1000]  }
0x150: {  	v14 =	vld [tilespmem:s19+$0x9000]  }
0x151: {  	v15 =	vld [tilespmem:s18+$0x1000]  }
0x152: {  	v16 =	vld [tilespmem:s18+$0x9000]  }
0x153: {  	v5 =	vmul.f32 v8, v5  }
0x154: {  	v8 =	vmul.f32 v12, v4;
	v6 =	vmul.f32 v9, v6  }
0x155: {  	[tilespmem:s8+$0x11000] =	vst v11;
	v5 =	vmul.f32 v5, v4;
	v7 =	vmul.f32 v10, v7  }
0x156: {  	[tilespmem:s6+$0x11000] =	vst v8;
	v6 =	vmul.f32 v6, v4;
	v8 =	vmul.f32 v14, v13  }
0x157: {  	p1 =	por $0x0, $0x0;
	s6 =	simm.s32 $0x1;
	[tilespmem:s16+$0x11000] =	vst v5;
	v5 =	vmul.f32 v7, v4;
	v7 =	vmul.f32 v16, v15  }
0x158: {  	s6 =	simm.s32 @!p1 $0x0;
	[tilespmem:s17+$0x11000] =	vst v6;
	v6 =	vmul.f32 v8, v4  }
0x159: {  	s6 =	sshll.u32 s6, $0x6;
	[tilespmem:s20+$0x11000] =	vst v5;
	v4 =	vmul.f32 v7, v4  }
0x15a: {  	s24 =	sadd.s32 $0x0, s6;
	[tilespmem:s19+$0x11000] =	vst v6  }
0x15b: {  	s23 =	sor.u32 $0x2B0, s24;
	[tilespmem:s18+$0x11000] =	vst v4  }
0x15c: {  	v6 =	vld [tilespmem:s23+$0x1000]  }
0x15d: {  	s8 =	sor.u32 $0x280, s24;
	v7 =	vld [tilespmem:s23+$0x9000]  }
0x15e: {  	v9 =	vld [tilespmem:s8+$0x1000]  }
0x15f: {  	p1 =	por !p1, !p1;
	s6 =	sor.u32 $0x290, s24;
	s17 =	simm.s32 $0x1;
	v10 =	vld [tilespmem:s8+$0x9000]  }
0x160: {  	s17 =	simm.s32 @!p1 $0x0;
	v12 =	vld [tilespmem:s6+$0x1000]  }
0x161: {  	s16 =	sor.u32 $0x2A0, s24;
	s17 =	sshll.u32 s17, $0x6;
	v13 =	vld [tilespmem:s6+$0x9000]  }
0x162: {  	s25 =	sadd.s32 $0x200, s17;
	v5 =	vld [tilespmem:s16+$0x1000]  }
0x163: {  	v4 =	vbroadcast v3, $0x5;
	s17 =	sor.u32 $0x2B0, s25;
	v8 =	vld [tilespmem:s16+$0x9000];
	v7 =	vmul.f32 v7, v6  }
0x164: {  	v6 =	vld [tilespmem:s17+$0x1000]  }
0x165: {  	s20 =	sor.u32 $0x280, s25;
	v10 =	vmul.f32 v10, v9;
	v9 =	vld [tilespmem:s17+$0x9000];
	v14 =	vmul.f32 v7, v4  }
0x166: {  	s21 =	simm.s32 $0x4;
	s22 =	simm.s32 $0x200;
	v7 =	vld [tilespmem:s20+$0x1000]  }
0x167: {  	p1 =	por !p1, !p1;
	s19 =	sor.u32 $0x290, s25;
	s18 =	sor.u32 $0x2A0, s25;
	v12 =	vmul.f32 v13, v12;
	v11 =	vmul.f32 v10, v4;
	v10 =	vld [tilespmem:s20+$0x9000];
	[tilespmem:s23+$0x11000] =	vst v14  }
.LBB2_15:
0x168: {  	s23 =	simm.s32 $0x1  }
0x169: {  	s23 =	simm.s32 @!p1 $0x0  }
0x16a: {  	v13 =	vld [tilespmem:s19+$0x1000];
	[tilespmem:s8+$0x11000] =	vst v11;
	v11 =	vmul.f32 v12, v4;
	v8 =	vmul.f32 v8, v5;
	s8 =	smov.u32 s20;
	s22 =	sadd.s32 $0x200, s22;
	s20 =	sshll.u32 s23, $0x6  }
0x16b: {  	s21 =	sadd.s32 $0x4, s21;
	v12 =	vld [tilespmem:s19+$0x9000];
	s23 =	sadd.s32 s20, s22  }
0x16c: {  	p2 =	slt.u32 s21, $0x3C;
	v9 =	vmul.f32 v9, v6;
	v5 =	vld [tilespmem:s18+$0x1000];
	[tilespmem:s6+$0x11000] =	vst v11;
	v11 =	vmul.f32 v8, v4;
	s6 =	smov.u32 s19;
	s20 =	sor.u32 $0x280, s23  }
.Ltmp6:
0x16d: {  	s19 =	sor.u32 $0x290, s23;
	s24 =	sor.u32 $0x2B0, s23;
	v8 =	vld [tilespmem:s18+$0x9000];
	(pc) =	sbr.rel @p2 .LBB2_15-.Ltmp6, $4  }
0x16e: {  	v10 =	vmul.f32 v10, v7;
	v14 =	vmul.f32 v9, v4;
	v6 =	vld [tilespmem:s24+$0x1000];
	[tilespmem:s16+$0x11000] =	vst v11;
	s16 =	smov.u32 s18;
	s18 =	sor.u32 $0x2A0, s23  }
0x16f: {  	v9 =	vld [tilespmem:s24+$0x9000]  }
0x170: {  	v11 =	vmul.f32 v10, v4;
	v7 =	vld [tilespmem:s20+$0x1000];
	v12 =	vmul.f32 v12, v13;
	[tilespmem:s17+$0x11000] =	vst v14;
	s17 =	smov.u32 s24  }
0x171: {  	p1 =	por !p1, !p1;
	v10 =	vld [tilespmem:s20+$0x9000]  }
0x172: {  	v13 =	vld [tilespmem:s19+$0x1000]  }
0x173: {  	v14 =	vld [tilespmem:s19+$0x9000]  }
0x174: {  	v15 =	vld [tilespmem:s18+$0x1000]  }
0x175: {  	v16 =	vld [tilespmem:s18+$0x9000]  }
0x176: {  	v5 =	vmul.f32 v8, v5  }
0x177: {  	v8 =	vmul.f32 v12, v4;
	v6 =	vmul.f32 v9, v6  }
0x178: {  	[tilespmem:s8+$0x11000] =	vst v11;
	v5 =	vmul.f32 v5, v4;
	v7 =	vmul.f32 v10, v7  }
0x179: {  	[tilespmem:s6+$0x11000] =	vst v8;
	v6 =	vmul.f32 v6, v4;
	v8 =	vmul.f32 v14, v13  }
0x17a: {  	p1 =	por $0x0, $0x0;
	s6 =	simm.s32 $0x1;
	[tilespmem:s16+$0x11000] =	vst v5;
	v5 =	vmul.f32 v7, v4;
	v7 =	vmul.f32 v16, v15  }
0x17b: {  	s6 =	simm.s32 @!p1 $0x0;
	[tilespmem:s17+$0x11000] =	vst v6;
	v6 =	vmul.f32 v8, v4  }
0x17c: {  	s6 =	sshll.u32 s6, $0x6;
	[tilespmem:s20+$0x11000] =	vst v5;
	v4 =	vmul.f32 v7, v4  }
0x17d: {  	s24 =	sadd.s32 $0x0, s6;
	[tilespmem:s19+$0x11000] =	vst v6  }
0x17e: {  	s23 =	sor.u32 $0x330, s24;
	[tilespmem:s18+$0x11000] =	vst v4  }
0x17f: {  	v6 =	vld [tilespmem:s23+$0x1000]  }
0x180: {  	s8 =	sor.u32 $0x300, s24;
	v7 =	vld [tilespmem:s23+$0x9000]  }
0x181: {  	v9 =	vld [tilespmem:s8+$0x1000]  }
0x182: {  	p1 =	por !p1, !p1;
	s6 =	sor.u32 $0x310, s24;
	s17 =	simm.s32 $0x1;
	v10 =	vld [tilespmem:s8+$0x9000]  }
0x183: {  	s17 =	simm.s32 @!p1 $0x0;
	v12 =	vld [tilespmem:s6+$0x1000]  }
0x184: {  	s16 =	sor.u32 $0x320, s24;
	s17 =	sshll.u32 s17, $0x6;
	v13 =	vld [tilespmem:s6+$0x9000]  }
0x185: {  	s25 =	sadd.s32 $0x200, s17;
	v5 =	vld [tilespmem:s16+$0x1000]  }
0x186: {  	v4 =	vbroadcast v3, $0x6;
	s17 =	sor.u32 $0x330, s25;
	v8 =	vld [tilespmem:s16+$0x9000];
	v7 =	vmul.f32 v7, v6  }
0x187: {  	v6 =	vld [tilespmem:s17+$0x1000]  }
0x188: {  	s20 =	sor.u32 $0x300, s25;
	v10 =	vmul.f32 v10, v9;
	v9 =	vld [tilespmem:s17+$0x9000];
	v14 =	vmul.f32 v7, v4  }
0x189: {  	s21 =	simm.s32 $0x4;
	s22 =	simm.s32 $0x200;
	v7 =	vld [tilespmem:s20+$0x1000]  }
0x18a: {  	p1 =	por !p1, !p1;
	s19 =	sor.u32 $0x310, s25;
	s18 =	sor.u32 $0x320, s25;
	v12 =	vmul.f32 v13, v12;
	v11 =	vmul.f32 v10, v4;
	v10 =	vld [tilespmem:s20+$0x9000];
	[tilespmem:s23+$0x11000] =	vst v14  }
.LBB2_17:
0x18b: {  	s23 =	simm.s32 $0x1  }
0x18c: {  	s23 =	simm.s32 @!p1 $0x0  }
0x18d: {  	v13 =	vld [tilespmem:s19+$0x1000];
	[tilespmem:s8+$0x11000] =	vst v11;
	v11 =	vmul.f32 v12, v4;
	v8 =	vmul.f32 v8, v5;
	s8 =	smov.u32 s20;
	s22 =	sadd.s32 $0x200, s22;
	s20 =	sshll.u32 s23, $0x6  }
0x18e: {  	s21 =	sadd.s32 $0x4, s21;
	v12 =	vld [tilespmem:s19+$0x9000];
	s23 =	sadd.s32 s20, s22  }
0x18f: {  	p2 =	slt.u32 s21, $0x3C;
	v9 =	vmul.f32 v9, v6;
	v5 =	vld [tilespmem:s18+$0x1000];
	[tilespmem:s6+$0x11000] =	vst v11;
	v11 =	vmul.f32 v8, v4;
	s6 =	smov.u32 s19;
	s20 =	sor.u32 $0x300, s23  }
.Ltmp7:
0x190: {  	s19 =	sor.u32 $0x310, s23;
	s24 =	sor.u32 $0x330, s23;
	v8 =	vld [tilespmem:s18+$0x9000];
	(pc) =	sbr.rel @p2 .LBB2_17-.Ltmp7, $4  }
0x191: {  	v10 =	vmul.f32 v10, v7;
	v14 =	vmul.f32 v9, v4;
	v6 =	vld [tilespmem:s24+$0x1000];
	[tilespmem:s16+$0x11000] =	vst v11;
	s16 =	smov.u32 s18;
	s18 =	sor.u32 $0x320, s23  }
0x192: {  	v9 =	vld [tilespmem:s24+$0x9000]  }
0x193: {  	v11 =	vmul.f32 v10, v4;
	v7 =	vld [tilespmem:s20+$0x1000];
	v12 =	vmul.f32 v12, v13;
	[tilespmem:s17+$0x11000] =	vst v14;
	s17 =	smov.u32 s24  }
0x194: {  	p1 =	por !p1, !p1;
	v10 =	vld [tilespmem:s20+$0x9000]  }
0x195: {  	v13 =	vld [tilespmem:s19+$0x1000]  }
0x196: {  	v14 =	vld [tilespmem:s19+$0x9000]  }
0x197: {  	v15 =	vld [tilespmem:s18+$0x1000]  }
0x198: {  	v16 =	vld [tilespmem:s18+$0x9000]  }
0x199: {  	v5 =	vmul.f32 v8, v5  }
0x19a: {  	v8 =	vmul.f32 v12, v4;
	v6 =	vmul.f32 v9, v6  }
0x19b: {  	[tilespmem:s8+$0x11000] =	vst v11;
	v5 =	vmul.f32 v5, v4;
	v7 =	vmul.f32 v10, v7  }
0x19c: {  	[tilespmem:s6+$0x11000] =	vst v8;
	v6 =	vmul.f32 v6, v4;
	v8 =	vmul.f32 v14, v13  }
0x19d: {  	[tilespmem:s16+$0x11000] =	vst v5;
	v5 =	vmul.f32 v7, v4;
	v7 =	vmul.f32 v16, v15  }
0x19e: {  	[tilespmem:s17+$0x11000] =	vst v6;
	v6 =	vmul.f32 v8, v4  }
0x19f: {  	s21 =	simm.s32 $0x0;
	[tilespmem:s20+$0x11000] =	vst v5;
	v4 =	vmul.f32 v7, v4  }
0x1a0: {  	s22 =	sor.u32 s21, s21;
	[tilespmem:s19+$0x11000] =	vst v6  }
0x1a1: {  	s23 =	sor.u32 $0x3B0, s22;
	[tilespmem:s18+$0x11000] =	vst v4  }
0x1a2: {  	v5 =	vld [tilespmem:s23+$0x1000]  }
0x1a3: {  	s21 =	sor.u32 $0x380, s22;
	v6 =	vld [tilespmem:s23+$0x9000]  }
0x1a4: {  	v7 =	vld [tilespmem:s21+$0x1000]  }
0x1a5: {  	s6 =	sor.u32 $0x390, s22;
	v8 =	vld [tilespmem:s21+$0x9000]  }
0x1a6: {  	v9 =	vld [tilespmem:s6+$0x1000]  }
0x1a7: {  	s24 =	simm.s32 $0x200;
	s25 =	simm.s32 $0x40;
	s8 =	sor.u32 $0x3A0, s22;
	v10 =	vld [tilespmem:s6+$0x9000]  }
0x1a8: {  	s22 =	sor.u32 s25, s24;
	v12 =	vld [tilespmem:s8+$0x1000]  }
0x1a9: {  	s16 =	sor.u32 $0x3B0, s22;
	v13 =	vld [tilespmem:s8+$0x9000]  }
0x1aa: {  	v4 =	vbroadcast v3, $0x7;
	v5 =	vmul.f32 v6, v5;
	v6 =	vld [tilespmem:s16+$0x1000]  }
0x1ab: {  	s17 =	sor.u32 $0x380, s22;
	v7 =	vmul.f32 v8, v7;
	v8 =	vld [tilespmem:s16+$0x9000]  }
0x1ac: {  	v10 =	vmul.f32 v10, v9;
	v9 =	vld [tilespmem:s17+$0x9000];
	v11 =	vmul.f32 v5, v4  }
0x1ad: {  	s19 =	sor.u32 $0x390, s22;
	v5 =	vld [tilespmem:s17+$0x1000];
	v14 =	vmul.f32 v7, v4  }
0x1ae: {  	s20 =	simm.s32 $0x4;
	v12 =	vmul.f32 v13, v12;
	v7 =	vld [tilespmem:s19+$0x1000];
	[tilespmem:s23+$0x11000] =	vst v11;
	v11 =	vmul.f32 v10, v4  }
0x1af: {  	s18 =	sor.u32 $0x3A0, s22;
	s22 =	simm.s32 $0x80;
	[tilespmem:s21+$0x11000] =	vst v14;
	v10 =	vld [tilespmem:s19+$0x9000];
	s21 =	simm.s32 $0x400  }
.LBB2_19:
0x1b0: {  	s23 =	sor.u32 s22, s21;
	v13 =	vld [tilespmem:s18+$0x1000];
	v8 =	vmul.f32 v8, v6;
	[tilespmem:s6+$0x11000] =	vst v11;
	v11 =	vmul.f32 v12, v4;
	s6 =	smov.u32 s19  }
0x1b1: {  	s20 =	sadd.s32 $0x4, s20;
	s24 =	sor.u32 $0x380, s23;
	s25 =	sor.u32 $0x3B0, s23;
	v12 =	vld [tilespmem:s18+$0x9000]  }
0x1b2: {  	s19 =	sor.u32 $0x390, s23;
	s23 =	sor.u32 $0x3A0, s23;
	p1 =	slt.u32 s20, $0x3C;
	v6 =	vld [tilespmem:s25+$0x1000];
	v9 =	vmul.f32 v9, v5;
	v14 =	vmul.f32 v8, v4;
	[tilespmem:s8+$0x11000] =	vst v11  }
.Ltmp8:
0x1b3: {  	s8 =	smov.u32 s18;
	s18 =	smov.u32 s23;
	v8 =	vld [tilespmem:s25+$0x9000];
	(pc) =	sbr.rel @p1 .LBB2_19-.Ltmp8, $4  }
0x1b4: {  	v5 =	vld [tilespmem:s24+$0x1000];
	v11 =	vmul.f32 v9, v4;
	v10 =	vmul.f32 v10, v7;
	[tilespmem:s16+$0x11000] =	vst v14;
	s16 =	smov.u32 s25  }
0x1b5: {  	v9 =	vld [tilespmem:s24+$0x9000]  }
0x1b6: {  	v7 =	vld [tilespmem:s19+$0x1000];
	[tilespmem:s17+$0x11000] =	vst v11;
	v11 =	vmul.f32 v10, v4;
	v12 =	vmul.f32 v12, v13;
	s17 =	smov.u32 s24  }
0x1b7: {  	s21 =	sadd.s32 $0x200, s21;
	s22 =	sadd.s32 $0x40, s22;
	v10 =	vld [tilespmem:s19+$0x9000]  }
0x1b8: {  	v13 =	vld [tilespmem:s18+$0x1000]  }
0x1b9: {  	v14 =	vld [tilespmem:s18+$0x9000];
	_ =	sdelay $0x1  }
0x1ba: {  	v6 =	vmul.f32 v8, v6  }
0x1bb: {  	v8 =	vmul.f32 v12, v4;
	v5 =	vmul.f32 v9, v5  }
0x1bc: {  	[tilespmem:s6+$0x11000] =	vst v11;
	v6 =	vmul.f32 v6, v4;
	v7 =	vmul.f32 v10, v7  }
0x1bd: {  	[tilespmem:s8+$0x11000] =	vst v8;
	v5 =	vmul.f32 v5, v4;
	v8 =	vmul.f32 v14, v13  }
0x1be: {  	[tilespmem:s16+$0x11000] =	vst v6;
	v6 =	vmul.f32 v7, v4  }
0x1bf: {  	s22 =	simm.s32 $0x0;
	[tilespmem:s17+$0x11000] =	vst v5;
	v4 =	vmul.f32 v8, v4  }
0x1c0: {  	s23 =	sand.u32 $0x40, s22;
	s6 =	sand.u32 $0x1C00, s22;
	[tilespmem:s19+$0x11000] =	vst v6  }
0x1c1: {  	s6 =	sor.u32 s23, s6;
	[tilespmem:s18+$0x11000] =	vst v4  }
0x1c2: {  	v5 =	vld [tilespmem:s6+$0x3030]  }
0x1c3: {  	v6 =	vld [tilespmem:s6+$0xB030]  }
0x1c4: {  	v7 =	vld [tilespmem:s6+$0x3000]  }
0x1c5: {  	v8 =	vld [tilespmem:s6+$0xB000]  }
0x1c6: {  	v9 =	vld [tilespmem:s6+$0x3010]  }
0x1c7: {  	s24 =	simm.s32 $0x200;
	s25 =	simm.s32 $0x40;
	v10 =	vld [tilespmem:s6+$0xB010]  }
0x1c8: {  	s8 =	sand.u32 $0x1C00, s24;
	s16 =	sand.u32 $0x40, s25;
	v12 =	vld [tilespmem:s6+$0x3020]  }
0x1c9: {  	s8 =	sor.u32 s16, s8;
	v4 =	vbroadcast v3, $0x8;
	v13 =	vld [tilespmem:s6+$0xB020];
	v6 =	vmul.f32 v6, v5  }
0x1ca: {  	v5 =	vld [tilespmem:s8+$0x3030];
	v11 =	vmul.f32 v8, v7  }
0x1cb: {  	v8 =	vld [tilespmem:s8+$0xB030];
	v6 =	vmul.f32 v6, v4  }
0x1cc: {  	v7 =	vld [tilespmem:s8+$0x3000];
	v10 =	vmul.f32 v10, v9;
	v11 =	vmul.f32 v11, v4  }
0x1cd: {  	v9 =	vld [tilespmem:s8+$0xB000];
	[tilespmem:s6+$0x13030] =	vst v6  }
0x1ce: {  	v12 =	vmul.f32 v13, v12;
	v6 =	vld [tilespmem:s8+$0x3010];
	[tilespmem:s6+$0x13000] =	vst v11;
	v11 =	vmul.f32 v10, v4  }
0x1cf: {  	s16 =	simm.s32 $0x4;
	s17 =	simm.s32 $0x400;
	s18 =	simm.s32 $0x80;
	v10 =	vld [tilespmem:s8+$0xB010]  }
.LBB2_21:
0x1d0: {  	s19 =	sand.u32 $0x40, s18;
	s20 =	sand.u32 $0x1C00, s17;
	v13 =	vld [tilespmem:s8+$0x3020];
	v8 =	vmul.f32 v8, v5;
	[tilespmem:s6+$0x13010] =	vst v11;
	v11 =	vmul.f32 v12, v4  }
0x1d1: {  	s16 =	sadd.s32 $0x4, s16;
	s19 =	sor.u32 s19, s20;
	v12 =	vld [tilespmem:s8+$0xB020]  }
0x1d2: {  	p1 =	slt.u32 s16, $0x3C;
	v5 =	vld [tilespmem:s19+$0x3030];
	v9 =	vmul.f32 v9, v7;
	v14 =	vmul.f32 v8, v4;
	[tilespmem:s6+$0x13020] =	vst v11;
	s6 =	smov.u32 s8;
	s8 =	smov.u32 s19  }
.Ltmp9:
0x1d3: {  	v8 =	vld [tilespmem:s8+$0xB030];
	(pc) =	sbr.rel @p1 .LBB2_21-.Ltmp9, $4  }
0x1d4: {  	v7 =	vld [tilespmem:s8+$0x3000];
	v11 =	vmul.f32 v9, v4;
	v10 =	vmul.f32 v10, v6;
	[tilespmem:s6+$0x13030] =	vst v14  }
0x1d5: {  	v9 =	vld [tilespmem:s8+$0xB000]  }
0x1d6: {  	v6 =	vld [tilespmem:s8+$0x3010];
	[tilespmem:s6+$0x13000] =	vst v11;
	v11 =	vmul.f32 v10, v4;
	v12 =	vmul.f32 v12, v13  }
0x1d7: {  	s17 =	sadd.s32 $0x200, s17;
	s18 =	sadd.s32 $0x40, s18;
	v10 =	vld [tilespmem:s8+$0xB010]  }
0x1d8: {  	v13 =	vld [tilespmem:s8+$0x3020]  }
0x1d9: {  	v14 =	vld [tilespmem:s8+$0xB020];
	_ =	sdelay $0x1  }
0x1da: {  	v5 =	vmul.f32 v8, v5  }
0x1db: {  	v8 =	vmul.f32 v12, v4;
	v7 =	vmul.f32 v9, v7  }
0x1dc: {  	[tilespmem:s6+$0x13010] =	vst v11;
	v5 =	vmul.f32 v5, v4;
	v6 =	vmul.f32 v10, v6  }
0x1dd: {  	[tilespmem:s6+$0x13020] =	vst v8;
	v7 =	vmul.f32 v7, v4;
	v8 =	vmul.f32 v14, v13  }
0x1de: {  	[tilespmem:s8+$0x13030] =	vst v5;
	v5 =	vmul.f32 v6, v4  }
0x1df: {  	s23 =	simm.s32 $0x0;
	[tilespmem:s8+$0x13000] =	vst v7;
	v4 =	vmul.f32 v8, v4  }
0x1e0: {  	s16 =	sand.u32 $0x40, s23;
	s6 =	sand.u32 $0x1C00, s23;
	[tilespmem:s8+$0x13010] =	vst v5  }
0x1e1: {  	s6 =	sor.u32 s16, s6;
	[tilespmem:s8+$0x13020] =	vst v4  }
0x1e2: {  	v5 =	vld [tilespmem:s6+$0x30B0]  }
0x1e3: {  	v6 =	vld [tilespmem:s6+$0xB0B0]  }
0x1e4: {  	v7 =	vld [tilespmem:s6+$0x3080]  }
0x1e5: {  	v8 =	vld [tilespmem:s6+$0xB080]  }
0x1e6: {  	v9 =	vld [tilespmem:s6+$0x3090]  }
0x1e7: {  	s24 =	simm.s32 $0x200;
	s25 =	simm.s32 $0x40;
	v10 =	vld [tilespmem:s6+$0xB090]  }
0x1e8: {  	s16 =	sand.u32 $0x40, s25;
	s8 =	sand.u32 $0x1C00, s24;
	v12 =	vld [tilespmem:s6+$0x30A0]  }
0x1e9: {  	v4 =	vbroadcast v3, $0x9;
	s8 =	sor.u32 s16, s8;
	v13 =	vld [tilespmem:s6+$0xB0A0];
	v6 =	vmul.f32 v6, v5  }
0x1ea: {  	v5 =	vld [tilespmem:s8+$0x30B0];
	v11 =	vmul.f32 v8, v7  }
0x1eb: {  	v8 =	vld [tilespmem:s8+$0xB0B0];
	v6 =	vmul.f32 v6, v4  }
0x1ec: {  	v7 =	vld [tilespmem:s8+$0x3080];
	v10 =	vmul.f32 v10, v9;
	v11 =	vmul.f32 v11, v4  }
0x1ed: {  	v9 =	vld [tilespmem:s8+$0xB080];
	[tilespmem:s6+$0x130B0] =	vst v6  }
0x1ee: {  	v12 =	vmul.f32 v13, v12;
	v6 =	vld [tilespmem:s8+$0x3090];
	[tilespmem:s6+$0x13080] =	vst v11;
	v11 =	vmul.f32 v10, v4  }
0x1ef: {  	s17 =	simm.s32 $0x400;
	s18 =	simm.s32 $0x80;
	s16 =	simm.s32 $0x4;
	v10 =	vld [tilespmem:s8+$0xB090]  }
.LBB2_23:
0x1f0: {  	s19 =	sand.u32 $0x40, s18;
	s20 =	sand.u32 $0x1C00, s17;
	v13 =	vld [tilespmem:s8+$0x30A0];
	v8 =	vmul.f32 v8, v5;
	[tilespmem:s6+$0x13090] =	vst v11;
	v11 =	vmul.f32 v12, v4  }
0x1f1: {  	s16 =	sadd.s32 $0x4, s16;
	s19 =	sor.u32 s19, s20;
	v12 =	vld [tilespmem:s8+$0xB0A0]  }
0x1f2: {  	p1 =	slt.u32 s16, $0x3C;
	v5 =	vld [tilespmem:s19+$0x30B0];
	v9 =	vmul.f32 v9, v7;
	v14 =	vmul.f32 v8, v4;
	[tilespmem:s6+$0x130A0] =	vst v11;
	s6 =	smov.u32 s8;
	s8 =	smov.u32 s19  }
.Ltmp10:
0x1f3: {  	v8 =	vld [tilespmem:s8+$0xB0B0];
	(pc) =	sbr.rel @p1 .LBB2_23-.Ltmp10, $4  }
0x1f4: {  	v7 =	vld [tilespmem:s8+$0x3080];
	v11 =	vmul.f32 v9, v4;
	v10 =	vmul.f32 v10, v6;
	[tilespmem:s6+$0x130B0] =	vst v14  }
0x1f5: {  	v9 =	vld [tilespmem:s8+$0xB080]  }
0x1f6: {  	v6 =	vld [tilespmem:s8+$0x3090];
	[tilespmem:s6+$0x13080] =	vst v11;
	v11 =	vmul.f32 v10, v4;
	v12 =	vmul.f32 v12, v13  }
0x1f7: {  	s17 =	sadd.s32 $0x200, s17;
	s18 =	sadd.s32 $0x40, s18;
	v10 =	vld [tilespmem:s8+$0xB090]  }
0x1f8: {  	v13 =	vld [tilespmem:s8+$0x30A0]  }
0x1f9: {  	v14 =	vld [tilespmem:s8+$0xB0A0];
	_ =	sdelay $0x1  }
0x1fa: {  	v5 =	vmul.f32 v8, v5  }
0x1fb: {  	v8 =	vmul.f32 v12, v4;
	v7 =	vmul.f32 v9, v7  }
0x1fc: {  	[tilespmem:s6+$0x13090] =	vst v11;
	v5 =	vmul.f32 v5, v4;
	v6 =	vmul.f32 v10, v6  }
0x1fd: {  	[tilespmem:s6+$0x130A0] =	vst v8;
	v7 =	vmul.f32 v7, v4;
	v8 =	vmul.f32 v14, v13  }
0x1fe: {  	[tilespmem:s8+$0x130B0] =	vst v5;
	v5 =	vmul.f32 v6, v4  }
0x1ff: {  	s23 =	simm.s32 $0x0;
	[tilespmem:s8+$0x13080] =	vst v7;
	v4 =	vmul.f32 v8, v4  }
0x200: {  	s16 =	sand.u32 $0x40, s23;
	s6 =	sand.u32 $0x1C00, s23;
	[tilespmem:s8+$0x13090] =	vst v5  }
0x201: {  	s6 =	sor.u32 s16, s6;
	[tilespmem:s8+$0x130A0] =	vst v4  }
0x202: {  	v5 =	vld [tilespmem:s6+$0x3130]  }
0x203: {  	v6 =	vld [tilespmem:s6+$0xB130]  }
0x204: {  	v7 =	vld [tilespmem:s6+$0x3100]  }
0x205: {  	v8 =	vld [tilespmem:s6+$0xB100]  }
0x206: {  	v9 =	vld [tilespmem:s6+$0x3110]  }
0x207: {  	s24 =	simm.s32 $0x200;
	s25 =	simm.s32 $0x40;
	v10 =	vld [tilespmem:s6+$0xB110]  }
0x208: {  	s16 =	sand.u32 $0x40, s25;
	s8 =	sand.u32 $0x1C00, s24;
	v12 =	vld [tilespmem:s6+$0x3120]  }
0x209: {  	v4 =	vbroadcast v3, $0xA;
	s8 =	sor.u32 s16, s8;
	v13 =	vld [tilespmem:s6+$0xB120];
	v6 =	vmul.f32 v6, v5  }
0x20a: {  	v5 =	vld [tilespmem:s8+$0x3130];
	v11 =	vmul.f32 v8, v7  }
0x20b: {  	v8 =	vld [tilespmem:s8+$0xB130];
	v6 =	vmul.f32 v6, v4  }
0x20c: {  	v7 =	vld [tilespmem:s8+$0x3100];
	v10 =	vmul.f32 v10, v9;
	v11 =	vmul.f32 v11, v4  }
0x20d: {  	v9 =	vld [tilespmem:s8+$0xB100];
	[tilespmem:s6+$0x13130] =	vst v6  }
0x20e: {  	v12 =	vmul.f32 v13, v12;
	v6 =	vld [tilespmem:s8+$0x3110];
	[tilespmem:s6+$0x13100] =	vst v11;
	v11 =	vmul.f32 v10, v4  }
0x20f: {  	s17 =	simm.s32 $0x400;
	s18 =	simm.s32 $0x80;
	s16 =	simm.s32 $0x4;
	v10 =	vld [tilespmem:s8+$0xB110]  }
.LBB2_25:
0x210: {  	s19 =	sand.u32 $0x40, s18;
	s20 =	sand.u32 $0x1C00, s17;
	v13 =	vld [tilespmem:s8+$0x3120];
	v8 =	vmul.f32 v8, v5;
	[tilespmem:s6+$0x13110] =	vst v11;
	v11 =	vmul.f32 v12, v4  }
0x211: {  	s16 =	sadd.s32 $0x4, s16;
	s19 =	sor.u32 s19, s20;
	v12 =	vld [tilespmem:s8+$0xB120]  }
0x212: {  	p1 =	slt.u32 s16, $0x3C;
	v5 =	vld [tilespmem:s19+$0x3130];
	v9 =	vmul.f32 v9, v7;
	v14 =	vmul.f32 v8, v4;
	[tilespmem:s6+$0x13120] =	vst v11;
	s6 =	smov.u32 s8;
	s8 =	smov.u32 s19  }
.Ltmp11:
0x213: {  	v8 =	vld [tilespmem:s8+$0xB130];
	(pc) =	sbr.rel @p1 .LBB2_25-.Ltmp11, $4  }
0x214: {  	v7 =	vld [tilespmem:s8+$0x3100];
	v11 =	vmul.f32 v9, v4;
	v10 =	vmul.f32 v10, v6;
	[tilespmem:s6+$0x13130] =	vst v14  }
0x215: {  	v9 =	vld [tilespmem:s8+$0xB100]  }
0x216: {  	v6 =	vld [tilespmem:s8+$0x3110];
	[tilespmem:s6+$0x13100] =	vst v11;
	v11 =	vmul.f32 v10, v4;
	v12 =	vmul.f32 v12, v13  }
0x217: {  	s17 =	sadd.s32 $0x200, s17;
	s18 =	sadd.s32 $0x40, s18;
	v10 =	vld [tilespmem:s8+$0xB110]  }
0x218: {  	v13 =	vld [tilespmem:s8+$0x3120]  }
0x219: {  	v14 =	vld [tilespmem:s8+$0xB120];
	_ =	sdelay $0x1  }
0x21a: {  	v5 =	vmul.f32 v8, v5  }
0x21b: {  	v8 =	vmul.f32 v12, v4;
	v7 =	vmul.f32 v9, v7  }
0x21c: {  	[tilespmem:s6+$0x13110] =	vst v11;
	v5 =	vmul.f32 v5, v4;
	v6 =	vmul.f32 v10, v6  }
0x21d: {  	[tilespmem:s6+$0x13120] =	vst v8;
	v7 =	vmul.f32 v7, v4;
	v8 =	vmul.f32 v14, v13  }
0x21e: {  	[tilespmem:s8+$0x13130] =	vst v5;
	v5 =	vmul.f32 v6, v4  }
0x21f: {  	s23 =	simm.s32 $0x0;
	[tilespmem:s8+$0x13100] =	vst v7;
	v4 =	vmul.f32 v8, v4  }
0x220: {  	s16 =	sand.u32 $0x40, s23;
	s6 =	sand.u32 $0x1C00, s23;
	[tilespmem:s8+$0x13110] =	vst v5  }
0x221: {  	[tilespmem:s8+$0x13120] =	vst v4;
	s8 =	sor.u32 s16, s6  }
0x222: {  	v5 =	vld [tilespmem:s8+$0x31B0]  }
0x223: {  	v6 =	vld [tilespmem:s8+$0xB1B0]  }
0x224: {  	v7 =	vld [tilespmem:s8+$0x3180]  }
0x225: {  	v8 =	vld [tilespmem:s8+$0xB180]  }
0x226: {  	v9 =	vld [tilespmem:s8+$0x3190]  }
0x227: {  	s24 =	simm.s32 $0x200;
	s25 =	simm.s32 $0x40;
	v10 =	vld [tilespmem:s8+$0xB190]  }
0x228: {  	s16 =	sand.u32 $0x40, s25;
	s6 =	sand.u32 $0x1C00, s24;
	v12 =	vld [tilespmem:s8+$0x31A0]  }
0x229: {  	v4 =	vbroadcast v3, $0xB;
	s6 =	sor.u32 s16, s6;
	v13 =	vld [tilespmem:s8+$0xB1A0];
	v6 =	vmul.f32 v6, v5  }
0x22a: {  	v5 =	vld [tilespmem:s6+$0x31B0];
	v11 =	vmul.f32 v8, v7  }
0x22b: {  	v8 =	vld [tilespmem:s6+$0xB1B0];
	v6 =	vmul.f32 v6, v4  }
0x22c: {  	v7 =	vld [tilespmem:s6+$0x3180];
	v10 =	vmul.f32 v10, v9;
	v11 =	vmul.f32 v11, v4  }
0x22d: {  	v9 =	vld [tilespmem:s6+$0xB180];
	[tilespmem:s8+$0x131B0] =	vst v6  }
0x22e: {  	v12 =	vmul.f32 v13, v12;
	v6 =	vld [tilespmem:s6+$0x3190];
	[tilespmem:s8+$0x13180] =	vst v11;
	v11 =	vmul.f32 v10, v4  }
0x22f: {  	s17 =	simm.s32 $0x400;
	s18 =	simm.s32 $0x80;
	s16 =	simm.s32 $0x4;
	v10 =	vld [tilespmem:s6+$0xB190]  }
.LBB2_27:
0x230: {  	s19 =	sand.u32 $0x40, s18;
	s20 =	sand.u32 $0x1C00, s17;
	v13 =	vld [tilespmem:s6+$0x31A0];
	v8 =	vmul.f32 v8, v5;
	[tilespmem:s8+$0x13190] =	vst v11;
	v11 =	vmul.f32 v12, v4  }
0x231: {  	s16 =	sadd.s32 $0x4, s16;
	s19 =	sor.u32 s19, s20;
	v12 =	vld [tilespmem:s6+$0xB1A0]  }
0x232: {  	p1 =	slt.u32 s16, $0x3C;
	v5 =	vld [tilespmem:s19+$0x31B0];
	v9 =	vmul.f32 v9, v7;
	v14 =	vmul.f32 v8, v4;
	[tilespmem:s8+$0x131A0] =	vst v11;
	s8 =	smov.u32 s6;
	s6 =	smov.u32 s19  }
.Ltmp12:
0x233: {  	v8 =	vld [tilespmem:s6+$0xB1B0];
	(pc) =	sbr.rel @p1 .LBB2_27-.Ltmp12, $4  }
0x234: {  	v7 =	vld [tilespmem:s6+$0x3180];
	v11 =	vmul.f32 v9, v4;
	v10 =	vmul.f32 v10, v6;
	[tilespmem:s8+$0x131B0] =	vst v14  }
0x235: {  	v9 =	vld [tilespmem:s6+$0xB180]  }
0x236: {  	v6 =	vld [tilespmem:s6+$0x3190];
	[tilespmem:s8+$0x13180] =	vst v11;
	v11 =	vmul.f32 v10, v4;
	v12 =	vmul.f32 v12, v13  }
0x237: {  	s17 =	sadd.s32 $0x200, s17;
	s18 =	sadd.s32 $0x40, s18;
	v10 =	vld [tilespmem:s6+$0xB190]  }
0x238: {  	v13 =	vld [tilespmem:s6+$0x31A0]  }
0x239: {  	v14 =	vld [tilespmem:s6+$0xB1A0];
	_ =	sdelay $0x1  }
0x23a: {  	v5 =	vmul.f32 v8, v5  }
0x23b: {  	v8 =	vmul.f32 v12, v4;
	v7 =	vmul.f32 v9, v7  }
0x23c: {  	[tilespmem:s8+$0x13190] =	vst v11;
	v5 =	vmul.f32 v5, v4;
	v6 =	vmul.f32 v10, v6  }
0x23d: {  	p1 =	por $0x0, $0x0;
	[tilespmem:s8+$0x131A0] =	vst v8;
	s8 =	simm.s32 $0x1;
	v7 =	vmul.f32 v7, v4;
	v8 =	vmul.f32 v14, v13  }
0x23e: {  	s8 =	simm.s32 @!p1 $0x0;
	[tilespmem:s6+$0x131B0] =	vst v5;
	v5 =	vmul.f32 v6, v4  }
0x23f: {  	s8 =	sshll.u32 s8, $0x6;
	[tilespmem:s6+$0x13180] =	vst v7;
	v4 =	vmul.f32 v8, v4  }
0x240: {  	s16 =	sadd.s32 $0x0, s8;
	[tilespmem:s6+$0x13190] =	vst v5  }
0x241: {  	s23 =	sor.u32 $0x2230, s16;
	[tilespmem:s6+$0x131A0] =	vst v4  }
0x242: {  	v6 =	vld [tilespmem:s23+$0x1000]  }
0x243: {  	s8 =	sor.u32 $0x2200, s16;
	v7 =	vld [tilespmem:s23+$0x9000]  }
0x244: {  	v9 =	vld [tilespmem:s8+$0x1000]  }
0x245: {  	s17 =	simm.s32 $0x1;
	p1 =	por !p1, !p1;
	s6 =	sor.u32 $0x2210, s16;
	v10 =	vld [tilespmem:s8+$0x9000]  }
0x246: {  	s17 =	simm.s32 @!p1 $0x0;
	v12 =	vld [tilespmem:s6+$0x1000]  }
0x247: {  	s17 =	sshll.u32 s17, $0x6;
	s16 =	sor.u32 $0x2220, s16;
	v13 =	vld [tilespmem:s6+$0x9000]  }
0x248: {  	s18 =	sadd.s32 $0x200, s17;
	v5 =	vld [tilespmem:s16+$0x1000]  }
0x249: {  	s17 =	sor.u32 $0x2230, s18;
	v4 =	vbroadcast v3, $0xC;
	v8 =	vld [tilespmem:s16+$0x9000];
	v7 =	vmul.f32 v7, v6  }
0x24a: {  	v6 =	vld [tilespmem:s17+$0x1000]  }
0x24b: {  	s20 =	sor.u32 $0x2200, s18;
	v10 =	vmul.f32 v10, v9;
	v9 =	vld [tilespmem:s17+$0x9000];
	v14 =	vmul.f32 v7, v4  }
0x24c: {  	s21 =	simm.s32 $0x4;
	s22 =	simm.s32 $0x200;
	v7 =	vld [tilespmem:s20+$0x1000]  }
0x24d: {  	p1 =	por !p1, !p1;
	s19 =	sor.u32 $0x2210, s18;
	s18 =	sor.u32 $0x2220, s18;
	v12 =	vmul.f32 v13, v12;
	v11 =	vmul.f32 v10, v4;
	v10 =	vld [tilespmem:s20+$0x9000];
	[tilespmem:s23+$0x11000] =	vst v14  }
.LBB2_29:
0x24e: {  	s23 =	simm.s32 $0x1  }
0x24f: {  	s23 =	simm.s32 @!p1 $0x0  }
0x250: {  	v13 =	vld [tilespmem:s19+$0x1000];
	[tilespmem:s8+$0x11000] =	vst v11;
	v11 =	vmul.f32 v12, v4;
	v8 =	vmul.f32 v8, v5;
	s8 =	smov.u32 s20;
	s22 =	sadd.s32 $0x200, s22;
	s20 =	sshll.u32 s23, $0x6  }
0x251: {  	s21 =	sadd.s32 $0x4, s21;
	v12 =	vld [tilespmem:s19+$0x9000];
	s23 =	sadd.s32 s20, s22  }
0x252: {  	p2 =	slt.u32 s21, $0x3C;
	v9 =	vmul.f32 v9, v6;
	v5 =	vld [tilespmem:s18+$0x1000];
	[tilespmem:s6+$0x11000] =	vst v11;
	v11 =	vmul.f32 v8, v4;
	s6 =	smov.u32 s19;
	s20 =	sor.u32 $0x2200, s23  }
.Ltmp13:
0x253: {  	s19 =	sor.u32 $0x2210, s23;
	s24 =	sor.u32 $0x2230, s23;
	v8 =	vld [tilespmem:s18+$0x9000];
	(pc) =	sbr.rel @p2 .LBB2_29-.Ltmp13, $4  }
0x254: {  	v10 =	vmul.f32 v10, v7;
	v14 =	vmul.f32 v9, v4;
	v6 =	vld [tilespmem:s24+$0x1000];
	[tilespmem:s16+$0x11000] =	vst v11;
	s16 =	smov.u32 s18;
	s18 =	sor.u32 $0x2220, s23  }
0x255: {  	v9 =	vld [tilespmem:s24+$0x9000]  }
0x256: {  	v11 =	vmul.f32 v10, v4;
	v7 =	vld [tilespmem:s20+$0x1000];
	v12 =	vmul.f32 v12, v13;
	[tilespmem:s17+$0x11000] =	vst v14;
	s17 =	smov.u32 s24  }
0x257: {  	p1 =	por !p1, !p1;
	v10 =	vld [tilespmem:s20+$0x9000]  }
0x258: {  	v13 =	vld [tilespmem:s19+$0x1000]  }
0x259: {  	v14 =	vld [tilespmem:s19+$0x9000]  }
0x25a: {  	v15 =	vld [tilespmem:s18+$0x1000]  }
0x25b: {  	v16 =	vld [tilespmem:s18+$0x9000]  }
0x25c: {  	v5 =	vmul.f32 v8, v5  }
0x25d: {  	v8 =	vmul.f32 v12, v4;
	v6 =	vmul.f32 v9, v6  }
0x25e: {  	[tilespmem:s8+$0x11000] =	vst v11;
	v5 =	vmul.f32 v5, v4;
	v7 =	vmul.f32 v10, v7  }
0x25f: {  	[tilespmem:s6+$0x11000] =	vst v8;
	v6 =	vmul.f32 v6, v4;
	v8 =	vmul.f32 v14, v13  }
0x260: {  	p1 =	por $0x0, $0x0;
	s6 =	simm.s32 $0x1;
	[tilespmem:s16+$0x11000] =	vst v5;
	v5 =	vmul.f32 v7, v4;
	v7 =	vmul.f32 v16, v15  }
0x261: {  	s6 =	simm.s32 @!p1 $0x0;
	[tilespmem:s17+$0x11000] =	vst v6;
	v6 =	vmul.f32 v8, v4  }
0x262: {  	s6 =	sshll.u32 s6, $0x6;
	[tilespmem:s20+$0x11000] =	vst v5;
	v4 =	vmul.f32 v7, v4  }
0x263: {  	s24 =	sadd.s32 $0x0, s6;
	[tilespmem:s19+$0x11000] =	vst v6  }
0x264: {  	s23 =	sor.u32 $0x22B0, s24;
	[tilespmem:s18+$0x11000] =	vst v4  }
0x265: {  	v6 =	vld [tilespmem:s23+$0x1000]  }
0x266: {  	s8 =	sor.u32 $0x2280, s24;
	v7 =	vld [tilespmem:s23+$0x9000]  }
0x267: {  	v9 =	vld [tilespmem:s8+$0x1000]  }
0x268: {  	p1 =	por !p1, !p1;
	s6 =	sor.u32 $0x2290, s24;
	s17 =	simm.s32 $0x1;
	v10 =	vld [tilespmem:s8+$0x9000]  }
0x269: {  	s17 =	simm.s32 @!p1 $0x0;
	v12 =	vld [tilespmem:s6+$0x1000]  }
0x26a: {  	s16 =	sor.u32 $0x22A0, s24;
	s17 =	sshll.u32 s17, $0x6;
	v13 =	vld [tilespmem:s6+$0x9000]  }
0x26b: {  	s25 =	sadd.s32 $0x200, s17;
	v5 =	vld [tilespmem:s16+$0x1000]  }
0x26c: {  	v4 =	vbroadcast v3, $0xD;
	s17 =	sor.u32 $0x22B0, s25;
	v8 =	vld [tilespmem:s16+$0x9000];
	v7 =	vmul.f32 v7, v6  }
0x26d: {  	v6 =	vld [tilespmem:s17+$0x1000]  }
0x26e: {  	s20 =	sor.u32 $0x2280, s25;
	v10 =	vmul.f32 v10, v9;
	v9 =	vld [tilespmem:s17+$0x9000];
	v14 =	vmul.f32 v7, v4  }
0x26f: {  	s21 =	simm.s32 $0x4;
	s22 =	simm.s32 $0x200;
	v7 =	vld [tilespmem:s20+$0x1000]  }
0x270: {  	p1 =	por !p1, !p1;
	s19 =	sor.u32 $0x2290, s25;
	s18 =	sor.u32 $0x22A0, s25;
	v12 =	vmul.f32 v13, v12;
	v11 =	vmul.f32 v10, v4;
	v10 =	vld [tilespmem:s20+$0x9000];
	[tilespmem:s23+$0x11000] =	vst v14  }
.LBB2_31:
0x271: {  	s23 =	simm.s32 $0x1  }
0x272: {  	s23 =	simm.s32 @!p1 $0x0  }
0x273: {  	v13 =	vld [tilespmem:s19+$0x1000];
	[tilespmem:s8+$0x11000] =	vst v11;
	v11 =	vmul.f32 v12, v4;
	v8 =	vmul.f32 v8, v5;
	s8 =	smov.u32 s20;
	s22 =	sadd.s32 $0x200, s22;
	s20 =	sshll.u32 s23, $0x6  }
0x274: {  	s21 =	sadd.s32 $0x4, s21;
	v12 =	vld [tilespmem:s19+$0x9000];
	s23 =	sadd.s32 s20, s22  }
0x275: {  	p2 =	slt.u32 s21, $0x3C;
	v9 =	vmul.f32 v9, v6;
	v5 =	vld [tilespmem:s18+$0x1000];
	[tilespmem:s6+$0x11000] =	vst v11;
	v11 =	vmul.f32 v8, v4;
	s6 =	smov.u32 s19;
	s20 =	sor.u32 $0x2280, s23  }
.Ltmp14:
0x276: {  	s19 =	sor.u32 $0x2290, s23;
	s24 =	sor.u32 $0x22B0, s23;
	v8 =	vld [tilespmem:s18+$0x9000];
	(pc) =	sbr.rel @p2 .LBB2_31-.Ltmp14, $4  }
0x277: {  	v10 =	vmul.f32 v10, v7;
	v14 =	vmul.f32 v9, v4;
	v6 =	vld [tilespmem:s24+$0x1000];
	[tilespmem:s16+$0x11000] =	vst v11;
	s16 =	smov.u32 s18;
	s18 =	sor.u32 $0x22A0, s23  }
0x278: {  	v9 =	vld [tilespmem:s24+$0x9000]  }
0x279: {  	v11 =	vmul.f32 v10, v4;
	v7 =	vld [tilespmem:s20+$0x1000];
	v12 =	vmul.f32 v12, v13;
	[tilespmem:s17+$0x11000] =	vst v14;
	s17 =	smov.u32 s24  }
0x27a: {  	p1 =	por !p1, !p1;
	v10 =	vld [tilespmem:s20+$0x9000]  }
0x27b: {  	v13 =	vld [tilespmem:s19+$0x1000]  }
0x27c: {  	v14 =	vld [tilespmem:s19+$0x9000]  }
0x27d: {  	v15 =	vld [tilespmem:s18+$0x1000]  }
0x27e: {  	v16 =	vld [tilespmem:s18+$0x9000]  }
0x27f: {  	v5 =	vmul.f32 v8, v5  }
0x280: {  	v8 =	vmul.f32 v12, v4;
	v6 =	vmul.f32 v9, v6  }
0x281: {  	[tilespmem:s8+$0x11000] =	vst v11;
	v5 =	vmul.f32 v5, v4;
	v7 =	vmul.f32 v10, v7  }
0x282: {  	[tilespmem:s6+$0x11000] =	vst v8;
	v6 =	vmul.f32 v6, v4;
	v8 =	vmul.f32 v14, v13  }
0x283: {  	p1 =	por $0x0, $0x0;
	s6 =	simm.s32 $0x1;
	[tilespmem:s16+$0x11000] =	vst v5;
	v5 =	vmul.f32 v7, v4;
	v7 =	vmul.f32 v16, v15  }
0x284: {  	s6 =	simm.s32 @!p1 $0x0;
	[tilespmem:s17+$0x11000] =	vst v6;
	v6 =	vmul.f32 v8, v4  }
0x285: {  	s6 =	sshll.u32 s6, $0x6;
	[tilespmem:s20+$0x11000] =	vst v5;
	v4 =	vmul.f32 v7, v4  }
0x286: {  	s24 =	sadd.s32 $0x0, s6;
	[tilespmem:s19+$0x11000] =	vst v6  }
0x287: {  	s23 =	sor.u32 $0x2330, s24;
	[tilespmem:s18+$0x11000] =	vst v4  }
0x288: {  	v6 =	vld [tilespmem:s23+$0x1000]  }
0x289: {  	s8 =	sor.u32 $0x2300, s24;
	v7 =	vld [tilespmem:s23+$0x9000]  }
0x28a: {  	v9 =	vld [tilespmem:s8+$0x1000]  }
0x28b: {  	p1 =	por !p1, !p1;
	s6 =	sor.u32 $0x2310, s24;
	s17 =	simm.s32 $0x1;
	v10 =	vld [tilespmem:s8+$0x9000]  }
0x28c: {  	s17 =	simm.s32 @!p1 $0x0;
	v12 =	vld [tilespmem:s6+$0x1000]  }
0x28d: {  	s16 =	sor.u32 $0x2320, s24;
	s17 =	sshll.u32 s17, $0x6;
	v13 =	vld [tilespmem:s6+$0x9000]  }
0x28e: {  	s25 =	sadd.s32 $0x200, s17;
	v5 =	vld [tilespmem:s16+$0x1000]  }
0x28f: {  	v4 =	vbroadcast v3, $0xE;
	s17 =	sor.u32 $0x2330, s25;
	v8 =	vld [tilespmem:s16+$0x9000];
	v7 =	vmul.f32 v7, v6  }
0x290: {  	v6 =	vld [tilespmem:s17+$0x1000]  }
0x291: {  	s20 =	sor.u32 $0x2300, s25;
	v10 =	vmul.f32 v10, v9;
	v9 =	vld [tilespmem:s17+$0x9000];
	v14 =	vmul.f32 v7, v4  }
0x292: {  	s21 =	simm.s32 $0x4;
	s22 =	simm.s32 $0x200;
	v7 =	vld [tilespmem:s20+$0x1000]  }
0x293: {  	p1 =	por !p1, !p1;
	s19 =	sor.u32 $0x2310, s25;
	s18 =	sor.u32 $0x2320, s25;
	v12 =	vmul.f32 v13, v12;
	v11 =	vmul.f32 v10, v4;
	v10 =	vld [tilespmem:s20+$0x9000];
	[tilespmem:s23+$0x11000] =	vst v14  }
.LBB2_33:
0x294: {  	s23 =	simm.s32 $0x1  }
0x295: {  	s23 =	simm.s32 @!p1 $0x0  }
0x296: {  	v13 =	vld [tilespmem:s19+$0x1000];
	[tilespmem:s8+$0x11000] =	vst v11;
	v11 =	vmul.f32 v12, v4;
	v8 =	vmul.f32 v8, v5;
	s8 =	smov.u32 s20;
	s22 =	sadd.s32 $0x200, s22;
	s20 =	sshll.u32 s23, $0x6  }
0x297: {  	s21 =	sadd.s32 $0x4, s21;
	v12 =	vld [tilespmem:s19+$0x9000];
	s23 =	sadd.s32 s20, s22  }
0x298: {  	p2 =	slt.u32 s21, $0x3C;
	v9 =	vmul.f32 v9, v6;
	v5 =	vld [tilespmem:s18+$0x1000];
	[tilespmem:s6+$0x11000] =	vst v11;
	v11 =	vmul.f32 v8, v4;
	s6 =	smov.u32 s19;
	s20 =	sor.u32 $0x2300, s23  }
.Ltmp15:
0x299: {  	s19 =	sor.u32 $0x2310, s23;
	s24 =	sor.u32 $0x2330, s23;
	v8 =	vld [tilespmem:s18+$0x9000];
	(pc) =	sbr.rel @p2 .LBB2_33-.Ltmp15, $4  }
0x29a: {  	v10 =	vmul.f32 v10, v7;
	v14 =	vmul.f32 v9, v4;
	v6 =	vld [tilespmem:s24+$0x1000];
	[tilespmem:s16+$0x11000] =	vst v11;
	s16 =	smov.u32 s18;
	s18 =	sor.u32 $0x2320, s23  }
0x29b: {  	v9 =	vld [tilespmem:s24+$0x9000]  }
0x29c: {  	v11 =	vmul.f32 v10, v4;
	v7 =	vld [tilespmem:s20+$0x1000];
	v12 =	vmul.f32 v12, v13;
	[tilespmem:s17+$0x11000] =	vst v14;
	s17 =	smov.u32 s24  }
0x29d: {  	p1 =	por !p1, !p1;
	v10 =	vld [tilespmem:s20+$0x9000]  }
0x29e: {  	v13 =	vld [tilespmem:s19+$0x1000]  }
0x29f: {  	v14 =	vld [tilespmem:s19+$0x9000]  }
0x2a0: {  	v15 =	vld [tilespmem:s18+$0x1000]  }
0x2a1: {  	v16 =	vld [tilespmem:s18+$0x9000]  }
0x2a2: {  	v5 =	vmul.f32 v8, v5  }
0x2a3: {  	v8 =	vmul.f32 v12, v4;
	v6 =	vmul.f32 v9, v6  }
0x2a4: {  	[tilespmem:s8+$0x11000] =	vst v11;
	v5 =	vmul.f32 v5, v4;
	v7 =	vmul.f32 v10, v7  }
0x2a5: {  	[tilespmem:s6+$0x11000] =	vst v8;
	v6 =	vmul.f32 v6, v4;
	v8 =	vmul.f32 v14, v13  }
0x2a6: {  	[tilespmem:s16+$0x11000] =	vst v5;
	v5 =	vmul.f32 v7, v4;
	v7 =	vmul.f32 v16, v15  }
0x2a7: {  	[tilespmem:s17+$0x11000] =	vst v6;
	v6 =	vmul.f32 v8, v4  }
0x2a8: {  	s21 =	simm.s32 $0x0;
	[tilespmem:s20+$0x11000] =	vst v5;
	v4 =	vmul.f32 v7, v4  }
0x2a9: {  	s22 =	sor.u32 s21, s21;
	[tilespmem:s19+$0x11000] =	vst v6  }
0x2aa: {  	s23 =	sor.u32 $0x23B0, s22;
	[tilespmem:s18+$0x11000] =	vst v4  }
0x2ab: {  	v4 =	vld [tilespmem:s23+$0x1000]  }
0x2ac: {  	s21 =	sor.u32 $0x2380, s22;
	v5 =	vld [tilespmem:s23+$0x9000]  }
0x2ad: {  	v6 =	vld [tilespmem:s21+$0x1000]  }
0x2ae: {  	s6 =	sor.u32 $0x2390, s22;
	v7 =	vld [tilespmem:s21+$0x9000]  }
0x2af: {  	v8 =	vld [tilespmem:s6+$0x1000]  }
0x2b0: {  	s24 =	simm.s32 $0x200;
	s25 =	simm.s32 $0x40;
	s8 =	sor.u32 $0x23A0, s22;
	v9 =	vld [tilespmem:s6+$0x9000]  }
0x2b1: {  	s22 =	sor.u32 s25, s24;
	v11 =	vld [tilespmem:s8+$0x1000]  }
0x2b2: {  	s16 =	sor.u32 $0x23B0, s22;
	v62 =	vld [tilespmem:s8+$0x9000]  }
0x2b3: {  	v3 =	vbroadcast v3, $0xF;
	v4 =	vmul.f32 v5, v4;
	v5 =	vld [tilespmem:s16+$0x1000]  }
0x2b4: {  	s17 =	sor.u32 $0x2380, s22;
	v6 =	vmul.f32 v7, v6;
	v7 =	vld [tilespmem:s16+$0x9000]  }
0x2b5: {  	v9 =	vmul.f32 v9, v8;
	v8 =	vld [tilespmem:s17+$0x9000];
	v10 =	vmul.f32 v4, v3  }
0x2b6: {  	s19 =	sor.u32 $0x2390, s22;
	v4 =	vld [tilespmem:s17+$0x1000];
	v63 =	vmul.f32 v6, v3  }
0x2b7: {  	s20 =	simm.s32 $0x4;
	v11 =	vmul.f32 v62, v11;
	v6 =	vld [tilespmem:s19+$0x1000];
	[tilespmem:s23+$0x11000] =	vst v10;
	v10 =	vmul.f32 v9, v3  }
0x2b8: {  	s18 =	sor.u32 $0x23A0, s22;
	s22 =	simm.s32 $0x80;
	[tilespmem:s21+$0x11000] =	vst v63;
	v9 =	vld [tilespmem:s19+$0x9000];
	s21 =	simm.s32 $0x400  }
.LBB2_35:
0x2b9: {  	s23 =	sor.u32 s22, s21;
	v12 =	vld [tilespmem:s18+$0x1000];
	v7 =	vmul.f32 v7, v5;
	[tilespmem:s6+$0x11000] =	vst v10;
	v10 =	vmul.f32 v11, v3;
	s6 =	smov.u32 s19  }
0x2ba: {  	s20 =	sadd.s32 $0x4, s20;
	s24 =	sor.u32 $0x2380, s23;
	s25 =	sor.u32 $0x23B0, s23;
	v11 =	vld [tilespmem:s18+$0x9000]  }
0x2bb: {  	s19 =	sor.u32 $0x2390, s23;
	s23 =	sor.u32 $0x23A0, s23;
	p1 =	slt.u32 s20, $0x3C;
	v5 =	vld [tilespmem:s25+$0x1000];
	v8 =	vmul.f32 v8, v4;
	v13 =	vmul.f32 v7, v3;
	[tilespmem:s8+$0x11000] =	vst v10  }
.Ltmp16:
0x2bc: {  	s8 =	smov.u32 s18;
	s18 =	smov.u32 s23;
	v7 =	vld [tilespmem:s25+$0x9000];
	(pc) =	sbr.rel @p1 .LBB2_35-.Ltmp16, $4  }
0x2bd: {  	v4 =	vld [tilespmem:s24+$0x1000];
	v10 =	vmul.f32 v8, v3;
	v9 =	vmul.f32 v9, v6;
	[tilespmem:s16+$0x11000] =	vst v13;
	s16 =	smov.u32 s25  }
0x2be: {  	v8 =	vld [tilespmem:s24+$0x9000]  }
0x2bf: {  	v6 =	vld [tilespmem:s19+$0x1000];
	[tilespmem:s17+$0x11000] =	vst v10;
	v10 =	vmul.f32 v9, v3;
	v11 =	vmul.f32 v11, v12;
	s17 =	smov.u32 s24  }
0x2c0: {  	s21 =	sadd.s32 $0x200, s21;
	s22 =	sadd.s32 $0x40, s22;
	v9 =	vld [tilespmem:s19+$0x9000]  }
0x2c1: {  	v12 =	vld [tilespmem:s18+$0x1000]  }
0x2c2: {  	v13 =	vld [tilespmem:s18+$0x9000];
	_ =	sdelay $0x1  }
0x2c3: {  	v5 =	vmul.f32 v7, v5  }
0x2c4: {  	v7 =	vmul.f32 v11, v3;
	v4 =	vmul.f32 v8, v4  }
0x2c5: {  	[tilespmem:s6+$0x11000] =	vst v10;
	v5 =	vmul.f32 v5, v3;
	v6 =	vmul.f32 v9, v6  }
0x2c6: {  	[tilespmem:s8+$0x11000] =	vst v7;
	v4 =	vmul.f32 v4, v3;
	v7 =	vmul.f32 v13, v12  }
0x2c7: {  	[tilespmem:s16+$0x11000] =	vst v5;
	v5 =	vmul.f32 v6, v3  }
0x2c8: {  	s21 =	sadd.s32 s4, s15;
	[tilespmem:s17+$0x11000] =	vst v4;
	v3 =	vmul.f32 v7, v3  }
0x2c9: {  	s6 =	sshll.u32 s21, $0x7;
	[tilespmem:s19+$0x11000] =	vst v5  }
0x2ca: {  	s22 =	simm.s32 $0x11000;
	s6 =	sadd.s32 s5, s6;
	[tilespmem:s18+$0x11000] =	vst v3  }
0x2cb: {  	[hbm4b:s6+s3] =	stream.linear.scatter [tilespmem:s22], [sflag:$0x3], $0x4000, $0x38;
	[tilespmem:$0x19000] =	vst v63  }
0x2cc: {  	_ =	swait.ge [sflag:s7], $0x4000  }
0x2cd: {  	[sflag:s7] =	ssyncset.done $0x0  }
0x2ce: {  	[sflag:s7] =	ssyncadd.s32 $0xFFFFC000  }
0x2cf: {  	_ =	swait.ge [sflag:s7], $0x4000  }
0x2d0: {  	s23 =	sadd.s32 $0x20, s15;
	[sflag:s7] =	ssyncset.done $0x0  }
0x2d1: {  	s6 =	sand.u32 $0x3E0, s23;
	[sflag:s7] =	ssyncadd.s32 $0xFFFFC000  }
0x2d2: {  	v3 =	vld [tilespmem:s6+$0x0];
	_ =	sdelay $0x4  }
0x2d3: {  	v4 =	vshll.u32 v3, $0x3  }
0x2d4: {  	v3 =	vand.u32 $0x7, v3;
	v4 =	vand.u32 $0xFFFFFFC0, v4  }
0x2d5: {  	v3 =	vor.u32 v3, v4  }
0x2d6: {  	v4 =	vperm.xlane v3, v0;
	_ =	sdelay $0x1  }
0x2d7: {  	v4 =	vadd.s32 v1, v4;
	_ =	sdelay $0x3  }
0x2d8: {  	s24 =	simm.s32 $0x1000  }
0x2d9: {  	v5 =	vld [tilespmem:s6+$0x400];
	[tilespmem:s24], [sflag:$0x1] =	stream.indirect_vreg.gather [hbm4b:s1+s3], $0x80, v4, vm0, $0xb8  }
0x2da: {  	s25 =	simm.s32 $0x1800;
	v3 =	vperm.xlane v3, v2  }
0x2db: {  	[tilespmem:s25], [sflag:$0x1] =	stream.indirect_vreg.gather [hbm4b:s9+s3], $0x80, v4, vm0, $0xb8;
	[tilespmem:$0x19000] =	vst v63  }
0x2dc: {  	s8 =	simm.s32 $0x2000;
	v3 =	vadd.s32 v1, v3  }
0x2dd: {  	[tilespmem:s8], [sflag:$0x1] =	stream.indirect_vreg.gather [hbm4b:s10+s3], $0x80, v4, vm0, $0xb8;
	[tilespmem:$0x19000] =	vst v63  }
0x2de: {  	s15 =	simm.s32 $0x2800  }
0x2df: {  	[tilespmem:s15], [sflag:$0x1] =	stream.indirect_vreg.gather [hbm4b:s11+s3], $0x80, v4, vm0, $0xb8;
	v4 =	vshll.u32 v5, $0x3;
	[tilespmem:$0x19000] =	vst v63  }
0x2e0: {  	s16 =	simm.s32 $0x3000;
	v5 =	vand.u32 $0x7, v5;
	v4 =	vand.u32 $0xFFFFFFC0, v4  }
0x2e1: {  	[tilespmem:s16], [sflag:$0x1] =	stream.indirect_vreg.gather [hbm4b:s1+s3], $0x80, v3, vm0, $0xb8;
	v4 =	vor.u32 v5, v4;
	[tilespmem:$0x19000] =	vst v63  }
0x2e2: {  	s17 =	simm.s32 $0x3800;
	v5 =	vperm.xlane v4, v0  }
0x2e3: {  	[tilespmem:s17], [sflag:$0x1] =	stream.indirect_vreg.gather [hbm4b:s9+s3], $0x80, v3, vm0, $0xb8;
	[tilespmem:$0x19000] =	vst v63  }
0x2e4: {  	s18 =	simm.s32 $0x4000;
	v5 =	vadd.s32 v1, v5  }
0x2e5: {  	[tilespmem:s18], [sflag:$0x1] =	stream.indirect_vreg.gather [hbm4b:s10+s3], $0x80, v3, vm0, $0xb8;
	[tilespmem:$0x19000] =	vst v63  }
0x2e6: {  	s19 =	simm.s32 $0x4800  }
0x2e7: {  	[tilespmem:s19], [sflag:$0x1] =	stream.indirect_vreg.gather [hbm4b:s11+s3], $0x80, v3, vm0, $0xb8;
	[tilespmem:$0x19000] =	vst v63  }
0x2e8: {  	s20 =	simm.s32 $0x9000  }
0x2e9: {  	[tilespmem:s20], [sflag:$0x1] =	stream.indirect_vreg.gather [hbm4b:s1+s3], $0x80, v5, vm0, $0xb8;
	[tilespmem:$0x19000] =	vst v63  }
0x2ea: {  	s21 =	simm.s32 $0x9800;
	v3 =	vperm.xlane v4, v2  }
0x2eb: {  	[tilespmem:s21], [sflag:$0x1] =	stream.indirect_vreg.gather [hbm4b:s9+s3], $0x80, v5, vm0, $0xb8;
	[tilespmem:$0x19000] =	vst v63  }
0x2ec: {  	v3 =	vadd.s32 v1, v3  }
0x2ed: {  	[tilespmem:s26], [sflag:$0x1] =	stream.indirect_vreg.gather [hbm4b:s10+s3], $0x80, v5, vm0, $0xb8;
	[tilespmem:$0x19000] =	vst v63  }
0x2ee: {  	_ = 	snop  }
0x2ef: {  	[tilespmem:s28], [sflag:$0x1] =	stream.indirect_vreg.gather [hbm4b:s11+s3], $0x80, v5, vm0, $0xb8;
	[tilespmem:$0x19000] =	vst v63  }
0x2f0: {  	_ = 	snop  }
0x2f1: {  	[tilespmem:s29], [sflag:$0x1] =	stream.indirect_vreg.gather [hbm4b:s1+s3], $0x80, v3, vm0, $0xb8;
	[tilespmem:$0x19000] =	vst v63  }
0x2f2: {  	_ = 	snop  }
0x2f3: {  	[tilespmem:s30], [sflag:$0x1] =	stream.indirect_vreg.gather [hbm4b:s9+s3], $0x80, v3, vm0, $0xb8;
	[tilespmem:$0x19000] =	vst v63  }
0x2f4: {  	_ = 	snop  }
0x2f5: {  	[tilespmem:s31], [sflag:$0x1] =	stream.indirect_vreg.gather [hbm4b:s10+s3], $0x80, v3, vm0, $0xb8;
	[tilespmem:$0x19000] =	vst v63  }
0x2f6: {  	s6 =	simm.s32 @!p0 $0x4  }
0x2f7: {  	[tilespmem:s2], [sflag:$0x1] =	stream.indirect_vreg.gather [hbm4b:s11+s3], $0x80, v3, vm0, $0xb8;
	[tilespmem:$0x19000] =	vst v63  }
0x2f8: {  	_ =	swait.ge @!p0 [sflag:s6], $0x4000  }
0x2f9: {  	s22 =	simm.s32 $0x0;
	[sflag:s6] =	ssyncset.done @!p0 $0x0  }
0x2fa: {  	s23 =	sand.u32 $0x40, s22;
	s8 =	sand.u32 $0x1C00, s22;
	[sflag:s6] =	ssyncadd.s32 @!p0 $0xFFFFC000  }
0x2fb: {  	s6 =	sor.u32 s23, s8;
	v3 =	vld [tilespmem:s14+$0xC00]  }
0x2fc: {  	v5 =	vld [tilespmem:s6+$0x5030]  }
0x2fd: {  	v6 =	vld [tilespmem:s6+$0xD030]  }
0x2fe: {  	v7 =	vld [tilespmem:s6+$0x5000]  }
0x2ff: {  	v8 =	vld [tilespmem:s6+$0xD000]  }
0x300: {  	v9 =	vld [tilespmem:s6+$0x5010]  }
0x301: {  	s24 =	simm.s32 $0x200;
	s25 =	simm.s32 $0x40;
	v10 =	vld [tilespmem:s6+$0xD010]  }
0x302: {  	s15 =	sand.u32 $0x40, s25;
	s8 =	sand.u32 $0x1C00, s24;
	v12 =	vld [tilespmem:s6+$0x5020]  }
0x303: {  	s8 =	sor.u32 s15, s8;
	v13 =	vld [tilespmem:s6+$0xD020];
	v4 =	vbroadcast v3, $0x0;
	v6 =	vmul.f32 v6, v5  }
0x304: {  	v5 =	vld [tilespmem:s8+$0x5030];
	v11 =	vmul.f32 v8, v7  }
0x305: {  	v8 =	vld [tilespmem:s8+$0xD030];
	v6 =	vmul.f32 v6, v4  }
0x306: {  	v7 =	vld [tilespmem:s8+$0x5000];
	v10 =	vmul.f32 v10, v9;
	v11 =	vmul.f32 v11, v4  }
0x307: {  	v9 =	vld [tilespmem:s8+$0xD000];
	[tilespmem:s6+$0x15030] =	vst v6  }
0x308: {  	v12 =	vmul.f32 v13, v12;
	v6 =	vld [tilespmem:s8+$0x5010];
	[tilespmem:s6+$0x15000] =	vst v11;
	v11 =	vmul.f32 v10, v4  }
0x309: {  	s16 =	simm.s32 $0x400;
	s17 =	simm.s32 $0x80;
	s15 =	simm.s32 $0x4;
	v10 =	vld [tilespmem:s8+$0xD010]  }
.LBB2_37:
0x30a: {  	s18 =	sand.u32 $0x40, s17;
	s19 =	sand.u32 $0x1C00, s16;
	v13 =	vld [tilespmem:s8+$0x5020];
	v8 =	vmul.f32 v8, v5;
	[tilespmem:s6+$0x15010] =	vst v11;
	v11 =	vmul.f32 v12, v4  }
0x30b: {  	s15 =	sadd.s32 $0x4, s15;
	s18 =	sor.u32 s18, s19;
	v12 =	vld [tilespmem:s8+$0xD020]  }
0x30c: {  	p0 =	slt.u32 s15, $0x3C;
	v5 =	vld [tilespmem:s18+$0x5030];
	v9 =	vmul.f32 v9, v7;
	v14 =	vmul.f32 v8, v4;
	[tilespmem:s6+$0x15020] =	vst v11;
	s6 =	smov.u32 s8;
	s8 =	smov.u32 s18  }
.Ltmp17:
0x30d: {  	v8 =	vld [tilespmem:s8+$0xD030];
	(pc) =	sbr.rel @p0 .LBB2_37-.Ltmp17, $4  }
0x30e: {  	v7 =	vld [tilespmem:s8+$0x5000];
	v11 =	vmul.f32 v9, v4;
	v10 =	vmul.f32 v10, v6;
	[tilespmem:s6+$0x15030] =	vst v14  }
0x30f: {  	v9 =	vld [tilespmem:s8+$0xD000]  }
0x310: {  	v6 =	vld [tilespmem:s8+$0x5010];
	[tilespmem:s6+$0x15000] =	vst v11;
	v11 =	vmul.f32 v10, v4;
	v12 =	vmul.f32 v12, v13  }
0x311: {  	s16 =	sadd.s32 $0x200, s16;
	s17 =	sadd.s32 $0x40, s17;
	v10 =	vld [tilespmem:s8+$0xD010]  }
0x312: {  	v13 =	vld [tilespmem:s8+$0x5020]  }
0x313: {  	v14 =	vld [tilespmem:s8+$0xD020];
	_ =	sdelay $0x1  }
0x314: {  	v5 =	vmul.f32 v8, v5  }
0x315: {  	v8 =	vmul.f32 v12, v4;
	v7 =	vmul.f32 v9, v7  }
0x316: {  	[tilespmem:s6+$0x15010] =	vst v11;
	v5 =	vmul.f32 v5, v4;
	v6 =	vmul.f32 v10, v6  }
0x317: {  	[tilespmem:s6+$0x15020] =	vst v8;
	v7 =	vmul.f32 v7, v4;
	v8 =	vmul.f32 v14, v13  }
0x318: {  	[tilespmem:s8+$0x15030] =	vst v5;
	v5 =	vmul.f32 v6, v4  }
0x319: {  	s23 =	simm.s32 $0x0;
	[tilespmem:s8+$0x15000] =	vst v7;
	v4 =	vmul.f32 v8, v4  }
0x31a: {  	s15 =	sand.u32 $0x40, s23;
	s6 =	sand.u32 $0x1C00, s23;
	[tilespmem:s8+$0x15010] =	vst v5  }
0x31b: {  	s6 =	sor.u32 s15, s6;
	[tilespmem:s8+$0x15020] =	vst v4  }
0x31c: {  	v5 =	vld [tilespmem:s6+$0x50B0]  }
0x31d: {  	v6 =	vld [tilespmem:s6+$0xD0B0]  }
0x31e: {  	v7 =	vld [tilespmem:s6+$0x5080]  }
0x31f: {  	v8 =	vld [tilespmem:s6+$0xD080]  }
0x320: {  	v9 =	vld [tilespmem:s6+$0x5090]  }
0x321: {  	s24 =	simm.s32 $0x200;
	s25 =	simm.s32 $0x40;
	v10 =	vld [tilespmem:s6+$0xD090]  }
0x322: {  	s15 =	sand.u32 $0x40, s25;
	s8 =	sand.u32 $0x1C00, s24;
	v12 =	vld [tilespmem:s6+$0x50A0]  }
0x323: {  	v4 =	vbroadcast v3, $0x1;
	s8 =	sor.u32 s15, s8;
	v13 =	vld [tilespmem:s6+$0xD0A0];
	v6 =	vmul.f32 v6, v5  }
0x324: {  	v5 =	vld [tilespmem:s8+$0x50B0];
	v11 =	vmul.f32 v8, v7  }
0x325: {  	v8 =	vld [tilespmem:s8+$0xD0B0];
	v6 =	vmul.f32 v6, v4  }
0x326: {  	v7 =	vld [tilespmem:s8+$0x5080];
	v10 =	vmul.f32 v10, v9;
	v11 =	vmul.f32 v11, v4  }
0x327: {  	v9 =	vld [tilespmem:s8+$0xD080];
	[tilespmem:s6+$0x150B0] =	vst v6  }
0x328: {  	v12 =	vmul.f32 v13, v12;
	v6 =	vld [tilespmem:s8+$0x5090];
	[tilespmem:s6+$0x15080] =	vst v11;
	v11 =	vmul.f32 v10, v4  }
0x329: {  	s16 =	simm.s32 $0x400;
	s17 =	simm.s32 $0x80;
	s15 =	simm.s32 $0x4;
	v10 =	vld [tilespmem:s8+$0xD090]  }
.LBB2_39:
0x32a: {  	s18 =	sand.u32 $0x40, s17;
	s19 =	sand.u32 $0x1C00, s16;
	v13 =	vld [tilespmem:s8+$0x50A0];
	v8 =	vmul.f32 v8, v5;
	[tilespmem:s6+$0x15090] =	vst v11;
	v11 =	vmul.f32 v12, v4  }
0x32b: {  	s15 =	sadd.s32 $0x4, s15;
	s18 =	sor.u32 s18, s19;
	v12 =	vld [tilespmem:s8+$0xD0A0]  }
0x32c: {  	p0 =	slt.u32 s15, $0x3C;
	v5 =	vld [tilespmem:s18+$0x50B0];
	v9 =	vmul.f32 v9, v7;
	v14 =	vmul.f32 v8, v4;
	[tilespmem:s6+$0x150A0] =	vst v11;
	s6 =	smov.u32 s8;
	s8 =	smov.u32 s18  }
.Ltmp18:
0x32d: {  	v8 =	vld [tilespmem:s8+$0xD0B0];
	(pc) =	sbr.rel @p0 .LBB2_39-.Ltmp18, $4  }
0x32e: {  	v7 =	vld [tilespmem:s8+$0x5080];
	v11 =	vmul.f32 v9, v4;
	v10 =	vmul.f32 v10, v6;
	[tilespmem:s6+$0x150B0] =	vst v14  }
0x32f: {  	v9 =	vld [tilespmem:s8+$0xD080]  }
0x330: {  	v6 =	vld [tilespmem:s8+$0x5090];
	[tilespmem:s6+$0x15080] =	vst v11;
	v11 =	vmul.f32 v10, v4;
	v12 =	vmul.f32 v12, v13  }
0x331: {  	s16 =	sadd.s32 $0x200, s16;
	s17 =	sadd.s32 $0x40, s17;
	v10 =	vld [tilespmem:s8+$0xD090]  }
0x332: {  	v13 =	vld [tilespmem:s8+$0x50A0]  }
0x333: {  	v14 =	vld [tilespmem:s8+$0xD0A0];
	_ =	sdelay $0x1  }
0x334: {  	v5 =	vmul.f32 v8, v5  }
0x335: {  	v8 =	vmul.f32 v12, v4;
	v7 =	vmul.f32 v9, v7  }
0x336: {  	[tilespmem:s6+$0x15090] =	vst v11;
	v5 =	vmul.f32 v5, v4;
	v6 =	vmul.f32 v10, v6  }
0x337: {  	[tilespmem:s6+$0x150A0] =	vst v8;
	v7 =	vmul.f32 v7, v4;
	v8 =	vmul.f32 v14, v13  }
0x338: {  	[tilespmem:s8+$0x150B0] =	vst v5;
	v5 =	vmul.f32 v6, v4  }
0x339: {  	s23 =	simm.s32 $0x0;
	[tilespmem:s8+$0x15080] =	vst v7;
	v4 =	vmul.f32 v8, v4  }
0x33a: {  	s15 =	sand.u32 $0x40, s23;
	s6 =	sand.u32 $0x1C00, s23;
	[tilespmem:s8+$0x15090] =	vst v5  }
0x33b: {  	s6 =	sor.u32 s15, s6;
	[tilespmem:s8+$0x150A0] =	vst v4  }
0x33c: {  	v5 =	vld [tilespmem:s6+$0x5130]  }
0x33d: {  	v6 =	vld [tilespmem:s6+$0xD130]  }
0x33e: {  	v7 =	vld [tilespmem:s6+$0x5100]  }
0x33f: {  	v8 =	vld [tilespmem:s6+$0xD100]  }
0x340: {  	v9 =	vld [tilespmem:s6+$0x5110]  }
0x341: {  	s24 =	simm.s32 $0x200;
	s25 =	simm.s32 $0x40;
	v10 =	vld [tilespmem:s6+$0xD110]  }
0x342: {  	s15 =	sand.u32 $0x40, s25;
	s8 =	sand.u32 $0x1C00, s24;
	v12 =	vld [tilespmem:s6+$0x5120]  }
0x343: {  	v4 =	vbroadcast v3, $0x2;
	s8 =	sor.u32 s15, s8;
	v13 =	vld [tilespmem:s6+$0xD120];
	v6 =	vmul.f32 v6, v5  }
0x344: {  	v5 =	vld [tilespmem:s8+$0x5130];
	v11 =	vmul.f32 v8, v7  }
0x345: {  	v8 =	vld [tilespmem:s8+$0xD130];
	v6 =	vmul.f32 v6, v4  }
0x346: {  	v7 =	vld [tilespmem:s8+$0x5100];
	v10 =	vmul.f32 v10, v9;
	v11 =	vmul.f32 v11, v4  }
0x347: {  	v9 =	vld [tilespmem:s8+$0xD100];
	[tilespmem:s6+$0x15130] =	vst v6  }
0x348: {  	v12 =	vmul.f32 v13, v12;
	v6 =	vld [tilespmem:s8+$0x5110];
	[tilespmem:s6+$0x15100] =	vst v11;
	v11 =	vmul.f32 v10, v4  }
0x349: {  	s16 =	simm.s32 $0x400;
	s17 =	simm.s32 $0x80;
	s15 =	simm.s32 $0x4;
	v10 =	vld [tilespmem:s8+$0xD110]  }
.LBB2_41:
0x34a: {  	s18 =	sand.u32 $0x40, s17;
	s19 =	sand.u32 $0x1C00, s16;
	v13 =	vld [tilespmem:s8+$0x5120];
	v8 =	vmul.f32 v8, v5;
	[tilespmem:s6+$0x15110] =	vst v11;
	v11 =	vmul.f32 v12, v4  }
0x34b: {  	s15 =	sadd.s32 $0x4, s15;
	s18 =	sor.u32 s18, s19;
	v12 =	vld [tilespmem:s8+$0xD120]  }
0x34c: {  	p0 =	slt.u32 s15, $0x3C;
	v5 =	vld [tilespmem:s18+$0x5130];
	v9 =	vmul.f32 v9, v7;
	v14 =	vmul.f32 v8, v4;
	[tilespmem:s6+$0x15120] =	vst v11;
	s6 =	smov.u32 s8;
	s8 =	smov.u32 s18  }
.Ltmp19:
0x34d: {  	v8 =	vld [tilespmem:s8+$0xD130];
	(pc) =	sbr.rel @p0 .LBB2_41-.Ltmp19, $4  }
0x34e: {  	v7 =	vld [tilespmem:s8+$0x5100];
	v11 =	vmul.f32 v9, v4;
	v10 =	vmul.f32 v10, v6;
	[tilespmem:s6+$0x15130] =	vst v14  }
0x34f: {  	v9 =	vld [tilespmem:s8+$0xD100]  }
0x350: {  	v6 =	vld [tilespmem:s8+$0x5110];
	[tilespmem:s6+$0x15100] =	vst v11;
	v11 =	vmul.f32 v10, v4;
	v12 =	vmul.f32 v12, v13  }
0x351: {  	s16 =	sadd.s32 $0x200, s16;
	s17 =	sadd.s32 $0x40, s17;
	v10 =	vld [tilespmem:s8+$0xD110]  }
0x352: {  	v13 =	vld [tilespmem:s8+$0x5120]  }
0x353: {  	v14 =	vld [tilespmem:s8+$0xD120];
	_ =	sdelay $0x1  }
0x354: {  	v5 =	vmul.f32 v8, v5  }
0x355: {  	v8 =	vmul.f32 v12, v4;
	v7 =	vmul.f32 v9, v7  }
0x356: {  	[tilespmem:s6+$0x15110] =	vst v11;
	v5 =	vmul.f32 v5, v4;
	v6 =	vmul.f32 v10, v6  }
0x357: {  	[tilespmem:s6+$0x15120] =	vst v8;
	v7 =	vmul.f32 v7, v4;
	v8 =	vmul.f32 v14, v13  }
0x358: {  	[tilespmem:s8+$0x15130] =	vst v5;
	v5 =	vmul.f32 v6, v4  }
0x359: {  	s23 =	simm.s32 $0x0;
	[tilespmem:s8+$0x15100] =	vst v7;
	v4 =	vmul.f32 v8, v4  }
0x35a: {  	s15 =	sand.u32 $0x40, s23;
	s6 =	sand.u32 $0x1C00, s23;
	[tilespmem:s8+$0x15110] =	vst v5  }
0x35b: {  	[tilespmem:s8+$0x15120] =	vst v4;
	s8 =	sor.u32 s15, s6  }
0x35c: {  	v5 =	vld [tilespmem:s8+$0x51B0]  }
0x35d: {  	v6 =	vld [tilespmem:s8+$0xD1B0]  }
0x35e: {  	v7 =	vld [tilespmem:s8+$0x5180]  }
0x35f: {  	v8 =	vld [tilespmem:s8+$0xD180]  }
0x360: {  	v9 =	vld [tilespmem:s8+$0x5190]  }
0x361: {  	s24 =	simm.s32 $0x200;
	s25 =	simm.s32 $0x40;
	v10 =	vld [tilespmem:s8+$0xD190]  }
0x362: {  	s15 =	sand.u32 $0x40, s25;
	s6 =	sand.u32 $0x1C00, s24;
	v12 =	vld [tilespmem:s8+$0x51A0]  }
0x363: {  	v4 =	vbroadcast v3, $0x3;
	s6 =	sor.u32 s15, s6;
	v13 =	vld [tilespmem:s8+$0xD1A0];
	v6 =	vmul.f32 v6, v5  }
0x364: {  	v5 =	vld [tilespmem:s6+$0x51B0];
	v11 =	vmul.f32 v8, v7  }
0x365: {  	v8 =	vld [tilespmem:s6+$0xD1B0];
	v6 =	vmul.f32 v6, v4  }
0x366: {  	v7 =	vld [tilespmem:s6+$0x5180];
	v10 =	vmul.f32 v10, v9;
	v11 =	vmul.f32 v11, v4  }
0x367: {  	v9 =	vld [tilespmem:s6+$0xD180];
	[tilespmem:s8+$0x151B0] =	vst v6  }
0x368: {  	v12 =	vmul.f32 v13, v12;
	v6 =	vld [tilespmem:s6+$0x5190];
	[tilespmem:s8+$0x15180] =	vst v11;
	v11 =	vmul.f32 v10, v4  }
0x369: {  	s16 =	simm.s32 $0x400;
	s17 =	simm.s32 $0x80;
	s15 =	simm.s32 $0x4;
	v10 =	vld [tilespmem:s6+$0xD190]  }
.LBB2_43:
0x36a: {  	s18 =	sand.u32 $0x40, s17;
	s19 =	sand.u32 $0x1C00, s16;
	v13 =	vld [tilespmem:s6+$0x51A0];
	v8 =	vmul.f32 v8, v5;
	[tilespmem:s8+$0x15190] =	vst v11;
	v11 =	vmul.f32 v12, v4  }
0x36b: {  	s15 =	sadd.s32 $0x4, s15;
	s18 =	sor.u32 s18, s19;
	v12 =	vld [tilespmem:s6+$0xD1A0]  }
0x36c: {  	p0 =	slt.u32 s15, $0x3C;
	v5 =	vld [tilespmem:s18+$0x51B0];
	v9 =	vmul.f32 v9, v7;
	v14 =	vmul.f32 v8, v4;
	[tilespmem:s8+$0x151A0] =	vst v11;
	s8 =	smov.u32 s6;
	s6 =	smov.u32 s18  }
.Ltmp20:
0x36d: {  	v8 =	vld [tilespmem:s6+$0xD1B0];
	(pc) =	sbr.rel @p0 .LBB2_43-.Ltmp20, $4  }
0x36e: {  	v7 =	vld [tilespmem:s6+$0x5180];
	v11 =	vmul.f32 v9, v4;
	v10 =	vmul.f32 v10, v6;
	[tilespmem:s8+$0x151B0] =	vst v14  }
0x36f: {  	v9 =	vld [tilespmem:s6+$0xD180]  }
0x370: {  	v6 =	vld [tilespmem:s6+$0x5190];
	[tilespmem:s8+$0x15180] =	vst v11;
	v11 =	vmul.f32 v10, v4;
	v12 =	vmul.f32 v12, v13  }
0x371: {  	s16 =	sadd.s32 $0x200, s16;
	s17 =	sadd.s32 $0x40, s17;
	v10 =	vld [tilespmem:s6+$0xD190]  }
0x372: {  	v13 =	vld [tilespmem:s6+$0x51A0]  }
0x373: {  	v14 =	vld [tilespmem:s6+$0xD1A0];
	_ =	sdelay $0x1  }
0x374: {  	v5 =	vmul.f32 v8, v5  }
0x375: {  	v8 =	vmul.f32 v12, v4;
	v7 =	vmul.f32 v9, v7  }
0x376: {  	[tilespmem:s8+$0x15190] =	vst v11;
	v5 =	vmul.f32 v5, v4;
	v6 =	vmul.f32 v10, v6  }
0x377: {  	p0 =	por $0x0, $0x0;
	[tilespmem:s8+$0x151A0] =	vst v8;
	s8 =	simm.s32 $0x1;
	v7 =	vmul.f32 v7, v4;
	v8 =	vmul.f32 v14, v13  }
0x378: {  	s8 =	simm.s32 @!p0 $0x0;
	[tilespmem:s6+$0x151B0] =	vst v5;
	v5 =	vmul.f32 v6, v4  }
0x379: {  	s8 =	sshll.u32 s8, $0x6;
	[tilespmem:s6+$0x15180] =	vst v7;
	v4 =	vmul.f32 v8, v4  }
0x37a: {  	s15 =	sadd.s32 $0x0, s8;
	[tilespmem:s6+$0x15190] =	vst v5  }
0x37b: {  	s22 =	sor.u32 $0x230, s15;
	[tilespmem:s6+$0x151A0] =	vst v4  }
0x37c: {  	v6 =	vld [tilespmem:s22+$0x5000]  }
0x37d: {  	s8 =	sor.u32 $0x200, s15;
	v7 =	vld [tilespmem:s22+$0xD000]  }
0x37e: {  	v9 =	vld [tilespmem:s8+$0x5000]  }
0x37f: {  	s16 =	simm.s32 $0x1;
	p0 =	por !p0, !p0;
	s6 =	sor.u32 $0x210, s15;
	v10 =	vld [tilespmem:s8+$0xD000]  }
0x380: {  	s16 =	simm.s32 @!p0 $0x0;
	v12 =	vld [tilespmem:s6+$0x5000]  }
0x381: {  	s16 =	sshll.u32 s16, $0x6;
	s15 =	sor.u32 $0x220, s15;
	v13 =	vld [tilespmem:s6+$0xD000]  }
0x382: {  	s17 =	sadd.s32 $0x200, s16;
	v5 =	vld [tilespmem:s15+$0x5000]  }
0x383: {  	s16 =	sor.u32 $0x230, s17;
	v4 =	vbroadcast v3, $0x4;
	v8 =	vld [tilespmem:s15+$0xD000];
	v7 =	vmul.f32 v7, v6  }
0x384: {  	v6 =	vld [tilespmem:s16+$0x5000]  }
0x385: {  	s19 =	sor.u32 $0x200, s17;
	v10 =	vmul.f32 v10, v9;
	v9 =	vld [tilespmem:s16+$0xD000];
	v14 =	vmul.f32 v7, v4  }
0x386: {  	s20 =	simm.s32 $0x4;
	s21 =	simm.s32 $0x200;
	v7 =	vld [tilespmem:s19+$0x5000]  }
0x387: {  	p0 =	por !p0, !p0;
	s18 =	sor.u32 $0x210, s17;
	s17 =	sor.u32 $0x220, s17;
	v12 =	vmul.f32 v13, v12;
	v11 =	vmul.f32 v10, v4;
	v10 =	vld [tilespmem:s19+$0xD000];
	[tilespmem:s22+$0x15000] =	vst v14  }
.LBB2_45:
0x388: {  	s22 =	simm.s32 $0x1  }
0x389: {  	s22 =	simm.s32 @!p0 $0x0  }
0x38a: {  	v13 =	vld [tilespmem:s18+$0x5000];
	[tilespmem:s8+$0x15000] =	vst v11;
	v11 =	vmul.f32 v12, v4;
	v8 =	vmul.f32 v8, v5;
	s8 =	smov.u32 s19;
	s21 =	sadd.s32 $0x200, s21;
	s19 =	sshll.u32 s22, $0x6  }
0x38b: {  	s20 =	sadd.s32 $0x4, s20;
	v12 =	vld [tilespmem:s18+$0xD000];
	s22 =	sadd.s32 s19, s21  }
0x38c: {  	p1 =	slt.u32 s20, $0x3C;
	v9 =	vmul.f32 v9, v6;
	v5 =	vld [tilespmem:s17+$0x5000];
	[tilespmem:s6+$0x15000] =	vst v11;
	v11 =	vmul.f32 v8, v4;
	s6 =	smov.u32 s18;
	s19 =	sor.u32 $0x200, s22  }
.Ltmp21:
0x38d: {  	s18 =	sor.u32 $0x210, s22;
	s23 =	sor.u32 $0x230, s22;
	v8 =	vld [tilespmem:s17+$0xD000];
	(pc) =	sbr.rel @p1 .LBB2_45-.Ltmp21, $4  }
0x38e: {  	v10 =	vmul.f32 v10, v7;
	v14 =	vmul.f32 v9, v4;
	v6 =	vld [tilespmem:s23+$0x5000];
	[tilespmem:s15+$0x15000] =	vst v11;
	s15 =	smov.u32 s17;
	s17 =	sor.u32 $0x220, s22  }
0x38f: {  	v9 =	vld [tilespmem:s23+$0xD000]  }
0x390: {  	v11 =	vmul.f32 v10, v4;
	v7 =	vld [tilespmem:s19+$0x5000];
	v12 =	vmul.f32 v12, v13;
	[tilespmem:s16+$0x15000] =	vst v14;
	s16 =	smov.u32 s23  }
0x391: {  	p0 =	por !p0, !p0;
	v10 =	vld [tilespmem:s19+$0xD000]  }
0x392: {  	v13 =	vld [tilespmem:s18+$0x5000]  }
0x393: {  	v14 =	vld [tilespmem:s18+$0xD000]  }
0x394: {  	v15 =	vld [tilespmem:s17+$0x5000]  }
0x395: {  	v16 =	vld [tilespmem:s17+$0xD000]  }
0x396: {  	v5 =	vmul.f32 v8, v5  }
0x397: {  	v8 =	vmul.f32 v12, v4;
	v6 =	vmul.f32 v9, v6  }
0x398: {  	[tilespmem:s8+$0x15000] =	vst v11;
	v5 =	vmul.f32 v5, v4;
	v7 =	vmul.f32 v10, v7  }
0x399: {  	[tilespmem:s6+$0x15000] =	vst v8;
	v6 =	vmul.f32 v6, v4;
	v8 =	vmul.f32 v14, v13  }
0x39a: {  	p0 =	por $0x0, $0x0;
	s6 =	simm.s32 $0x1;
	[tilespmem:s15+$0x15000] =	vst v5;
	v5 =	vmul.f32 v7, v4;
	v7 =	vmul.f32 v16, v15  }
0x39b: {  	s6 =	simm.s32 @!p0 $0x0;
	[tilespmem:s16+$0x15000] =	vst v6;
	v6 =	vmul.f32 v8, v4  }
0x39c: {  	s6 =	sshll.u32 s6, $0x6;
	[tilespmem:s19+$0x15000] =	vst v5;
	v4 =	vmul.f32 v7, v4  }
0x39d: {  	s24 =	sadd.s32 $0x0, s6;
	[tilespmem:s18+$0x15000] =	vst v6  }
0x39e: {  	s22 =	sor.u32 $0x2B0, s24;
	[tilespmem:s17+$0x15000] =	vst v4  }
0x39f: {  	v6 =	vld [tilespmem:s22+$0x5000]  }
0x3a0: {  	s8 =	sor.u32 $0x280, s24;
	v7 =	vld [tilespmem:s22+$0xD000]  }
0x3a1: {  	v9 =	vld [tilespmem:s8+$0x5000]  }
0x3a2: {  	p0 =	por !p0, !p0;
	s6 =	sor.u32 $0x290, s24;
	s16 =	simm.s32 $0x1;
	v10 =	vld [tilespmem:s8+$0xD000]  }
0x3a3: {  	s16 =	simm.s32 @!p0 $0x0;
	v12 =	vld [tilespmem:s6+$0x5000]  }
0x3a4: {  	s15 =	sor.u32 $0x2A0, s24;
	s16 =	sshll.u32 s16, $0x6;
	v13 =	vld [tilespmem:s6+$0xD000]  }
0x3a5: {  	s25 =	sadd.s32 $0x200, s16;
	v5 =	vld [tilespmem:s15+$0x5000]  }
0x3a6: {  	v4 =	vbroadcast v3, $0x5;
	s16 =	sor.u32 $0x2B0, s25;
	v8 =	vld [tilespmem:s15+$0xD000];
	v7 =	vmul.f32 v7, v6  }
0x3a7: {  	v6 =	vld [tilespmem:s16+$0x5000]  }
0x3a8: {  	s19 =	sor.u32 $0x280, s25;
	v10 =	vmul.f32 v10, v9;
	v9 =	vld [tilespmem:s16+$0xD000];
	v14 =	vmul.f32 v7, v4  }
0x3a9: {  	s20 =	simm.s32 $0x4;
	s21 =	simm.s32 $0x200;
	v7 =	vld [tilespmem:s19+$0x5000]  }
0x3aa: {  	p0 =	por !p0, !p0;
	s18 =	sor.u32 $0x290, s25;
	s17 =	sor.u32 $0x2A0, s25;
	v12 =	vmul.f32 v13, v12;
	v11 =	vmul.f32 v10, v4;
	v10 =	vld [tilespmem:s19+$0xD000];
	[tilespmem:s22+$0x15000] =	vst v14  }
.LBB2_47:
0x3ab: {  	s22 =	simm.s32 $0x1  }
0x3ac: {  	s22 =	simm.s32 @!p0 $0x0  }
0x3ad: {  	v13 =	vld [tilespmem:s18+$0x5000];
	[tilespmem:s8+$0x15000] =	vst v11;
	v11 =	vmul.f32 v12, v4;
	v8 =	vmul.f32 v8, v5;
	s8 =	smov.u32 s19;
	s21 =	sadd.s32 $0x200, s21;
	s19 =	sshll.u32 s22, $0x6  }
0x3ae: {  	s20 =	sadd.s32 $0x4, s20;
	v12 =	vld [tilespmem:s18+$0xD000];
	s22 =	sadd.s32 s19, s21  }
0x3af: {  	p1 =	slt.u32 s20, $0x3C;
	v9 =	vmul.f32 v9, v6;
	v5 =	vld [tilespmem:s17+$0x5000];
	[tilespmem:s6+$0x15000] =	vst v11;
	v11 =	vmul.f32 v8, v4;
	s6 =	smov.u32 s18;
	s19 =	sor.u32 $0x280, s22  }
.Ltmp22:
0x3b0: {  	s18 =	sor.u32 $0x290, s22;
	s23 =	sor.u32 $0x2B0, s22;
	v8 =	vld [tilespmem:s17+$0xD000];
	(pc) =	sbr.rel @p1 .LBB2_47-.Ltmp22, $4  }
0x3b1: {  	v10 =	vmul.f32 v10, v7;
	v14 =	vmul.f32 v9, v4;
	v6 =	vld [tilespmem:s23+$0x5000];
	[tilespmem:s15+$0x15000] =	vst v11;
	s15 =	smov.u32 s17;
	s17 =	sor.u32 $0x2A0, s22  }
0x3b2: {  	v9 =	vld [tilespmem:s23+$0xD000]  }
0x3b3: {  	v11 =	vmul.f32 v10, v4;
	v7 =	vld [tilespmem:s19+$0x5000];
	v12 =	vmul.f32 v12, v13;
	[tilespmem:s16+$0x15000] =	vst v14;
	s16 =	smov.u32 s23  }
0x3b4: {  	p0 =	por !p0, !p0;
	v10 =	vld [tilespmem:s19+$0xD000]  }
0x3b5: {  	v13 =	vld [tilespmem:s18+$0x5000]  }
0x3b6: {  	v14 =	vld [tilespmem:s18+$0xD000]  }
0x3b7: {  	v15 =	vld [tilespmem:s17+$0x5000]  }
0x3b8: {  	v16 =	vld [tilespmem:s17+$0xD000]  }
0x3b9: {  	v5 =	vmul.f32 v8, v5  }
0x3ba: {  	v8 =	vmul.f32 v12, v4;
	v6 =	vmul.f32 v9, v6  }
0x3bb: {  	[tilespmem:s8+$0x15000] =	vst v11;
	v5 =	vmul.f32 v5, v4;
	v7 =	vmul.f32 v10, v7  }
0x3bc: {  	[tilespmem:s6+$0x15000] =	vst v8;
	v6 =	vmul.f32 v6, v4;
	v8 =	vmul.f32 v14, v13  }
0x3bd: {  	p0 =	por $0x0, $0x0;
	s6 =	simm.s32 $0x1;
	[tilespmem:s15+$0x15000] =	vst v5;
	v5 =	vmul.f32 v7, v4;
	v7 =	vmul.f32 v16, v15  }
0x3be: {  	s6 =	simm.s32 @!p0 $0x0;
	[tilespmem:s16+$0x15000] =	vst v6;
	v6 =	vmul.f32 v8, v4  }
0x3bf: {  	s6 =	sshll.u32 s6, $0x6;
	[tilespmem:s19+$0x15000] =	vst v5;
	v4 =	vmul.f32 v7, v4  }
0x3c0: {  	s24 =	sadd.s32 $0x0, s6;
	[tilespmem:s18+$0x15000] =	vst v6  }
0x3c1: {  	s22 =	sor.u32 $0x330, s24;
	[tilespmem:s17+$0x15000] =	vst v4  }
0x3c2: {  	v6 =	vld [tilespmem:s22+$0x5000]  }
0x3c3: {  	s8 =	sor.u32 $0x300, s24;
	v7 =	vld [tilespmem:s22+$0xD000]  }
0x3c4: {  	v9 =	vld [tilespmem:s8+$0x5000]  }
0x3c5: {  	p0 =	por !p0, !p0;
	s6 =	sor.u32 $0x310, s24;
	s16 =	simm.s32 $0x1;
	v10 =	vld [tilespmem:s8+$0xD000]  }
0x3c6: {  	s16 =	simm.s32 @!p0 $0x0;
	v12 =	vld [tilespmem:s6+$0x5000]  }
0x3c7: {  	s15 =	sor.u32 $0x320, s24;
	s16 =	sshll.u32 s16, $0x6;
	v13 =	vld [tilespmem:s6+$0xD000]  }
0x3c8: {  	s25 =	sadd.s32 $0x200, s16;
	v5 =	vld [tilespmem:s15+$0x5000]  }
0x3c9: {  	v4 =	vbroadcast v3, $0x6;
	s16 =	sor.u32 $0x330, s25;
	v8 =	vld [tilespmem:s15+$0xD000];
	v7 =	vmul.f32 v7, v6  }
0x3ca: {  	v6 =	vld [tilespmem:s16+$0x5000]  }
0x3cb: {  	s19 =	sor.u32 $0x300, s25;
	v10 =	vmul.f32 v10, v9;
	v9 =	vld [tilespmem:s16+$0xD000];
	v14 =	vmul.f32 v7, v4  }
0x3cc: {  	s20 =	simm.s32 $0x4;
	s21 =	simm.s32 $0x200;
	v7 =	vld [tilespmem:s19+$0x5000]  }
0x3cd: {  	p0 =	por !p0, !p0;
	s18 =	sor.u32 $0x310, s25;
	s17 =	sor.u32 $0x320, s25;
	v12 =	vmul.f32 v13, v12;
	v11 =	vmul.f32 v10, v4;
	v10 =	vld [tilespmem:s19+$0xD000];
	[tilespmem:s22+$0x15000] =	vst v14  }
.LBB2_49:
0x3ce: {  	s22 =	simm.s32 $0x1  }
0x3cf: {  	s22 =	simm.s32 @!p0 $0x0  }
0x3d0: {  	v13 =	vld [tilespmem:s18+$0x5000];
	[tilespmem:s8+$0x15000] =	vst v11;
	v11 =	vmul.f32 v12, v4;
	v8 =	vmul.f32 v8, v5;
	s8 =	smov.u32 s19;
	s21 =	sadd.s32 $0x200, s21;
	s19 =	sshll.u32 s22, $0x6  }
0x3d1: {  	s20 =	sadd.s32 $0x4, s20;
	v12 =	vld [tilespmem:s18+$0xD000];
	s22 =	sadd.s32 s19, s21  }
0x3d2: {  	p1 =	slt.u32 s20, $0x3C;
	v9 =	vmul.f32 v9, v6;
	v5 =	vld [tilespmem:s17+$0x5000];
	[tilespmem:s6+$0x15000] =	vst v11;
	v11 =	vmul.f32 v8, v4;
	s6 =	smov.u32 s18;
	s19 =	sor.u32 $0x300, s22  }
.Ltmp23:
0x3d3: {  	s18 =	sor.u32 $0x310, s22;
	s23 =	sor.u32 $0x330, s22;
	v8 =	vld [tilespmem:s17+$0xD000];
	(pc) =	sbr.rel @p1 .LBB2_49-.Ltmp23, $4  }
0x3d4: {  	v10 =	vmul.f32 v10, v7;
	v14 =	vmul.f32 v9, v4;
	v6 =	vld [tilespmem:s23+$0x5000];
	[tilespmem:s15+$0x15000] =	vst v11;
	s15 =	smov.u32 s17;
	s17 =	sor.u32 $0x320, s22  }
0x3d5: {  	v9 =	vld [tilespmem:s23+$0xD000]  }
0x3d6: {  	v11 =	vmul.f32 v10, v4;
	v7 =	vld [tilespmem:s19+$0x5000];
	v12 =	vmul.f32 v12, v13;
	[tilespmem:s16+$0x15000] =	vst v14;
	s16 =	smov.u32 s23  }
0x3d7: {  	p0 =	por !p0, !p0;
	v10 =	vld [tilespmem:s19+$0xD000]  }
0x3d8: {  	v13 =	vld [tilespmem:s18+$0x5000]  }
0x3d9: {  	v14 =	vld [tilespmem:s18+$0xD000]  }
0x3da: {  	v15 =	vld [tilespmem:s17+$0x5000]  }
0x3db: {  	v16 =	vld [tilespmem:s17+$0xD000]  }
0x3dc: {  	v5 =	vmul.f32 v8, v5  }
0x3dd: {  	v8 =	vmul.f32 v12, v4;
	v6 =	vmul.f32 v9, v6  }
0x3de: {  	[tilespmem:s8+$0x15000] =	vst v11;
	v5 =	vmul.f32 v5, v4;
	v7 =	vmul.f32 v10, v7  }
0x3df: {  	[tilespmem:s6+$0x15000] =	vst v8;
	v6 =	vmul.f32 v6, v4;
	v8 =	vmul.f32 v14, v13  }
0x3e0: {  	[tilespmem:s15+$0x15000] =	vst v5;
	v5 =	vmul.f32 v7, v4;
	v7 =	vmul.f32 v16, v15  }
0x3e1: {  	[tilespmem:s16+$0x15000] =	vst v6;
	v6 =	vmul.f32 v8, v4  }
0x3e2: {  	s21 =	simm.s32 $0x0;
	[tilespmem:s19+$0x15000] =	vst v5;
	v4 =	vmul.f32 v7, v4  }
0x3e3: {  	s22 =	sor.u32 s21, s21;
	[tilespmem:s18+$0x15000] =	vst v6  }
0x3e4: {  	s23 =	sor.u32 $0x3B0, s22;
	[tilespmem:s17+$0x15000] =	vst v4  }
0x3e5: {  	v5 =	vld [tilespmem:s23+$0x5000]  }
0x3e6: {  	s20 =	sor.u32 $0x380, s22;
	v6 =	vld [tilespmem:s23+$0xD000]  }
0x3e7: {  	v7 =	vld [tilespmem:s20+$0x5000]  }
0x3e8: {  	s6 =	sor.u32 $0x390, s22;
	v8 =	vld [tilespmem:s20+$0xD000]  }
0x3e9: {  	v9 =	vld [tilespmem:s6+$0x5000]  }
0x3ea: {  	s24 =	simm.s32 $0x200;
	s25 =	simm.s32 $0x40;
	s8 =	sor.u32 $0x3A0, s22;
	v10 =	vld [tilespmem:s6+$0xD000]  }
0x3eb: {  	s21 =	sor.u32 s25, s24;
	v12 =	vld [tilespmem:s8+$0x5000]  }
0x3ec: {  	s15 =	sor.u32 $0x3B0, s21;
	v13 =	vld [tilespmem:s8+$0xD000]  }
0x3ed: {  	v4 =	vbroadcast v3, $0x7;
	v5 =	vmul.f32 v6, v5;
	v6 =	vld [tilespmem:s15+$0x5000]  }
0x3ee: {  	s16 =	sor.u32 $0x380, s21;
	v7 =	vmul.f32 v8, v7;
	v8 =	vld [tilespmem:s15+$0xD000]  }
0x3ef: {  	v10 =	vmul.f32 v10, v9;
	v9 =	vld [tilespmem:s16+$0xD000];
	v11 =	vmul.f32 v5, v4  }
0x3f0: {  	s18 =	sor.u32 $0x390, s21;
	v5 =	vld [tilespmem:s16+$0x5000];
	v14 =	vmul.f32 v7, v4  }
0x3f1: {  	s19 =	simm.s32 $0x4;
	v12 =	vmul.f32 v13, v12;
	v7 =	vld [tilespmem:s18+$0x5000];
	[tilespmem:s23+$0x15000] =	vst v11;
	v11 =	vmul.f32 v10, v4  }
0x3f2: {  	s17 =	sor.u32 $0x3A0, s21;
	s21 =	simm.s32 $0x80;
	[tilespmem:s20+$0x15000] =	vst v14;
	v10 =	vld [tilespmem:s18+$0xD000];
	s20 =	simm.s32 $0x400  }
.LBB2_51:
0x3f3: {  	s22 =	sor.u32 s21, s20;
	v13 =	vld [tilespmem:s17+$0x5000];
	v8 =	vmul.f32 v8, v6;
	[tilespmem:s6+$0x15000] =	vst v11;
	v11 =	vmul.f32 v12, v4;
	s6 =	smov.u32 s18  }
0x3f4: {  	s19 =	sadd.s32 $0x4, s19;
	s23 =	sor.u32 $0x380, s22;
	s24 =	sor.u32 $0x3B0, s22;
	v12 =	vld [tilespmem:s17+$0xD000]  }
0x3f5: {  	s18 =	sor.u32 $0x390, s22;
	s22 =	sor.u32 $0x3A0, s22;
	p0 =	slt.u32 s19, $0x3C;
	v6 =	vld [tilespmem:s24+$0x5000];
	v9 =	vmul.f32 v9, v5;
	v14 =	vmul.f32 v8, v4;
	[tilespmem:s8+$0x15000] =	vst v11  }
.Ltmp24:
0x3f6: {  	s8 =	smov.u32 s17;
	s17 =	smov.u32 s22;
	v8 =	vld [tilespmem:s24+$0xD000];
	(pc) =	sbr.rel @p0 .LBB2_51-.Ltmp24, $4  }
0x3f7: {  	v5 =	vld [tilespmem:s23+$0x5000];
	v11 =	vmul.f32 v9, v4;
	v10 =	vmul.f32 v10, v7;
	[tilespmem:s15+$0x15000] =	vst v14;
	s15 =	smov.u32 s24  }
0x3f8: {  	v9 =	vld [tilespmem:s23+$0xD000]  }
0x3f9: {  	v7 =	vld [tilespmem:s18+$0x5000];
	[tilespmem:s16+$0x15000] =	vst v11;
	v11 =	vmul.f32 v10, v4;
	v12 =	vmul.f32 v12, v13;
	s16 =	smov.u32 s23  }
0x3fa: {  	s20 =	sadd.s32 $0x200, s20;
	s21 =	sadd.s32 $0x40, s21;
	v10 =	vld [tilespmem:s18+$0xD000]  }
0x3fb: {  	v13 =	vld [tilespmem:s17+$0x5000]  }
0x3fc: {  	v14 =	vld [tilespmem:s17+$0xD000];
	_ =	sdelay $0x1  }
0x3fd: {  	v6 =	vmul.f32 v8, v6  }
0x3fe: {  	v8 =	vmul.f32 v12, v4;
	v5 =	vmul.f32 v9, v5  }
0x3ff: {  	[tilespmem:s6+$0x15000] =	vst v11;
	v6 =	vmul.f32 v6, v4;
	v7 =	vmul.f32 v10, v7  }
0x400: {  	[tilespmem:s8+$0x15000] =	vst v8;
	v5 =	vmul.f32 v5, v4;
	v8 =	vmul.f32 v14, v13  }
0x401: {  	[tilespmem:s15+$0x15000] =	vst v6;
	v6 =	vmul.f32 v7, v4  }
0x402: {  	s22 =	simm.s32 $0x0;
	[tilespmem:s16+$0x15000] =	vst v5;
	v4 =	vmul.f32 v8, v4  }
0x403: {  	s23 =	sand.u32 $0x40, s22;
	s6 =	sand.u32 $0x1C00, s22;
	[tilespmem:s18+$0x15000] =	vst v6  }
0x404: {  	s6 =	sor.u32 s23, s6;
	[tilespmem:s17+$0x15000] =	vst v4  }
0x405: {  	v5 =	vld [tilespmem:s6+$0x7030]  }
0x406: {  	v6 =	vld [tilespmem:s6+$0xF030]  }
0x407: {  	v7 =	vld [tilespmem:s6+$0x7000]  }
0x408: {  	v8 =	vld [tilespmem:s6+$0xF000]  }
0x409: {  	v9 =	vld [tilespmem:s6+$0x7010]  }
0x40a: {  	s24 =	simm.s32 $0x200;
	s25 =	simm.s32 $0x40;
	v10 =	vld [tilespmem:s6+$0xF010]  }
0x40b: {  	s8 =	sand.u32 $0x1C00, s24;
	s15 =	sand.u32 $0x40, s25;
	v12 =	vld [tilespmem:s6+$0x7020]  }
0x40c: {  	s8 =	sor.u32 s15, s8;
	v4 =	vbroadcast v3, $0x8;
	v13 =	vld [tilespmem:s6+$0xF020];
	v6 =	vmul.f32 v6, v5  }
0x40d: {  	v5 =	vld [tilespmem:s8+$0x7030];
	v11 =	vmul.f32 v8, v7  }
0x40e: {  	v8 =	vld [tilespmem:s8+$0xF030];
	v6 =	vmul.f32 v6, v4  }
0x40f: {  	v7 =	vld [tilespmem:s8+$0x7000];
	v10 =	vmul.f32 v10, v9;
	v11 =	vmul.f32 v11, v4  }
0x410: {  	v9 =	vld [tilespmem:s8+$0xF000];
	[tilespmem:s6+$0x17030] =	vst v6  }
0x411: {  	v12 =	vmul.f32 v13, v12;
	v6 =	vld [tilespmem:s8+$0x7010];
	[tilespmem:s6+$0x17000] =	vst v11;
	v11 =	vmul.f32 v10, v4  }
0x412: {  	s15 =	simm.s32 $0x4;
	s16 =	simm.s32 $0x400;
	s17 =	simm.s32 $0x80;
	v10 =	vld [tilespmem:s8+$0xF010]  }
.LBB2_53:
0x413: {  	s18 =	sand.u32 $0x40, s17;
	s19 =	sand.u32 $0x1C00, s16;
	v13 =	vld [tilespmem:s8+$0x7020];
	v8 =	vmul.f32 v8, v5;
	[tilespmem:s6+$0x17010] =	vst v11;
	v11 =	vmul.f32 v12, v4  }
0x414: {  	s15 =	sadd.s32 $0x4, s15;
	s18 =	sor.u32 s18, s19;
	v12 =	vld [tilespmem:s8+$0xF020]  }
0x415: {  	p0 =	slt.u32 s15, $0x3C;
	v5 =	vld [tilespmem:s18+$0x7030];
	v9 =	vmul.f32 v9, v7;
	v14 =	vmul.f32 v8, v4;
	[tilespmem:s6+$0x17020] =	vst v11;
	s6 =	smov.u32 s8;
	s8 =	smov.u32 s18  }
.Ltmp25:
0x416: {  	v8 =	vld [tilespmem:s8+$0xF030];
	(pc) =	sbr.rel @p0 .LBB2_53-.Ltmp25, $4  }
0x417: {  	v7 =	vld [tilespmem:s8+$0x7000];
	v11 =	vmul.f32 v9, v4;
	v10 =	vmul.f32 v10, v6;
	[tilespmem:s6+$0x17030] =	vst v14  }
0x418: {  	v9 =	vld [tilespmem:s8+$0xF000]  }
0x419: {  	v6 =	vld [tilespmem:s8+$0x7010];
	[tilespmem:s6+$0x17000] =	vst v11;
	v11 =	vmul.f32 v10, v4;
	v12 =	vmul.f32 v12, v13  }
0x41a: {  	s16 =	sadd.s32 $0x200, s16;
	s17 =	sadd.s32 $0x40, s17;
	v10 =	vld [tilespmem:s8+$0xF010]  }
0x41b: {  	v13 =	vld [tilespmem:s8+$0x7020]  }
0x41c: {  	v14 =	vld [tilespmem:s8+$0xF020];
	_ =	sdelay $0x1  }
0x41d: {  	v5 =	vmul.f32 v8, v5  }
0x41e: {  	v8 =	vmul.f32 v12, v4;
	v7 =	vmul.f32 v9, v7  }
0x41f: {  	[tilespmem:s6+$0x17010] =	vst v11;
	v5 =	vmul.f32 v5, v4;
	v6 =	vmul.f32 v10, v6  }
0x420: {  	[tilespmem:s6+$0x17020] =	vst v8;
	v7 =	vmul.f32 v7, v4;
	v8 =	vmul.f32 v14, v13  }
0x421: {  	[tilespmem:s8+$0x17030] =	vst v5;
	v5 =	vmul.f32 v6, v4  }
0x422: {  	s23 =	simm.s32 $0x0;
	[tilespmem:s8+$0x17000] =	vst v7;
	v4 =	vmul.f32 v8, v4  }
0x423: {  	s15 =	sand.u32 $0x40, s23;
	s6 =	sand.u32 $0x1C00, s23;
	[tilespmem:s8+$0x17010] =	vst v5  }
0x424: {  	s6 =	sor.u32 s15, s6;
	[tilespmem:s8+$0x17020] =	vst v4  }
0x425: {  	v5 =	vld [tilespmem:s6+$0x70B0]  }
0x426: {  	v6 =	vld [tilespmem:s6+$0xF0B0]  }
0x427: {  	v7 =	vld [tilespmem:s6+$0x7080]  }
0x428: {  	v8 =	vld [tilespmem:s6+$0xF080]  }
0x429: {  	v9 =	vld [tilespmem:s6+$0x7090]  }
0x42a: {  	s24 =	simm.s32 $0x200;
	s25 =	simm.s32 $0x40;
	v10 =	vld [tilespmem:s6+$0xF090]  }
0x42b: {  	s15 =	sand.u32 $0x40, s25;
	s8 =	sand.u32 $0x1C00, s24;
	v12 =	vld [tilespmem:s6+$0x70A0]  }
0x42c: {  	v4 =	vbroadcast v3, $0x9;
	s8 =	sor.u32 s15, s8;
	v13 =	vld [tilespmem:s6+$0xF0A0];
	v6 =	vmul.f32 v6, v5  }
0x42d: {  	v5 =	vld [tilespmem:s8+$0x70B0];
	v11 =	vmul.f32 v8, v7  }
0x42e: {  	v8 =	vld [tilespmem:s8+$0xF0B0];
	v6 =	vmul.f32 v6, v4  }
0x42f: {  	v7 =	vld [tilespmem:s8+$0x7080];
	v10 =	vmul.f32 v10, v9;
	v11 =	vmul.f32 v11, v4  }
0x430: {  	v9 =	vld [tilespmem:s8+$0xF080];
	[tilespmem:s6+$0x170B0] =	vst v6  }
0x431: {  	v12 =	vmul.f32 v13, v12;
	v6 =	vld [tilespmem:s8+$0x7090];
	[tilespmem:s6+$0x17080] =	vst v11;
	v11 =	vmul.f32 v10, v4  }
0x432: {  	s16 =	simm.s32 $0x400;
	s17 =	simm.s32 $0x80;
	s15 =	simm.s32 $0x4;
	v10 =	vld [tilespmem:s8+$0xF090]  }
.LBB2_55:
0x433: {  	s18 =	sand.u32 $0x40, s17;
	s19 =	sand.u32 $0x1C00, s16;
	v13 =	vld [tilespmem:s8+$0x70A0];
	v8 =	vmul.f32 v8, v5;
	[tilespmem:s6+$0x17090] =	vst v11;
	v11 =	vmul.f32 v12, v4  }
0x434: {  	s15 =	sadd.s32 $0x4, s15;
	s18 =	sor.u32 s18, s19;
	v12 =	vld [tilespmem:s8+$0xF0A0]  }
0x435: {  	p0 =	slt.u32 s15, $0x3C;
	v5 =	vld [tilespmem:s18+$0x70B0];
	v9 =	vmul.f32 v9, v7;
	v14 =	vmul.f32 v8, v4;
	[tilespmem:s6+$0x170A0] =	vst v11;
	s6 =	smov.u32 s8;
	s8 =	smov.u32 s18  }
.Ltmp26:
0x436: {  	v8 =	vld [tilespmem:s8+$0xF0B0];
	(pc) =	sbr.rel @p0 .LBB2_55-.Ltmp26, $4  }
0x437: {  	v7 =	vld [tilespmem:s8+$0x7080];
	v11 =	vmul.f32 v9, v4;
	v10 =	vmul.f32 v10, v6;
	[tilespmem:s6+$0x170B0] =	vst v14  }
0x438: {  	v9 =	vld [tilespmem:s8+$0xF080]  }
0x439: {  	v6 =	vld [tilespmem:s8+$0x7090];
	[tilespmem:s6+$0x17080] =	vst v11;
	v11 =	vmul.f32 v10, v4;
	v12 =	vmul.f32 v12, v13  }
0x43a: {  	s16 =	sadd.s32 $0x200, s16;
	s17 =	sadd.s32 $0x40, s17;
	v10 =	vld [tilespmem:s8+$0xF090]  }
0x43b: {  	v13 =	vld [tilespmem:s8+$0x70A0]  }
0x43c: {  	v14 =	vld [tilespmem:s8+$0xF0A0];
	_ =	sdelay $0x1  }
0x43d: {  	v5 =	vmul.f32 v8, v5  }
0x43e: {  	v8 =	vmul.f32 v12, v4;
	v7 =	vmul.f32 v9, v7  }
0x43f: {  	[tilespmem:s6+$0x17090] =	vst v11;
	v5 =	vmul.f32 v5, v4;
	v6 =	vmul.f32 v10, v6  }
0x440: {  	[tilespmem:s6+$0x170A0] =	vst v8;
	v7 =	vmul.f32 v7, v4;
	v8 =	vmul.f32 v14, v13  }
0x441: {  	[tilespmem:s8+$0x170B0] =	vst v5;
	v5 =	vmul.f32 v6, v4  }
0x442: {  	s23 =	simm.s32 $0x0;
	[tilespmem:s8+$0x17080] =	vst v7;
	v4 =	vmul.f32 v8, v4  }
0x443: {  	s15 =	sand.u32 $0x40, s23;
	s6 =	sand.u32 $0x1C00, s23;
	[tilespmem:s8+$0x17090] =	vst v5  }
0x444: {  	s6 =	sor.u32 s15, s6;
	[tilespmem:s8+$0x170A0] =	vst v4  }
0x445: {  	v5 =	vld [tilespmem:s6+$0x7130]  }
0x446: {  	v6 =	vld [tilespmem:s6+$0xF130]  }
0x447: {  	v7 =	vld [tilespmem:s6+$0x7100]  }
0x448: {  	v8 =	vld [tilespmem:s6+$0xF100]  }
0x449: {  	v9 =	vld [tilespmem:s6+$0x7110]  }
0x44a: {  	s24 =	simm.s32 $0x200;
	s25 =	simm.s32 $0x40;
	v10 =	vld [tilespmem:s6+$0xF110]  }
0x44b: {  	s15 =	sand.u32 $0x40, s25;
	s8 =	sand.u32 $0x1C00, s24;
	v12 =	vld [tilespmem:s6+$0x7120]  }
0x44c: {  	v4 =	vbroadcast v3, $0xA;
	s8 =	sor.u32 s15, s8;
	v13 =	vld [tilespmem:s6+$0xF120];
	v6 =	vmul.f32 v6, v5  }
0x44d: {  	v5 =	vld [tilespmem:s8+$0x7130];
	v11 =	vmul.f32 v8, v7  }
0x44e: {  	v8 =	vld [tilespmem:s8+$0xF130];
	v6 =	vmul.f32 v6, v4  }
0x44f: {  	v7 =	vld [tilespmem:s8+$0x7100];
	v10 =	vmul.f32 v10, v9;
	v11 =	vmul.f32 v11, v4  }
0x450: {  	v9 =	vld [tilespmem:s8+$0xF100];
	[tilespmem:s6+$0x17130] =	vst v6  }
0x451: {  	v12 =	vmul.f32 v13, v12;
	v6 =	vld [tilespmem:s8+$0x7110];
	[tilespmem:s6+$0x17100] =	vst v11;
	v11 =	vmul.f32 v10, v4  }
0x452: {  	s16 =	simm.s32 $0x400;
	s17 =	simm.s32 $0x80;
	s15 =	simm.s32 $0x4;
	v10 =	vld [tilespmem:s8+$0xF110]  }
.LBB2_57:
0x453: {  	s18 =	sand.u32 $0x40, s17;
	s19 =	sand.u32 $0x1C00, s16;
	v13 =	vld [tilespmem:s8+$0x7120];
	v8 =	vmul.f32 v8, v5;
	[tilespmem:s6+$0x17110] =	vst v11;
	v11 =	vmul.f32 v12, v4  }
0x454: {  	s15 =	sadd.s32 $0x4, s15;
	s18 =	sor.u32 s18, s19;
	v12 =	vld [tilespmem:s8+$0xF120]  }
0x455: {  	p0 =	slt.u32 s15, $0x3C;
	v5 =	vld [tilespmem:s18+$0x7130];
	v9 =	vmul.f32 v9, v7;
	v14 =	vmul.f32 v8, v4;
	[tilespmem:s6+$0x17120] =	vst v11;
	s6 =	smov.u32 s8;
	s8 =	smov.u32 s18  }
.Ltmp27:
0x456: {  	v8 =	vld [tilespmem:s8+$0xF130];
	(pc) =	sbr.rel @p0 .LBB2_57-.Ltmp27, $4  }
0x457: {  	v7 =	vld [tilespmem:s8+$0x7100];
	v11 =	vmul.f32 v9, v4;
	v10 =	vmul.f32 v10, v6;
	[tilespmem:s6+$0x17130] =	vst v14  }
0x458: {  	v9 =	vld [tilespmem:s8+$0xF100]  }
0x459: {  	v6 =	vld [tilespmem:s8+$0x7110];
	[tilespmem:s6+$0x17100] =	vst v11;
	v11 =	vmul.f32 v10, v4;
	v12 =	vmul.f32 v12, v13  }
0x45a: {  	s16 =	sadd.s32 $0x200, s16;
	s17 =	sadd.s32 $0x40, s17;
	v10 =	vld [tilespmem:s8+$0xF110]  }
0x45b: {  	v13 =	vld [tilespmem:s8+$0x7120]  }
0x45c: {  	v14 =	vld [tilespmem:s8+$0xF120];
	_ =	sdelay $0x1  }
0x45d: {  	v5 =	vmul.f32 v8, v5  }
0x45e: {  	v8 =	vmul.f32 v12, v4;
	v7 =	vmul.f32 v9, v7  }
0x45f: {  	[tilespmem:s6+$0x17110] =	vst v11;
	v5 =	vmul.f32 v5, v4;
	v6 =	vmul.f32 v10, v6  }
0x460: {  	[tilespmem:s6+$0x17120] =	vst v8;
	v7 =	vmul.f32 v7, v4;
	v8 =	vmul.f32 v14, v13  }
0x461: {  	[tilespmem:s8+$0x17130] =	vst v5;
	v5 =	vmul.f32 v6, v4  }
0x462: {  	s23 =	simm.s32 $0x0;
	[tilespmem:s8+$0x17100] =	vst v7;
	v4 =	vmul.f32 v8, v4  }
0x463: {  	s15 =	sand.u32 $0x40, s23;
	s6 =	sand.u32 $0x1C00, s23;
	[tilespmem:s8+$0x17110] =	vst v5  }
0x464: {  	[tilespmem:s8+$0x17120] =	vst v4;
	s8 =	sor.u32 s15, s6  }
0x465: {  	v5 =	vld [tilespmem:s8+$0x71B0]  }
0x466: {  	v6 =	vld [tilespmem:s8+$0xF1B0]  }
0x467: {  	v7 =	vld [tilespmem:s8+$0x7180]  }
0x468: {  	v8 =	vld [tilespmem:s8+$0xF180]  }
0x469: {  	v9 =	vld [tilespmem:s8+$0x7190]  }
0x46a: {  	s24 =	simm.s32 $0x200;
	s25 =	simm.s32 $0x40;
	v10 =	vld [tilespmem:s8+$0xF190]  }
0x46b: {  	s15 =	sand.u32 $0x40, s25;
	s6 =	sand.u32 $0x1C00, s24;
	v12 =	vld [tilespmem:s8+$0x71A0]  }
0x46c: {  	v4 =	vbroadcast v3, $0xB;
	s6 =	sor.u32 s15, s6;
	v13 =	vld [tilespmem:s8+$0xF1A0];
	v6 =	vmul.f32 v6, v5  }
0x46d: {  	v5 =	vld [tilespmem:s6+$0x71B0];
	v11 =	vmul.f32 v8, v7  }
0x46e: {  	v8 =	vld [tilespmem:s6+$0xF1B0];
	v6 =	vmul.f32 v6, v4  }
0x46f: {  	v7 =	vld [tilespmem:s6+$0x7180];
	v10 =	vmul.f32 v10, v9;
	v11 =	vmul.f32 v11, v4  }
0x470: {  	v9 =	vld [tilespmem:s6+$0xF180];
	[tilespmem:s8+$0x171B0] =	vst v6  }
0x471: {  	v12 =	vmul.f32 v13, v12;
	v6 =	vld [tilespmem:s6+$0x7190];
	[tilespmem:s8+$0x17180] =	vst v11;
	v11 =	vmul.f32 v10, v4  }
0x472: {  	s16 =	simm.s32 $0x400;
	s17 =	simm.s32 $0x80;
	s15 =	simm.s32 $0x4;
	v10 =	vld [tilespmem:s6+$0xF190]  }
.LBB2_59:
0x473: {  	s18 =	sand.u32 $0x40, s17;
	s19 =	sand.u32 $0x1C00, s16;
	v13 =	vld [tilespmem:s6+$0x71A0];
	v8 =	vmul.f32 v8, v5;
	[tilespmem:s8+$0x17190] =	vst v11;
	v11 =	vmul.f32 v12, v4  }
0x474: {  	s15 =	sadd.s32 $0x4, s15;
	s18 =	sor.u32 s18, s19;
	v12 =	vld [tilespmem:s6+$0xF1A0]  }
0x475: {  	p0 =	slt.u32 s15, $0x3C;
	v5 =	vld [tilespmem:s18+$0x71B0];
	v9 =	vmul.f32 v9, v7;
	v14 =	vmul.f32 v8, v4;
	[tilespmem:s8+$0x171A0] =	vst v11;
	s8 =	smov.u32 s6;
	s6 =	smov.u32 s18  }
.Ltmp28:
0x476: {  	v8 =	vld [tilespmem:s6+$0xF1B0];
	(pc) =	sbr.rel @p0 .LBB2_59-.Ltmp28, $4  }
0x477: {  	v7 =	vld [tilespmem:s6+$0x7180];
	v11 =	vmul.f32 v9, v4;
	v10 =	vmul.f32 v10, v6;
	[tilespmem:s8+$0x171B0] =	vst v14  }
0x478: {  	v9 =	vld [tilespmem:s6+$0xF180]  }
0x479: {  	v6 =	vld [tilespmem:s6+$0x7190];
	[tilespmem:s8+$0x17180] =	vst v11;
	v11 =	vmul.f32 v10, v4;
	v12 =	vmul.f32 v12, v13  }
0x47a: {  	s16 =	sadd.s32 $0x200, s16;
	s17 =	sadd.s32 $0x40, s17;
	v10 =	vld [tilespmem:s6+$0xF190]  }
0x47b: {  	v13 =	vld [tilespmem:s6+$0x71A0]  }
0x47c: {  	v14 =	vld [tilespmem:s6+$0xF1A0];
	_ =	sdelay $0x1  }
0x47d: {  	v5 =	vmul.f32 v8, v5  }
0x47e: {  	v8 =	vmul.f32 v12, v4;
	v7 =	vmul.f32 v9, v7  }
0x47f: {  	[tilespmem:s8+$0x17190] =	vst v11;
	v5 =	vmul.f32 v5, v4;
	v6 =	vmul.f32 v10, v6  }
0x480: {  	p0 =	por $0x0, $0x0;
	[tilespmem:s8+$0x171A0] =	vst v8;
	s8 =	simm.s32 $0x1;
	v7 =	vmul.f32 v7, v4;
	v8 =	vmul.f32 v14, v13  }
0x481: {  	s8 =	simm.s32 @!p0 $0x0;
	[tilespmem:s6+$0x171B0] =	vst v5;
	v5 =	vmul.f32 v6, v4  }
0x482: {  	s8 =	sshll.u32 s8, $0x6;
	[tilespmem:s6+$0x17180] =	vst v7;
	v4 =	vmul.f32 v8, v4  }
0x483: {  	s15 =	sadd.s32 $0x0, s8;
	[tilespmem:s6+$0x17190] =	vst v5  }
0x484: {  	s22 =	sor.u32 $0x2230, s15;
	[tilespmem:s6+$0x171A0] =	vst v4  }
0x485: {  	v6 =	vld [tilespmem:s22+$0x5000]  }
0x486: {  	s8 =	sor.u32 $0x2200, s15;
	v7 =	vld [tilespmem:s22+$0xD000]  }
0x487: {  	v9 =	vld [tilespmem:s8+$0x5000]  }
0x488: {  	s16 =	simm.s32 $0x1;
	p0 =	por !p0, !p0;
	s6 =	sor.u32 $0x2210, s15;
	v10 =	vld [tilespmem:s8+$0xD000]  }
0x489: {  	s16 =	simm.s32 @!p0 $0x0;
	v12 =	vld [tilespmem:s6+$0x5000]  }
0x48a: {  	s16 =	sshll.u32 s16, $0x6;
	s15 =	sor.u32 $0x2220, s15;
	v13 =	vld [tilespmem:s6+$0xD000]  }
0x48b: {  	s17 =	sadd.s32 $0x200, s16;
	v5 =	vld [tilespmem:s15+$0x5000]  }
0x48c: {  	s16 =	sor.u32 $0x2230, s17;
	v4 =	vbroadcast v3, $0xC;
	v8 =	vld [tilespmem:s15+$0xD000];
	v7 =	vmul.f32 v7, v6  }
0x48d: {  	v6 =	vld [tilespmem:s16+$0x5000]  }
0x48e: {  	s19 =	sor.u32 $0x2200, s17;
	v10 =	vmul.f32 v10, v9;
	v9 =	vld [tilespmem:s16+$0xD000];
	v14 =	vmul.f32 v7, v4  }
0x48f: {  	s20 =	simm.s32 $0x4;
	s21 =	simm.s32 $0x200;
	v7 =	vld [tilespmem:s19+$0x5000]  }
0x490: {  	p0 =	por !p0, !p0;
	s18 =	sor.u32 $0x2210, s17;
	s17 =	sor.u32 $0x2220, s17;
	v12 =	vmul.f32 v13, v12;
	v11 =	vmul.f32 v10, v4;
	v10 =	vld [tilespmem:s19+$0xD000];
	[tilespmem:s22+$0x15000] =	vst v14  }
.LBB2_61:
0x491: {  	s22 =	simm.s32 $0x1  }
0x492: {  	s22 =	simm.s32 @!p0 $0x0  }
0x493: {  	v13 =	vld [tilespmem:s18+$0x5000];
	[tilespmem:s8+$0x15000] =	vst v11;
	v11 =	vmul.f32 v12, v4;
	v8 =	vmul.f32 v8, v5;
	s8 =	smov.u32 s19;
	s21 =	sadd.s32 $0x200, s21;
	s19 =	sshll.u32 s22, $0x6  }
0x494: {  	s20 =	sadd.s32 $0x4, s20;
	v12 =	vld [tilespmem:s18+$0xD000];
	s22 =	sadd.s32 s19, s21  }
0x495: {  	p1 =	slt.u32 s20, $0x3C;
	v9 =	vmul.f32 v9, v6;
	v5 =	vld [tilespmem:s17+$0x5000];
	[tilespmem:s6+$0x15000] =	vst v11;
	v11 =	vmul.f32 v8, v4;
	s6 =	smov.u32 s18;
	s19 =	sor.u32 $0x2200, s22  }
.Ltmp29:
0x496: {  	s18 =	sor.u32 $0x2210, s22;
	s23 =	sor.u32 $0x2230, s22;
	v8 =	vld [tilespmem:s17+$0xD000];
	(pc) =	sbr.rel @p1 .LBB2_61-.Ltmp29, $4  }
0x497: {  	v10 =	vmul.f32 v10, v7;
	v14 =	vmul.f32 v9, v4;
	v6 =	vld [tilespmem:s23+$0x5000];
	[tilespmem:s15+$0x15000] =	vst v11;
	s15 =	smov.u32 s17;
	s17 =	sor.u32 $0x2220, s22  }
0x498: {  	v9 =	vld [tilespmem:s23+$0xD000]  }
0x499: {  	v11 =	vmul.f32 v10, v4;
	v7 =	vld [tilespmem:s19+$0x5000];
	v12 =	vmul.f32 v12, v13;
	[tilespmem:s16+$0x15000] =	vst v14;
	s16 =	smov.u32 s23  }
0x49a: {  	p0 =	por !p0, !p0;
	v10 =	vld [tilespmem:s19+$0xD000]  }
0x49b: {  	v13 =	vld [tilespmem:s18+$0x5000]  }
0x49c: {  	v14 =	vld [tilespmem:s18+$0xD000]  }
0x49d: {  	v15 =	vld [tilespmem:s17+$0x5000]  }
0x49e: {  	v16 =	vld [tilespmem:s17+$0xD000]  }
0x49f: {  	v5 =	vmul.f32 v8, v5  }
0x4a0: {  	v8 =	vmul.f32 v12, v4;
	v6 =	vmul.f32 v9, v6  }
0x4a1: {  	[tilespmem:s8+$0x15000] =	vst v11;
	v5 =	vmul.f32 v5, v4;
	v7 =	vmul.f32 v10, v7  }
0x4a2: {  	[tilespmem:s6+$0x15000] =	vst v8;
	v6 =	vmul.f32 v6, v4;
	v8 =	vmul.f32 v14, v13  }
0x4a3: {  	p0 =	por $0x0, $0x0;
	s6 =	simm.s32 $0x1;
	[tilespmem:s15+$0x15000] =	vst v5;
	v5 =	vmul.f32 v7, v4;
	v7 =	vmul.f32 v16, v15  }
0x4a4: {  	s6 =	simm.s32 @!p0 $0x0;
	[tilespmem:s16+$0x15000] =	vst v6;
	v6 =	vmul.f32 v8, v4  }
0x4a5: {  	s6 =	sshll.u32 s6, $0x6;
	[tilespmem:s19+$0x15000] =	vst v5;
	v4 =	vmul.f32 v7, v4  }
0x4a6: {  	s24 =	sadd.s32 $0x0, s6;
	[tilespmem:s18+$0x15000] =	vst v6  }
0x4a7: {  	s22 =	sor.u32 $0x22B0, s24;
	[tilespmem:s17+$0x15000] =	vst v4  }
0x4a8: {  	v6 =	vld [tilespmem:s22+$0x5000]  }
0x4a9: {  	s8 =	sor.u32 $0x2280, s24;
	v7 =	vld [tilespmem:s22+$0xD000]  }
0x4aa: {  	v9 =	vld [tilespmem:s8+$0x5000]  }
0x4ab: {  	p0 =	por !p0, !p0;
	s6 =	sor.u32 $0x2290, s24;
	s16 =	simm.s32 $0x1;
	v10 =	vld [tilespmem:s8+$0xD000]  }
0x4ac: {  	s16 =	simm.s32 @!p0 $0x0;
	v12 =	vld [tilespmem:s6+$0x5000]  }
0x4ad: {  	s15 =	sor.u32 $0x22A0, s24;
	s16 =	sshll.u32 s16, $0x6;
	v13 =	vld [tilespmem:s6+$0xD000]  }
0x4ae: {  	s25 =	sadd.s32 $0x200, s16;
	v5 =	vld [tilespmem:s15+$0x5000]  }
0x4af: {  	v4 =	vbroadcast v3, $0xD;
	s16 =	sor.u32 $0x22B0, s25;
	v8 =	vld [tilespmem:s15+$0xD000];
	v7 =	vmul.f32 v7, v6  }
0x4b0: {  	v6 =	vld [tilespmem:s16+$0x5000]  }
0x4b1: {  	s19 =	sor.u32 $0x2280, s25;
	v10 =	vmul.f32 v10, v9;
	v9 =	vld [tilespmem:s16+$0xD000];
	v14 =	vmul.f32 v7, v4  }
0x4b2: {  	s20 =	simm.s32 $0x4;
	s21 =	simm.s32 $0x200;
	v7 =	vld [tilespmem:s19+$0x5000]  }
0x4b3: {  	p0 =	por !p0, !p0;
	s18 =	sor.u32 $0x2290, s25;
	s17 =	sor.u32 $0x22A0, s25;
	v12 =	vmul.f32 v13, v12;
	v11 =	vmul.f32 v10, v4;
	v10 =	vld [tilespmem:s19+$0xD000];
	[tilespmem:s22+$0x15000] =	vst v14  }
.LBB2_63:
0x4b4: {  	s22 =	simm.s32 $0x1  }
0x4b5: {  	s22 =	simm.s32 @!p0 $0x0  }
0x4b6: {  	v13 =	vld [tilespmem:s18+$0x5000];
	[tilespmem:s8+$0x15000] =	vst v11;
	v11 =	vmul.f32 v12, v4;
	v8 =	vmul.f32 v8, v5;
	s8 =	smov.u32 s19;
	s21 =	sadd.s32 $0x200, s21;
	s19 =	sshll.u32 s22, $0x6  }
0x4b7: {  	s20 =	sadd.s32 $0x4, s20;
	v12 =	vld [tilespmem:s18+$0xD000];
	s22 =	sadd.s32 s19, s21  }
0x4b8: {  	p1 =	slt.u32 s20, $0x3C;
	v9 =	vmul.f32 v9, v6;
	v5 =	vld [tilespmem:s17+$0x5000];
	[tilespmem:s6+$0x15000] =	vst v11;
	v11 =	vmul.f32 v8, v4;
	s6 =	smov.u32 s18;
	s19 =	sor.u32 $0x2280, s22  }
.Ltmp30:
0x4b9: {  	s18 =	sor.u32 $0x2290, s22;
	s23 =	sor.u32 $0x22B0, s22;
	v8 =	vld [tilespmem:s17+$0xD000];
	(pc) =	sbr.rel @p1 .LBB2_63-.Ltmp30, $4  }
0x4ba: {  	v10 =	vmul.f32 v10, v7;
	v14 =	vmul.f32 v9, v4;
	v6 =	vld [tilespmem:s23+$0x5000];
	[tilespmem:s15+$0x15000] =	vst v11;
	s15 =	smov.u32 s17;
	s17 =	sor.u32 $0x22A0, s22  }
0x4bb: {  	v9 =	vld [tilespmem:s23+$0xD000]  }
0x4bc: {  	v11 =	vmul.f32 v10, v4;
	v7 =	vld [tilespmem:s19+$0x5000];
	v12 =	vmul.f32 v12, v13;
	[tilespmem:s16+$0x15000] =	vst v14;
	s16 =	smov.u32 s23  }
0x4bd: {  	p0 =	por !p0, !p0;
	v10 =	vld [tilespmem:s19+$0xD000]  }
0x4be: {  	v13 =	vld [tilespmem:s18+$0x5000]  }
0x4bf: {  	v14 =	vld [tilespmem:s18+$0xD000]  }
0x4c0: {  	v15 =	vld [tilespmem:s17+$0x5000]  }
0x4c1: {  	v16 =	vld [tilespmem:s17+$0xD000]  }
0x4c2: {  	v5 =	vmul.f32 v8, v5  }
0x4c3: {  	v8 =	vmul.f32 v12, v4;
	v6 =	vmul.f32 v9, v6  }
0x4c4: {  	[tilespmem:s8+$0x15000] =	vst v11;
	v5 =	vmul.f32 v5, v4;
	v7 =	vmul.f32 v10, v7  }
0x4c5: {  	[tilespmem:s6+$0x15000] =	vst v8;
	v6 =	vmul.f32 v6, v4;
	v8 =	vmul.f32 v14, v13  }
0x4c6: {  	p0 =	por $0x0, $0x0;
	s6 =	simm.s32 $0x1;
	[tilespmem:s15+$0x15000] =	vst v5;
	v5 =	vmul.f32 v7, v4;
	v7 =	vmul.f32 v16, v15  }
0x4c7: {  	s6 =	simm.s32 @!p0 $0x0;
	[tilespmem:s16+$0x15000] =	vst v6;
	v6 =	vmul.f32 v8, v4  }
0x4c8: {  	s6 =	sshll.u32 s6, $0x6;
	[tilespmem:s19+$0x15000] =	vst v5;
	v4 =	vmul.f32 v7, v4  }
0x4c9: {  	s24 =	sadd.s32 $0x0, s6;
	[tilespmem:s18+$0x15000] =	vst v6  }
0x4ca: {  	s22 =	sor.u32 $0x2330, s24;
	[tilespmem:s17+$0x15000] =	vst v4  }
0x4cb: {  	v6 =	vld [tilespmem:s22+$0x5000]  }
0x4cc: {  	s8 =	sor.u32 $0x2300, s24;
	v7 =	vld [tilespmem:s22+$0xD000]  }
0x4cd: {  	v9 =	vld [tilespmem:s8+$0x5000]  }
0x4ce: {  	p0 =	por !p0, !p0;
	s6 =	sor.u32 $0x2310, s24;
	s16 =	simm.s32 $0x1;
	v10 =	vld [tilespmem:s8+$0xD000]  }
0x4cf: {  	s16 =	simm.s32 @!p0 $0x0;
	v12 =	vld [tilespmem:s6+$0x5000]  }
0x4d0: {  	s15 =	sor.u32 $0x2320, s24;
	s16 =	sshll.u32 s16, $0x6;
	v13 =	vld [tilespmem:s6+$0xD000]  }
0x4d1: {  	s25 =	sadd.s32 $0x200, s16;
	v5 =	vld [tilespmem:s15+$0x5000]  }
0x4d2: {  	v4 =	vbroadcast v3, $0xE;
	s16 =	sor.u32 $0x2330, s25;
	v8 =	vld [tilespmem:s15+$0xD000];
	v7 =	vmul.f32 v7, v6  }
0x4d3: {  	v6 =	vld [tilespmem:s16+$0x5000]  }
0x4d4: {  	s19 =	sor.u32 $0x2300, s25;
	v10 =	vmul.f32 v10, v9;
	v9 =	vld [tilespmem:s16+$0xD000];
	v14 =	vmul.f32 v7, v4  }
0x4d5: {  	s20 =	simm.s32 $0x4;
	s21 =	simm.s32 $0x200;
	v7 =	vld [tilespmem:s19+$0x5000]  }
0x4d6: {  	p0 =	por !p0, !p0;
	s18 =	sor.u32 $0x2310, s25;
	s17 =	sor.u32 $0x2320, s25;
	v12 =	vmul.f32 v13, v12;
	v11 =	vmul.f32 v10, v4;
	v10 =	vld [tilespmem:s19+$0xD000];
	[tilespmem:s22+$0x15000] =	vst v14  }
.LBB2_65:
0x4d7: {  	s22 =	simm.s32 $0x1  }
0x4d8: {  	s22 =	simm.s32 @!p0 $0x0  }
0x4d9: {  	v13 =	vld [tilespmem:s18+$0x5000];
	[tilespmem:s8+$0x15000] =	vst v11;
	v11 =	vmul.f32 v12, v4;
	v8 =	vmul.f32 v8, v5;
	s8 =	smov.u32 s19;
	s21 =	sadd.s32 $0x200, s21;
	s19 =	sshll.u32 s22, $0x6  }
0x4da: {  	s20 =	sadd.s32 $0x4, s20;
	v12 =	vld [tilespmem:s18+$0xD000];
	s22 =	sadd.s32 s19, s21  }
0x4db: {  	p1 =	slt.u32 s20, $0x3C;
	v9 =	vmul.f32 v9, v6;
	v5 =	vld [tilespmem:s17+$0x5000];
	[tilespmem:s6+$0x15000] =	vst v11;
	v11 =	vmul.f32 v8, v4;
	s6 =	smov.u32 s18;
	s19 =	sor.u32 $0x2300, s22  }
.Ltmp31:
0x4dc: {  	s18 =	sor.u32 $0x2310, s22;
	s23 =	sor.u32 $0x2330, s22;
	v8 =	vld [tilespmem:s17+$0xD000];
	(pc) =	sbr.rel @p1 .LBB2_65-.Ltmp31, $4  }
0x4dd: {  	v10 =	vmul.f32 v10, v7;
	v14 =	vmul.f32 v9, v4;
	v6 =	vld [tilespmem:s23+$0x5000];
	[tilespmem:s15+$0x15000] =	vst v11;
	s15 =	smov.u32 s17;
	s17 =	sor.u32 $0x2320, s22  }
0x4de: {  	v9 =	vld [tilespmem:s23+$0xD000]  }
0x4df: {  	v11 =	vmul.f32 v10, v4;
	v7 =	vld [tilespmem:s19+$0x5000];
	v12 =	vmul.f32 v12, v13;
	[tilespmem:s16+$0x15000] =	vst v14;
	s16 =	smov.u32 s23  }
0x4e0: {  	p0 =	por !p0, !p0;
	v10 =	vld [tilespmem:s19+$0xD000]  }
0x4e1: {  	v13 =	vld [tilespmem:s18+$0x5000]  }
0x4e2: {  	v14 =	vld [tilespmem:s18+$0xD000]  }
0x4e3: {  	v15 =	vld [tilespmem:s17+$0x5000]  }
0x4e4: {  	v16 =	vld [tilespmem:s17+$0xD000]  }
0x4e5: {  	v5 =	vmul.f32 v8, v5  }
0x4e6: {  	v8 =	vmul.f32 v12, v4;
	v6 =	vmul.f32 v9, v6  }
0x4e7: {  	[tilespmem:s8+$0x15000] =	vst v11;
	v5 =	vmul.f32 v5, v4;
	v7 =	vmul.f32 v10, v7  }
0x4e8: {  	[tilespmem:s6+$0x15000] =	vst v8;
	v6 =	vmul.f32 v6, v4;
	v8 =	vmul.f32 v14, v13  }
0x4e9: {  	[tilespmem:s15+$0x15000] =	vst v5;
	v5 =	vmul.f32 v7, v4;
	v7 =	vmul.f32 v16, v15  }
0x4ea: {  	[tilespmem:s16+$0x15000] =	vst v6;
	v6 =	vmul.f32 v8, v4  }
0x4eb: {  	s21 =	simm.s32 $0x0;
	[tilespmem:s19+$0x15000] =	vst v5;
	v4 =	vmul.f32 v7, v4  }
0x4ec: {  	s22 =	sor.u32 s21, s21;
	[tilespmem:s18+$0x15000] =	vst v6  }
0x4ed: {  	s23 =	sor.u32 $0x23B0, s22;
	[tilespmem:s17+$0x15000] =	vst v4  }
0x4ee: {  	v4 =	vld [tilespmem:s23+$0x5000]  }
0x4ef: {  	s20 =	sor.u32 $0x2380, s22;
	v5 =	vld [tilespmem:s23+$0xD000]  }
0x4f0: {  	v6 =	vld [tilespmem:s20+$0x5000]  }
0x4f1: {  	s6 =	sor.u32 $0x2390, s22;
	v7 =	vld [tilespmem:s20+$0xD000]  }
0x4f2: {  	v8 =	vld [tilespmem:s6+$0x5000]  }
0x4f3: {  	s24 =	simm.s32 $0x200;
	s25 =	simm.s32 $0x40;
	s8 =	sor.u32 $0x23A0, s22;
	v9 =	vld [tilespmem:s6+$0xD000]  }
0x4f4: {  	s21 =	sor.u32 s25, s24;
	v11 =	vld [tilespmem:s8+$0x5000]  }
0x4f5: {  	s15 =	sor.u32 $0x23B0, s21;
	v62 =	vld [tilespmem:s8+$0xD000]  }
0x4f6: {  	v3 =	vbroadcast v3, $0xF;
	v4 =	vmul.f32 v5, v4;
	v5 =	vld [tilespmem:s15+$0x5000]  }
0x4f7: {  	s16 =	sor.u32 $0x2380, s21;
	v6 =	vmul.f32 v7, v6;
	v7 =	vld [tilespmem:s15+$0xD000]  }
0x4f8: {  	v9 =	vmul.f32 v9, v8;
	v8 =	vld [tilespmem:s16+$0xD000];
	v10 =	vmul.f32 v4, v3  }
0x4f9: {  	s18 =	sor.u32 $0x2390, s21;
	v4 =	vld [tilespmem:s16+$0x5000];
	v63 =	vmul.f32 v6, v3  }
0x4fa: {  	s19 =	simm.s32 $0x4;
	v11 =	vmul.f32 v62, v11;
	v6 =	vld [tilespmem:s18+$0x5000];
	[tilespmem:s23+$0x15000] =	vst v10;
	v10 =	vmul.f32 v9, v3  }
0x4fb: {  	s17 =	sor.u32 $0x23A0, s21;
	s21 =	simm.s32 $0x80;
	[tilespmem:s20+$0x15000] =	vst v63;
	v9 =	vld [tilespmem:s18+$0xD000];
	s20 =	simm.s32 $0x400  }
.LBB2_67:
0x4fc: {  	s22 =	sor.u32 s21, s20;
	v12 =	vld [tilespmem:s17+$0x5000];
	v7 =	vmul.f32 v7, v5;
	[tilespmem:s6+$0x15000] =	vst v10;
	v10 =	vmul.f32 v11, v3;
	s6 =	smov.u32 s18  }
0x4fd: {  	s19 =	sadd.s32 $0x4, s19;
	s23 =	sor.u32 $0x2380, s22;
	s24 =	sor.u32 $0x23B0, s22;
	v11 =	vld [tilespmem:s17+$0xD000]  }
0x4fe: {  	s18 =	sor.u32 $0x2390, s22;
	s22 =	sor.u32 $0x23A0, s22;
	p0 =	slt.u32 s19, $0x3C;
	v5 =	vld [tilespmem:s24+$0x5000];
	v8 =	vmul.f32 v8, v4;
	v13 =	vmul.f32 v7, v3;
	[tilespmem:s8+$0x15000] =	vst v10  }
.Ltmp32:
0x4ff: {  	s8 =	smov.u32 s17;
	s17 =	smov.u32 s22;
	v7 =	vld [tilespmem:s24+$0xD000];
	(pc) =	sbr.rel @p0 .LBB2_67-.Ltmp32, $4  }
0x500: {  	v4 =	vld [tilespmem:s23+$0x5000];
	v10 =	vmul.f32 v8, v3;
	v9 =	vmul.f32 v9, v6;
	[tilespmem:s15+$0x15000] =	vst v13;
	s15 =	smov.u32 s24  }
0x501: {  	v8 =	vld [tilespmem:s23+$0xD000]  }
0x502: {  	v6 =	vld [tilespmem:s18+$0x5000];
	[tilespmem:s16+$0x15000] =	vst v10;
	v10 =	vmul.f32 v9, v3;
	v11 =	vmul.f32 v11, v12;
	s16 =	smov.u32 s23  }
0x503: {  	s20 =	sadd.s32 $0x200, s20;
	s21 =	sadd.s32 $0x40, s21;
	v9 =	vld [tilespmem:s18+$0xD000]  }
0x504: {  	v12 =	vld [tilespmem:s17+$0x5000]  }
0x505: {  	v13 =	vld [tilespmem:s17+$0xD000];
	_ =	sdelay $0x1  }
0x506: {  	v5 =	vmul.f32 v7, v5  }
0x507: {  	v61 =	vmul.f32 v11, v3;
	v4 =	vmul.f32 v8, v4  }
0x508: {  	[tilespmem:s6+$0x15000] =	vst v10;
	s13 =	sadd.s32 $0x1, s13;
	v5 =	vmul.f32 v5, v3;
	v6 =	vmul.f32 v9, v6  }
0x509: {  	p0 =	sne.s32 s13, $0x20;
	[tilespmem:s8+$0x15000] =	vst v61;
	v4 =	vmul.f32 v4, v3;
	v62 =	vmul.f32 v13, v12  }
.Ltmp33:
0x50a: {  	[tilespmem:s15+$0x15000] =	vst v5;
	v63 =	vmul.f32 v6, v3;
	(pc) =	sbr.rel @p0 .LBB2_4-.Ltmp33, $4  }
0x50b: {  	s24 =	sadd.s32 s4, s14;
	[tilespmem:s16+$0x15000] =	vst v4;
	v3 =	vmul.f32 v62, v3  }
0x50c: {  	s6 =	sshll.u32 s24, $0x7;
	[tilespmem:s18+$0x15000] =	vst v63  }
0x50d: {  	s25 =	simm.s32 $0x15000;
	s6 =	sadd.s32 s5, s6;
	[tilespmem:s17+$0x15000] =	vst v3  }
0x50e: {  	[hbm4b:s6+s3] =	stream.linear.scatter [tilespmem:s25], [sflag:$0x4], $0x4000, $0x38;
	[tilespmem:$0x19000] =	vst v63  }
0x50f: {  	_ =	swait.ge [sflag:s0], $0x4000  }
0x510: {  	[sflag:s0] =	ssyncset.done $0x0  }
0x511: {  	[sflag:s0] =	ssyncadd.s32 $0xFFFFC000  }
0x512: {  	_ =	swait.ge [sflag:s0], $0x4000  }
0x513: {  	[sflag:s0] =	ssyncset.done $0x0  }
0x514: {  	s6 =	simm.s32 $0x3;
	[sflag:s0] =	ssyncadd.s32 $0xFFFFC000  }
0x515: {  	_ =	swait.ge [sflag:s6], $0x4000  }
0x516: {  	[sflag:s6] =	ssyncset.done $0x0  }
0x517: {  	s8 =	simm.s32 $0x4;
	[sflag:s6] =	ssyncadd.s32 $0xFFFFC000  }
0x518: {  	_ =	swait.ge [sflag:s8], $0x4000  }
0x519: {  	s12 =	rddreg [dreg:$0x9]  }
0x51a: {  	s25 =	rddreg [dreg:$0x8];
	s12 =	sadd.s32 $0x1, s12  }
0x51b: {  	p0 =	sne.s32 s12, s25  }
.Ltmp34:
0x51c: {  	_ = 	snop;
	(pc) =	sbr.rel @p0 .LBB2_1-.Ltmp34, $3  }
0x51d: {  	_ =	sdelay $0x1  }
0x51e: {  	[sflag:s8] =	ssyncset.done $0x0  }
0x51f: {  	[sflag:s8] =	ssyncadd.s32 $0xFFFFC000  }
0x520: {  	_ =	sfence.sel $0x180000  }
0x521: {  	[bflag:$0x0] =	sbarrier.arrive $0xFFFF  }
0x522: {  	_ =	strace $0x90000047  }
0x523: {  	s0 =	stileid.u32;
	[bflag:$0x2] =	sbarrier.arrive $0xFFFF  }
0x524: {  	p0 =	sne.s32 s0, $0x0;
	s0 =	rddreg [dreg:$0x4]  }
0x525: {  	s0 =	sadd.s32 @!p0 $0x100000, s0  }
0x526: {  	[sflag:s0] =	ssyncadd.tile.s32 @!p0 $0x1;
	_ =	shalt  }
.Lfunc_end2:
_tile_overlayer_lowered:
.L_overlay_start_2:
0x527: {  	(tag) =	ssettag $0x2  }
0x528: {  	s0 =	rddreg [dreg:$0x0];
	s2 =	stileid.u32  }
0x529: {  	s1 =	rddreg [dreg:$0x1];
	p0 =	sne.s32 s2, $0x0  }
0x52a: {  	s3 =	rddreg [dreg:$0x2];
	[bflag:$0x3] =	sbarrier.arrive $0xFFFF;
	s2 =	simm.s32 @!p0 $0x1C05  }
0x52b: {  	[timem:s3], [sflag:s2] =	dma.local @!p0 [hbm:s0], s1  }
0x52c: {  	s0 =	simm.s32 @!p0 $0x5  }
0x52d: {  	_ =	swait.ge @!p0 [sflag:s0], s1  }
0x52e: {  	s1 =	ssub.s32 @!p0 $0x0, s1;
	[sflag:s0] =	ssyncset.done @!p0 $0x0  }
0x52f: {  	[sflag:s0] =	ssyncadd.s32 @!p0 s1  }
0x530: {  	[bflag:$0x3] =	sbarrier.arrive $0xFFFF  }
0x531: {  	_ =	shalt  }

// kernel: sparse-core-data-format-call.cloned.1.call-start
scs
called_computation_lowered:
.L_overlay_start_0:
0x0: {  	s2 =	sld [smem:$0x3FD9]  }
0x1: {  	s3 =	sld [smem:$0x3FFE];
	_ =	sdelay $0x1  }
0x2: {  	s1 =	srdreg.scid  }
0x3: {  	s0 =	sand.u32 $0x1, s1  }
0x4: {  	s18 =	sshll.u32 s0, $0xA;
	s2 =	sadd.s32 s3, s2  }
0x5: {  	s2 =	sadd.s32 s2, s18  }
0x6: {  	[smem:$0x3FC5] =	sst s2  }
0x7: {  	_ = 	snop  }
0x8: {  	s2 =	sld [smem:$0x3FD0];
	(tm) =	ssettm $0x1  }
0x9: {  	s19 =	sld [smem:$0x3FFB];
	_ =	sdelay $0x3  }
0xa: {  	_ =	strace s19  }
0xb: {  	s3 =	sld [smem:$0x3FFC];
	_ =	sdelay $0x3  }
0xc: {  	_ =	strace s3  }
0xd: {  	s3 =	sld [smem:$0x3FFD];
	_ =	sdelay $0x3  }
0xe: {  	_ =	strace s3  }
0xf: {  	_ =	strace $0x8FFFFFFF  }
0x10: {  	s20 =	sld [smem:$0x3FDB];
	_ =	sdelay $0x1  }
0x11: {  	s4 =	simm.s32 $_scs_section_size  }
0x12: {  	s5 =	simm.s32 $_size__tile_overlayer_lowered;
	s6 =	simm.s32 $_tile_overlayer_lowered  }
0x13: {  	s23 =	simm.s32 $0x1BFF;
	s22 =	sshll.u32 s6, $0x1;
	s3 =	sadd.s32 s4, s20  }
0x14: {  	s7 =	simm.s32 $0x0;
	s21 =	sshll.u32 s5, $0x1;
	s5 =	sadd.s32 s22, s3  }
0x15: {  	[timem:s7], [sflag:s23] =	dma.local [hbm:s5], s21  }
0x16: {  	_ =	swait.ge [sflag:s23], s21  }
0x17: {  	s4 =	ssub.s32 $0x0, s21;
	[sflag:s23] =	ssyncset.done $0x0  }
0x18: {  	[sflag:s23] =	ssyncadd.s32 s4;
	_ =	sdelay $0x1  }
0x19: {  	s24 =	simm.s32 $0x1B8B  }
0x1a: {  	_ =	swait.ge [sflag:s24], $0x1  }
0x1b: {  	[sflag:s24] =	ssyncset.done $0x0  }
0x1c: {  	s26 =	simm.s32 $0x1B8E;
	s25 =	sld [smem:$0x3FFE];
	[sflag:s24] =	ssyncadd.s32 $0xFFFFFFFF  }
0x1d: {  	s27 =	simm.s32 $execute0_lowered;
	[smem:$0x3FD2] =	sst s26  }
0x1e: {  	s5 =	sshll.u32 s27, $0x1;
	_ =	strace $0x80000049;
	[dreg:$0x1] =	wrdreg $0xFFFFFFFF  }
0x1f: {  	s28 =	simm.s32 $_size_execute0_lowered;
	s3 =	sadd.s32 s3, s5;
	[dreg:$0x0] =	wrdreg $0x0  }
0x20: {  	s5 =	sshll.u32 s28, $0x1;
	[dreg:$0x2] =	wrdreg s3  }
0x21: {  	[dreg:$0x3] =	wrdreg s5  }
0x22: {  	[dreg:$0x4] =	wrdreg $0xC0  }
0x23: {  	_ =	task [dreg:s7], $0x5FFFF  }
0x24: {  	[dreg:$0x1] =	wrdreg $0xFFFFFFFF  }
0x25: {  	[dreg:$0x0] =	wrdreg $0x60  }
0x26: {  	[dreg:$0x2] =	wrdreg s25  }
0x27: {  	[dreg:$0x3] =	wrdreg s2  }
0x28: {  	[dreg:$0x4] =	wrdreg $0x9  }
0x29: {  	_ =	task.clear_ibuf [dreg:s7], $0x5FFFF;
	_ =	strace $0x90000049  }
0x2a: {  	s29 =	simm.s32 $0x9;
	_ =	strace $0x8000004B  }
0x2b: {  	_ =	swait.ge [sflag:s29], $0x1  }
0x2c: {  	[sflag:s29] =	ssyncadd.s32 $0xFFFFFFFF  }
0x2d: {  	_ =	strace $0x9000004B  }
0x2e: {  	_ =	sfence  }
0x2f: {  	s30 =	sld [smem:$0x0];
	_ =	sdelay $0x2  }
0x30: {  	s31 =	sshll.u32 s1, $0xD;
	s1 =	sshrl.u32 s1, $0x2  }
0x31: {  	s3 =	sand.u32 $0x4000, s31;
	s1 =	sadd.s32 s1, s30  }
0x32: {  	s0 =	sor.u32 s3, s0;
	s1 =	sshll.u32 s1, $0x11  }
0x33: {  	s0 =	sor.u32 s1, s0  }
0x34: {  	s0 =	sadd.s32 $0x8F2B, s0  }
0x35: {  	[sflag:s0] =	ssyncadd.remote.s32 $0x1  }
0x36: {  	_ =	sfence.sel $0xFFFF  }
0x37: {  	[dreg:$0x0] =	wrdreg $0xFFFFFFFF;
	(pc) =	sbr.abs _section_cstart, $3  }
0x38: {  	[dreg:$0x1] =	wrdreg $0xFFFFFFFF  }
0x39: {  	_ =	task.clear_ibuf [dreg:s7], $0x2FFFF;
	_ =	strace $0x9FFFFFFF  }
0x3a: {  	(tm) =	ssettm $0x7FFFFFFF  }
0x3b: {  	_ =	shalt  }
tec
execute0_lowered:
.L_overlay_start_1:
0x0: {  	(tag) =	ssettag $0x1  }
0x1: {  	s0 =	srdreg.scid  }
0x2: {  	s1 =	sshll.u32 s0, $0x4  }
0x3: {  	s6 =	rddreg [dreg:$0x0];
	s0 =	stileid.u32;
	s1 =	sand.u32 $0x10, s1  }
0x4: {  	s3 =	rddreg [dreg:$0x1];
	s5 =	simm.s32 $0x1;
	s1 =	sor.u32 s0, s1  }
0x5: {  	s31 =	simm.s32 $0x2;
	s13 =	simm.s32 $0x0;
	s2 =	sshll.u32 s1, $0x7  }
0x6: {  	s8 =	simm.s32 $0x40000;
	s12 =	simm.s32 $0x0;
	s4 =	ssub.s32 $0x8000, s2  }
0x7: {  	s9 =	simm.s32 $0x0;
	s11 =	simm.s32 $0x0;
	s30 =	sand.u32 $0xF80, s4  }
.Ltmp0:
0x8: {  	s6 =	sadd.s32 $0x1A00, s6;
	p0 =	sne.s32 s30, $0x0;
	(pc) =	sbr.rel .LBB1_1-.Ltmp0, $4  }
0x9: {  	s1 =	rddreg [dreg:$0x2];
	s7 =	sshrl.u32 s4, $0xC;
	s5 =	simm.s32 @!p0 $0x0  }
0xa: {  	_ =	strace $0x8000004A;
	s4 =	simm.s32 $0x1;
	s5 =	sadd.s32 s5, s7  }
0xb: {  	s10 =	smov.u32 s2;
	[sflag:s4] =	ssyncpa.u1 $0x0;
	s5 =	sshll.u32 s5, $0x3  }
0xc: {  	[sflag:s31] =	ssyncpa.u1 $0x0;
	p0 =	por $0x0, $0x0;
	s7 =	sor.u32 $0x1, s5  }
.LBB1_4:
0xd: {  	v5 =	vld [tilespmem:s16+$0xFFFFFFD0]  }
0xe: {  	[tilespmem:s17+$0x2040 ss:$0x81] =	vst.msk $0xffff, v1;
	v58 =	vld [tilespmem:s16+$0xFFFFFFE0]  }
0xf: {  	[tilespmem:s17+$0x2850 ss:$0x81] =	vst.msk $0xffff, v2;
	v59 =	vld [tilespmem:s16+$0xFFFFFFF0]  }
0x10: {  	s18 =	sshra.s32 s18, $0x2;
	[tilespmem:s17+$0x3060 ss:$0x81] =	vst.msk $0xffff, v3;
	v60 =	vld [tilespmem:s16+$0x0]  }
0x11: {  	[tilespmem:s17+$0x0 ss:$0x81] =	vst.msk $0xffff, v0;
	v61 =	vld [tilespmem:s16+$0x10];
	s15 =	sadd.s32 s18, s15  }
0x12: {  	s26 =	sshll.u32 s13, $0xF;
	v62 =	vld [tilespmem:s16+$0x20];
	[tilespmem:s15+$0x3870 ss:$0x81] =	vst.msk $0xffff, v4  }
0x13: {  	s27 =	sand.u32 $0x78, s12;
	s19 =	sshll.u32 s12, $0x3;
	v63 =	vld [tilespmem:s16+$0xFFFFFFC0];
	s29 =	sshll.u32 s13, $0x7;
	[tilespmem:s15+$0x810 ss:$0x81] =	vst.msk $0xffff, v5  }
0x14: {  	s17 =	sand.u32 $0x1FC0000, s26;
	s28 =	sand.u32 $0x1FFFC00, s19;
	s19 =	sand.u32 $0x7C00, s19;
	[tilespmem:s15+$0x1020 ss:$0x81] =	vst.msk $0xffff, v58  }
0x15: {  	s13 =	sand.u32 $0x380, s29;
	s16 =	sadd.s32 s28, s17;
	s30 =	sor.u32 s27, s19;
	[tilespmem:s15+$0x1830 ss:$0x81] =	vst.msk $0xffff, v59  }
0x16: {  	s16 =	sand.u32 $0x1FF8000, s16;
	s13 =	sor.u32 s13, s30;
	[tilespmem:s15+$0x2040 ss:$0x81] =	vst.msk $0xffff, v60  }
0x17: {  	s31 =	sand.u32 $0x7, s12;
	s13 =	sor.u32 s16, s13;
	[tilespmem:s15+$0x2850 ss:$0x81] =	vst.msk $0xffff, v61  }
0x18: {  	s12 =	sshll.u32 s31, $0x12;
	[tilespmem:s15+$0x3060 ss:$0x81] =	vst.msk $0xffff, v62;
	s13 =	sshrl.u32 s13, $0x3  }
0x19: {  	s12 =	sor.u32 $0x400, s12;
	[tilespmem:s15+$0x0 ss:$0x81] =	vst.msk $0xffff, v63;
	s13 =	sadd.s32 s3, s13  }
0x1a: {  	[hbm4b:s13+s12] =	stream.strided.scatter [tilespmem:s14], [sflag:$0x2], $0x4000, s8, s12, $0x20;
	[tilespmem:$0x10100] =	vst v63  }
.LBB1_5:
0x1b: {  	s14 =	sadd.s32 $0x80, s9  }
0x1c: {  	s12 =	sadd.s32 $0x1000, s10;
	s16 =	smov.u32 s10;
	p2 =	sgt.s32 s14, $0x3FF  }
0x1d: {  	s16 =	smov.u32 @p2 s12  }
0x1e: {  	s14 =	simm.s32 @p2 $0x0;
	p2 =	sgt.s32 s16, $0x7FFF  }
0x1f: {  	s16 =	smov.u32 @p2 s2;
	p2 =	sne.s32 s11, s7  }
.Ltmp1:
0x20: {  	p1 =	slt.u32 s11, $0x2;
	(pc) =	sbr.rel @!p2 .LBB1_6-.Ltmp1, $4  }
0x21: {  	s15 =	simm.s32 @!p1 $0x2  }
0x22: {  	s13 =	smov.u32 s9;
	p0 =	por !p0, !p0;
	_ =	swait.ge @!p1 [sflag:s15], $0x4000  }
0x23: {  	s12 =	smov.u32 s10;
	[sflag:s15] =	ssyncset.done @!p1 $0x0;
	s9 =	smov.u32 s14  }
0x24: {  	s11 =	sadd.s32 $0x1, s11;
	[sflag:s15] =	ssyncadd.s32 @!p1 $0xFFFFC000;
	s10 =	smov.u32 s16  }
.LBB1_1:
0x25: {  	p1 =	sge.u32 s11, s5  }
0x26: {  	s31 =	sadd.s32 $0xFFFFFFFF, s11;
	s14 =	sshll.u32 @!p1 s10, $0xA  }
0x27: {  	s15 =	sshll.u32 @!p1 s9, $0x3;
	s16 =	sshll.u32 @!p1 s10, $0x7;
	s14 =	sand.u32 @!p1 $0x1FFE000, s14  }
0x28: {  	s17 =	sand.u32 @!p1 $0x78, s9;
	s14 =	sadd.s32 @!p1 s14, s15;
	s15 =	sand.u32 @!p1 $0x380, s16  }
0x29: {  	s16 =	sxor.u32 @!p1 $0xFFFFFFFF, s11;
	s14 =	sand.u32 @!p1 $0x1FFFC00, s14;
	s15 =	sor.u32 @!p1 s15, s17  }
0x2a: {  	s16 =	sshll.u32 @!p1 s16, $0xE;
	s14 =	sor.u32 @!p1 s14, s15;
	s15 =	sand.u32 @!p1 $0x7, s9  }
0x2b: {  	s17 =	simm.s32 @!p1 $0x2000;
	s14 =	sshrl.u32 @!p1 s14, $0x3;
	s15 =	sshll.u32 @!p1 s15, $0x12  }
0x2c: {  	s16 =	sand.u32 @!p1 $0x4000, s16;
	s14 =	sadd.s32 @!p1 s6, s14;
	s15 =	sor.u32 @!p1 $0x400, s15  }
0x2d: {  	[tilespmem:s16], [sflag:$0x1] =	stream.strided.gather @!p1 [hbm4b:s14+s15], $0x4000, s17, s15, $0x38;
	[tilespmem:$0x10100] =	vst v63  }
0x2e: {  	p1 =	sge.u32 s31, s5  }
.Ltmp2:
0x2f: {  	_ = 	snop;
	(pc) =	sbr.rel @p1 .LBB1_5-.Ltmp2, $1  }
0x30: {  	_ =	sdelay $0x3  }
0x31: {  	s14 =	simm.s32 $0x1  }
0x32: {  	_ =	swait.ge [sflag:s4], $0x4000;
	s14 =	simm.s32 @!p0 $0x0  }
0x33: {  	[sflag:s4] =	ssyncset.done $0x0;
	s15 =	sshll.u32 s14, $0xE  }
0x34: {  	[sflag:s4] =	ssyncadd.s32 $0xFFFFC000;
	s16 =	sor.u32 $0x40, s15  }
0x35: {  	s14 =	smul.u32 $0x10200, s14;
	v0 =	vld [tilespmem:s16+$0x30]  }
0x36: {  	v3 =	vld [tilespmem:s16+$0xFFFFFFD0]  }
0x37: {  	s14 =	sshrl.u32 s14, $0x2;
	v4 =	vld [tilespmem:s16+$0xFFFFFFE0]  }
0x38: {  	v5 =	vld [tilespmem:s16+$0xFFFFFFF0];
	s15 =	sor.u32 $0x8000, s14  }
0x39: {  	s31 =	sand.u32 $0x1, s11;
	v1 =	vld [tilespmem:s16+$0x0];
	s17 =	sadd.s32 $0x0, s15  }
0x3a: {  	v2 =	vld [tilespmem:s16+$0x10];
	s14 =	smul.u32 $0x10200, s31;
	[tilespmem:s17+$0x3870 ss:$0x81] =	vst.msk $0xffff, v0  }
0x3b: {  	[tilespmem:s17+$0x810 ss:$0x81] =	vst.msk $0xffff, v3;
	v3 =	vld [tilespmem:s16+$0x20]  }
0x3c: {  	s14 =	sshrl.u32 s14, $0x2;
	v0 =	vld [tilespmem:s16+$0xFFFFFFC0];
	[tilespmem:s17+$0x1020 ss:$0x81] =	vst.msk $0xffff, v4;
	s16 =	sadd.s32 $0x80, s16  }
0x3d: {  	s18 =	simm.s32 $0x4;
	s19 =	simm.s32 $0x8;
	s14 =	sor.u32 $0x8000, s14;
	[tilespmem:s17+$0x1830 ss:$0x81] =	vst.msk $0xffff, v5;
	v4 =	vld [tilespmem:s16+$0x30]  }
.LBB1_3:
0x3e: {  	p1 =	sne.s32 s19, $0x1FC;
	v5 =	vld [tilespmem:s16+$0xFFFFFFD0];
	[tilespmem:s17+$0x2040 ss:$0x81] =	vst.msk $0xffff, v1  }
0x3f: {  	v6 =	vld [tilespmem:s16+$0xFFFFFFE0];
	[tilespmem:s17+$0x2850 ss:$0x81] =	vst.msk $0xffff, v2  }
0x40: {  	s20 =	sshra.s32 s18, $0x2;
	s18 =	smov.u32 s19;
	v7 =	vld [tilespmem:s16+$0xFFFFFFF0];
	[tilespmem:s17+$0x3060 ss:$0x81] =	vst.msk $0xffff, v3  }
.Ltmp3:
0x41: {  	v1 =	vld [tilespmem:s16+$0x0];
	[tilespmem:s17+$0x0 ss:$0x81] =	vst.msk $0xffff, v0;
	s17 =	sadd.s32 s20, s15;
	(pc) =	sbr.rel @p1 .LBB1_3-.Ltmp3, $4  }
0x42: {  	v2 =	vld [tilespmem:s16+$0x10];
	[tilespmem:s17+$0x3870 ss:$0x81] =	vst.msk $0xffff, v4  }
0x43: {  	[tilespmem:s17+$0x810 ss:$0x81] =	vst.msk $0xffff, v5;
	v3 =	vld [tilespmem:s16+$0x20]  }
0x44: {  	v0 =	vld [tilespmem:s16+$0xFFFFFFC0];
	[tilespmem:s17+$0x1020 ss:$0x81] =	vst.msk $0xffff, v6;
	s16 =	sadd.s32 $0x80, s16  }
0x45: {  	s19 =	sadd.s32 $0x4, s19;
	v4 =	vld [tilespmem:s16+$0x30];
	[tilespmem:s17+$0x1830 ss:$0x81] =	vst.msk $0xffff, v7  }
.Ltmp4:
0x46: {  	_ = 	snop;
	(pc) =	sbr.rel .LBB1_4-.Ltmp4, $1  }
0x47: {  	_ =	sdelay $0x3  }
.LBB1_6:
0x48: {  	_ =	sfence.sel $0x180000  }
0x49: {  	s2 =	simm.s32 $0x1;
	[bflag:$0x0] =	sbarrier.arrive $0xFFFF  }
0x4a: {  	s31 =	simm.s32 $0x2;
	[sflag:s2] =	ssyncpa.u1 $0x1  }
0x4b: {  	[sflag:s31] =	ssyncpa.u1 $0x1  }
0x4c: {  	p0 =	sne.s32 s0, $0x0;
	_ =	strace $0x9000004A  }
0x4d: {  	s0 =	sadd.s32 @!p0 $0x100000, s1;
	[bflag:$0x2] =	sbarrier.arrive $0xFFFF  }
0x4e: {  	[sflag:s0] =	ssyncadd.tile.s32 @!p0 $0x1;
	_ =	shalt  }
.Lfunc_end1:
_tile_overlayer_lowered:
.L_overlay_start_2:
0x4f: {  	(tag) =	ssettag $0x2  }
0x50: {  	s0 =	rddreg [dreg:$0x0];
	s2 =	stileid.u32  }
0x51: {  	s1 =	rddreg [dreg:$0x1];
	p0 =	sne.s32 s2, $0x0  }
0x52: {  	s3 =	rddreg [dreg:$0x2];
	[bflag:$0x3] =	sbarrier.arrive $0xFFFF;
	s2 =	simm.s32 @!p0 $0x1C01  }
0x53: {  	[timem:s3], [sflag:s2] =	dma.local @!p0 [hbm:s0], s1  }
0x54: {  	s0 =	simm.s32 @!p0 $0x1  }
0x55: {  	_ =	swait.ge @!p0 [sflag:s0], s1  }
0x56: {  	s1 =	ssub.s32 @!p0 $0x0, s1;
	[sflag:s0] =	ssyncset.done @!p0 $0x0  }
0x57: {  	[sflag:s0] =	ssyncadd.s32 @!p0 s1  }
0x58: {  	[bflag:$0x3] =	sbarrier.arrive $0xFFFF  }
0x59: {  	_ =	shalt  }

</sc_bundles>
